<compile_context>
chip_gen: v7x
topology: tpu7x:2x2x1
jax: 0.10.2.dev20260603
libtpu: 0.0.44.dev20260713+nightly
codegen_flags: <defaults>
</compile_context>

<pallas_src>
import jax
import jax.numpy as jnp
from jax import lax
from jax.experimental import pallas as pl
from jax.experimental.pallas import tpu as pltpu
from jax.experimental.pallas import tpu_sc as plsc

N_FIELDS = 26
BATCH = 4096
VOCAB = 100000
EMBED_DIM = 32
LANES = 16
N_WORKERS = 32
N_FEATURES = N_FIELDS * EMBED_DIM
ROWS_PER_W = N_FEATURES // N_WORKERS


def _concat_embed_body(x_hbm, tbl_hbm, tail_hbm, out_hbm, x_vm, row_vm,
                       orow_vm, sem, semx, sem_w):
    wid = lax.axis_index("s") * 2 + lax.axis_index("c")
    c0 = wid * ROWS_PER_W

    def one_row(jj, carry):
        c = c0 + jj
        i = c // EMBED_DIM
        d = c % EMBED_DIM
        xcp = pltpu.async_copy(x_hbm.at[i], x_vm, semx)
        rcps = []
        for lo, n in ((0, 50048), (50048, 49920)):
            rcps.append(pltpu.async_copy(tbl_hbm.at[i, d, pl.ds(lo, n)],
                                         row_vm.at[pl.ds(lo, n)], sem))
        toff = pl.multiple_of(c * 128, 128)
        rcps.append(pltpu.async_copy(tail_hbm.at[pl.ds(toff, 128)],
                                     row_vm.at[pl.ds(99872, 128)], sem))
        @pl.when(jj > 0)
        def _():
            pltpu.make_async_copy(orow_vm, out_hbm.at[c], sem_w).wait()
        xcp.wait()
        for rcp in rcps:
            rcp.wait()
        for g in range(BATCH // LANES):
            sl = pl.ds(g * LANES, LANES)
            orow_vm[sl] = plsc.load_gather(row_vm, [x_vm[sl]])
        pltpu.async_copy(orow_vm, out_hbm.at[c], sem_w)
        return carry

    lax.fori_loop(0, ROWS_PER_W, one_row, 0)
    pltpu.make_async_copy(orow_vm, out_hbm.at[c0], sem_w).wait()


def kernel(x, tables):
    tbl_t = jnp.transpose(tables, (0, 2, 1))
    tail_t = jnp.transpose(tables[:, 99872:, :], (0, 2, 1)).reshape(
        N_FEATURES * 128)
    mesh = plsc.VectorSubcoreMesh(core_axis_name="c", subcore_axis_name="s")
    k = pl.kernel(
        _concat_embed_body,
        mesh=mesh,
        out_type=jax.ShapeDtypeStruct((N_FEATURES, BATCH), jnp.float32),
        scratch_types=[
            pltpu.VMEM((BATCH,), jnp.int32),
            pltpu.VMEM((VOCAB,), jnp.float32),
            pltpu.VMEM((BATCH,), jnp.float32),
            pltpu.SemaphoreType.DMA,
            pltpu.SemaphoreType.DMA,
            pltpu.SemaphoreType.DMA,
        ],
        compiler_params=pltpu.CompilerParams(needs_layout_passes=False),
    )
    out_t = k(x, tbl_t, tail_t)
    return jnp.transpose(out_t)

# --- scband reference (transcript-rebuilt; emitter-appended) ---
"""Pipeline reference for scband-concat-embeddings-54408645706029 (READ-ONLY COPY).

The authoritative reference and input builder live on the scoring server;
editing this copy changes nothing except your own understanding.
"""

import jax, jax.numpy as jnp
import numpy as np

N_FIELDS = 26
BATCH = 4096
VOCAB = 100000
EMBED_DIM = 32


def setup_inputs(seed: int = 0) -> dict:
    key = jax.random.key(seed)
    k1, k2 = jax.random.split(key)
    # x mirrors the torch forward arg: iterating over x yields one index vector per field
    x = jax.random.randint(k1, (N_FIELDS, BATCH), 0, VOCAB, dtype=jnp.int64 if jax.config.jax_enable_x64 else jnp.int32).astype(jnp.int32)
    # learned parameters: one embedding table per field, stacked for convenience
    tables = jax.random.normal(k2, (N_FIELDS, VOCAB, EMBED_DIM), dtype=jnp.float32) * 0.01
    return {"x": x, "tables": tables}


def reference(x, tables):
    # Faithful translation of ConcatEmbeddings.forward:
    #   res = [embedder(values) for embedder, values in zip(self.embedders, x)]
    #   return torch.cat(res, dim=1)
    n_fields = tables.shape[0]
    res = [jnp.take(tables[i], x[i], axis=0) for i in range(n_fields)]
    return jnp.concatenate(res, axis=1)

if __name__ == "__main__":
    import jax
    _d = setup_inputs()
    print(jax.jit(kernel)(*tuple(_d.values())))

</pallas_src>

<mosaic_0001>
#map = affine_map<(d0, d1) -> (0, 0)>
#map1 = affine_map<(d0, d1) -> (0, 0, 0)>
#map2 = affine_map<(d0, d1) -> (0)>
module attributes {stable_mosaic.version = 14 : i64} {
  func.func @_concat_embed_body(%arg0: i32, %arg1: i32, %arg2: memref<26x4096xi32, #tpu.memory_space<hbm>>, %arg3: memref<26x32x100000xf32, #tpu.memory_space<hbm>>, %arg4: memref<106496xf32, #tpu.memory_space<hbm>>, %arg5: memref<832x4096xf32, #tpu.memory_space<hbm>>, %arg6: memref<4096xi32, #tpu.memory_space<vmem>>, %arg7: memref<100000xf32, #tpu.memory_space<vmem>>, %arg8: memref<4096xf32, #tpu.memory_space<vmem>>, %arg9: memref<!tpu.dma_semaphore, #tpu.memory_space<semaphore_mem>>, %arg10: memref<!tpu.dma_semaphore, #tpu.memory_space<semaphore_mem>>, %arg11: memref<!tpu.dma_semaphore, #tpu.memory_space<semaphore_mem>>) attributes {dimension_semantics = [#tpu.dimension_semantics<core_parallel>, #tpu.dimension_semantics<subcore_parallel>], iteration_bounds = array<i64: 2, 16>, scalar_prefetch = 0 : i64, scratch_operands = 6 : i64, tpu.core_type = #tpu.core_type<sc_vector_subcore>, window_params = [{transform_indices = #map}, {transform_indices = #map1}, {transform_indices = #map2}, {transform_indices = #map}]} {
    %mul3A = arith.constant 2 : i32
    %mul3A_0 = arith.muli %arg1, %mul3A : i32
    %add3A = arith.addi %mul3A_0, %arg0 : i32
    %mul3A_1 = arith.constant 26 : i32
    %mul3A_2 = arith.muli %add3A, %mul3A_1 : i32
    %scan3A = arith.constant 0 : i32
    %scan3A_3 = arith.constant 0 : i32
    %scan3A_4 = arith.constant 26 : i32
    %scan3A_5 = arith.addi %scan3A_3, %scan3A_4 : i32
    %scan3A_6 = arith.constant 1 : i32
    scf.for %scan3A_13 = %scan3A_3 to %scan3A_5 step %scan3A_6  : i32 {
      %add3A_14 = arith.addi %mul3A_2, %scan3A_13 : i32
      %jit3A = arith.constant 32 : i32
      %div3A = arith.divsi %add3A_14, %jit3A : i32
      %sign3A = arith.constant 0 : i32
      %sign3A_15 = arith.cmpi sgt, %add3A_14, %sign3A : i32
      %sign3A_16 = arith.extui %sign3A_15 : i1 to i32
      %sign3A_17 = arith.constant 0 : i32
      %sign3A_18 = arith.cmpi slt, %add3A_14, %sign3A_17 : i32
      %sign3A_19 = arith.extui %sign3A_18 : i1 to i32
      %sign3A_20 = arith.subi %sign3A_16, %sign3A_19 : i32
      %sign3A_21 = arith.constant 0 : i32
      %sign3A_22 = arith.cmpi sgt, %jit3A, %sign3A_21 : i32
      %sign3A_23 = arith.extui %sign3A_22 : i1 to i32
      %sign3A_24 = arith.constant 0 : i32
      %sign3A_25 = arith.cmpi slt, %jit3A, %sign3A_24 : i32
      %sign3A_26 = arith.extui %sign3A_25 : i1 to i32
      %sign3A_27 = arith.subi %sign3A_23, %sign3A_26 : i32
      %ne3A = arith.cmpi ne, %sign3A_20, %sign3A_27 : i32
      %rem3A = arith.remsi %add3A_14, %jit3A : i32
      %ne3A_28 = arith.constant 0 : i32
      %ne3A_29 = arith.cmpi ne, %rem3A, %ne3A_28 : i32
      %and3A = arith.andi %ne3A, %ne3A_29 : i1
      %sub3A = arith.constant 1 : i32
      %sub3A_30 = arith.subi %div3A, %sub3A : i32
      %select_n3A = arith.select %and3A, %sub3A_30, %div3A : i32
      %jit3A_31 = arith.constant 32 : i32
      %eq3A = arith.constant 0 : i32
      %eq3A_32 = arith.cmpi eq, %jit3A_31, %eq3A : i32
      %jit3A_33 = arith.constant 1 : i32
      %select_n3A_34 = arith.select %eq3A_32, %jit3A_33, %jit3A_31 : i32
      %rem3A_35 = arith.remsi %add3A_14, %select_n3A_34 : i32
      %ne3A_36 = arith.constant 0 : i32
      %ne3A_37 = arith.cmpi ne, %rem3A_35, %ne3A_36 : i32
      %lt3A = arith.constant 0 : i32
      %lt3A_38 = arith.cmpi slt, %rem3A_35, %lt3A : i32
      %lt3A_39 = arith.constant 0 : i32
      %lt3A_40 = arith.cmpi slt, %select_n3A_34, %lt3A_39 : i32
      %ne3A_41 = arith.xori %lt3A_38, %lt3A_40 : i1
      %and3A_42 = arith.andi %ne3A_41, %ne3A_37 : i1
      %add3A_43 = arith.addi %rem3A_35, %select_n3A_34 : i32
      %select_n3A_44 = arith.select %and3A_42, %add3A_43, %rem3A_35 : i32
      %dma_start3A = arith.constant 0 : i32
      %dma_start3A_45 = tpu.memref_slice %arg2[%select_n3A, %dma_start3A] : memref<26x4096xi32, #tpu.memory_space<hbm>> -> memref<1x4096xi32, #tpu.memory_space<hbm>>
      %dma_start3A_46 = tpu.memref_squeeze %dma_start3A_45 : memref<1x4096xi32, #tpu.memory_space<hbm>> -> memref<4096xi32, #tpu.memory_space<hbm>>
      %dma_start3A_47 = arith.constant 0 : i32
      %dma_start3A_48 = tpu.memref_slice %arg2[%select_n3A, %dma_start3A_47] : memref<26x4096xi32, #tpu.memory_space<hbm>> -> memref<1x4096xi32, #tpu.memory_space<hbm>>
      %dma_start3A_49 = tpu.memref_squeeze %dma_start3A_48 : memref<1x4096xi32, #tpu.memory_space<hbm>> -> memref<4096xi32, #tpu.memory_space<hbm>>
      tpu.enqueue_dma source(%dma_start3A_49 : memref<4096xi32, #tpu.memory_space<hbm>>) target(%arg6 : memref<4096xi32, #tpu.memory_space<vmem>>) target_semaphore(%arg10 : memref<!tpu.dma_semaphore, #tpu.memory_space<semaphore_mem>>)
      %dma_start3A_50 = arith.constant 0 : i32
      %dma_start3A_51 = tpu.memref_slice %arg7[%dma_start3A_50] : memref<100000xf32, #tpu.memory_space<vmem>> -> memref<50048xf32, #tpu.memory_space<vmem>>
      %dma_start3A_52 = arith.constant 0 : i32
      %dma_start3A_53 = tpu.memref_slice %arg3[%select_n3A, %select_n3A_44, %dma_start3A_52] : memref<26x32x100000xf32, #tpu.memory_space<hbm>> -> memref<1x1x50048xf32, #tpu.memory_space<hbm>>
      %dma_start3A_54 = tpu.memref_squeeze %dma_start3A_53 : memref<1x1x50048xf32, #tpu.memory_space<hbm>> -> memref<50048xf32, #tpu.memory_space<hbm>>
      %dma_start3A_55 = arith.constant 0 : i32
      %dma_start3A_56 = tpu.memref_slice %arg7[%dma_start3A_55] : memref<100000xf32, #tpu.memory_space<vmem>> -> memref<50048xf32, #tpu.memory_space<vmem>>
      %dma_start3A_57 = arith.constant 0 : i32
      %dma_start3A_58 = tpu.memref_slice %arg3[%select_n3A, %select_n3A_44, %dma_start3A_57] : memref<26x32x100000xf32, #tpu.memory_space<hbm>> -> memref<1x1x50048xf32, #tpu.memory_space<hbm>>
      %dma_start3A_59 = tpu.memref_squeeze %dma_start3A_58 : memref<1x1x50048xf32, #tpu.memory_space<hbm>> -> memref<50048xf32, #tpu.memory_space<hbm>>
      tpu.enqueue_dma source(%dma_start3A_59 : memref<50048xf32, #tpu.memory_space<hbm>>) target(%dma_start3A_56 : memref<50048xf32, #tpu.memory_space<vmem>>) target_semaphore(%arg9 : memref<!tpu.dma_semaphore, #tpu.memory_space<semaphore_mem>>)
      %dma_start3A_60 = arith.constant 50048 : i32
      %dma_start3A_61 = tpu.memref_slice %arg7[%dma_start3A_60] : memref<100000xf32, #tpu.memory_space<vmem>> -> memref<49920xf32, #tpu.memory_space<vmem>>
      %dma_start3A_62 = arith.constant 50048 : i32
      %dma_start3A_63 = tpu.memref_slice %arg3[%select_n3A, %select_n3A_44, %dma_start3A_62] : memref<26x32x100000xf32, #tpu.memory_space<hbm>> -> memref<1x1x49920xf32, #tpu.memory_space<hbm>>
      %dma_start3A_64 = tpu.memref_squeeze %dma_start3A_63 : memref<1x1x49920xf32, #tpu.memory_space<hbm>> -> memref<49920xf32, #tpu.memory_space<hbm>>
      %dma_start3A_65 = arith.constant 50048 : i32
      %dma_start3A_66 = tpu.memref_slice %arg7[%dma_start3A_65] : memref<100000xf32, #tpu.memory_space<vmem>> -> memref<49920xf32, #tpu.memory_space<vmem>>
      %dma_start3A_67 = arith.constant 50048 : i32
      %dma_start3A_68 = tpu.memref_slice %arg3[%select_n3A, %select_n3A_44, %dma_start3A_67] : memref<26x32x100000xf32, #tpu.memory_space<hbm>> -> memref<1x1x49920xf32, #tpu.memory_space<hbm>>
      %dma_start3A_69 = tpu.memref_squeeze %dma_start3A_68 : memref<1x1x49920xf32, #tpu.memory_space<hbm>> -> memref<49920xf32, #tpu.memory_space<hbm>>
      tpu.enqueue_dma source(%dma_start3A_69 : memref<49920xf32, #tpu.memory_space<hbm>>) target(%dma_start3A_66 : memref<49920xf32, #tpu.memory_space<vmem>>) target_semaphore(%arg9 : memref<!tpu.dma_semaphore, #tpu.memory_space<semaphore_mem>>)
      %mul3A_70 = arith.constant 128 : i32
      %mul3A_71 = arith.muli %add3A_14, %mul3A_70 : i32
      %multiple_of3A = tpu.assume_multiple %mul3A_71, 128 : i32
      %dma_start3A_72 = arith.constant 99872 : i32
      %dma_start3A_73 = tpu.memref_slice %arg7[%dma_start3A_72] : memref<100000xf32, #tpu.memory_space<vmem>> -> memref<128xf32, #tpu.memory_space<vmem>>
      %dma_start3A_74 = tpu.memref_slice %arg4[%multiple_of3A] : memref<106496xf32, #tpu.memory_space<hbm>> -> memref<128xf32, #tpu.memory_space<hbm>>
      %dma_start3A_75 = arith.constant 99872 : i32
      %dma_start3A_76 = tpu.memref_slice %arg7[%dma_start3A_75] : memref<100000xf32, #tpu.memory_space<vmem>> -> memref<128xf32, #tpu.memory_space<vmem>>
      %dma_start3A_77 = tpu.memref_slice %arg4[%multiple_of3A] : memref<106496xf32, #tpu.memory_space<hbm>> -> memref<128xf32, #tpu.memory_space<hbm>>
      tpu.enqueue_dma source(%dma_start3A_77 : memref<128xf32, #tpu.memory_space<hbm>>) target(%dma_start3A_76 : memref<128xf32, #tpu.memory_space<vmem>>) target_semaphore(%arg9 : memref<!tpu.dma_semaphore, #tpu.memory_space<semaphore_mem>>)
      %gt3A = arith.constant 0 : i32
      %gt3A_78 = arith.cmpi sgt, %scan3A_13, %gt3A : i32
      %convert_element_type3A = arith.extui %gt3A_78 : i1 to i32
      %cond3A = arith.constant 0 : i32
      %cond3A_79 = arith.cmpi ne, %convert_element_type3A, %cond3A : i32
      scf.if %cond3A_79 {
        %dma_wait3A_1395 = arith.constant 0 : i32
        %dma_wait3A_1396 = tpu.memref_slice %arg5[%add3A_14, %dma_wait3A_1395] : memref<832x4096xf32, #tpu.memory_space<hbm>> -> memref<1x4096xf32, #tpu.memory_space<hbm>>
        %dma_wait3A_1397 = tpu.memref_squeeze %dma_wait3A_1396 : memref<1x4096xf32, #tpu.memory_space<hbm>> -> memref<4096xf32, #tpu.memory_space<hbm>>
        %dma_wait3A_1398 = arith.constant 0 : i32
        %dma_wait3A_1399 = tpu.memref_slice %arg5[%add3A_14, %dma_wait3A_1398] : memref<832x4096xf32, #tpu.memory_space<hbm>> -> memref<1x4096xf32, #tpu.memory_space<hbm>>
        %dma_wait3A_1400 = tpu.memref_squeeze %dma_wait3A_1399 : memref<1x4096xf32, #tpu.memory_space<hbm>> -> memref<4096xf32, #tpu.memory_space<hbm>>
        tpu.wait_dma2 semaphore(%arg11 : memref<!tpu.dma_semaphore, #tpu.memory_space<semaphore_mem>>) src(%arg8 : memref<4096xf32, #tpu.memory_space<vmem>>) dst(%dma_wait3A_1400 : memref<4096xf32, #tpu.memory_space<hbm>>)
      } else {
      }
      %dma_wait3A_80 = arith.constant 0 : i32
      %dma_wait3A_81 = tpu.memref_slice %arg2[%select_n3A, %dma_wait3A_80] : memref<26x4096xi32, #tpu.memory_space<hbm>> -> memref<1x4096xi32, #tpu.memory_space<hbm>>
      %dma_wait3A_82 = tpu.memref_squeeze %dma_wait3A_81 : memref<1x4096xi32, #tpu.memory_space<hbm>> -> memref<4096xi32, #tpu.memory_space<hbm>>
      %dma_wait3A_83 = arith.constant 0 : i32
      %dma_wait3A_84 = tpu.memref_slice %arg2[%select_n3A, %dma_wait3A_83] : memref<26x4096xi32, #tpu.memory_space<hbm>> -> memref<1x4096xi32, #tpu.memory_space<hbm>>
      %dma_wait3A_85 = tpu.memref_squeeze %dma_wait3A_84 : memref<1x4096xi32, #tpu.memory_space<hbm>> -> memref<4096xi32, #tpu.memory_space<hbm>>
      tpu.wait_dma2 semaphore(%arg10 : memref<!tpu.dma_semaphore, #tpu.memory_space<semaphore_mem>>) src(%dma_wait3A_85 : memref<4096xi32, #tpu.memory_space<hbm>>) dst(%arg6 : memref<4096xi32, #tpu.memory_space<vmem>>)
      %dma_wait3A_86 = arith.constant 0 : i32
      %dma_wait3A_87 = tpu.memref_slice %arg7[%dma_wait3A_86] : memref<100000xf32, #tpu.memory_space<vmem>> -> memref<50048xf32, #tpu.memory_space<vmem>>
      %dma_wait3A_88 = arith.constant 0 : i32
      %dma_wait3A_89 = tpu.memref_slice %arg3[%select_n3A, %select_n3A_44, %dma_wait3A_88] : memref<26x32x100000xf32, #tpu.memory_space<hbm>> -> memref<1x1x50048xf32, #tpu.memory_space<hbm>>
      %dma_wait3A_90 = tpu.memref_squeeze %dma_wait3A_89 : memref<1x1x50048xf32, #tpu.memory_space<hbm>> -> memref<50048xf32, #tpu.memory_space<hbm>>
      %dma_wait3A_91 = arith.constant 0 : i32
      %dma_wait3A_92 = tpu.memref_slice %arg7[%dma_wait3A_91] : memref<100000xf32, #tpu.memory_space<vmem>> -> memref<50048xf32, #tpu.memory_space<vmem>>
      %dma_wait3A_93 = arith.constant 0 : i32
      %dma_wait3A_94 = tpu.memref_slice %arg3[%select_n3A, %select_n3A_44, %dma_wait3A_93] : memref<26x32x100000xf32, #tpu.memory_space<hbm>> -> memref<1x1x50048xf32, #tpu.memory_space<hbm>>
      %dma_wait3A_95 = tpu.memref_squeeze %dma_wait3A_94 : memref<1x1x50048xf32, #tpu.memory_space<hbm>> -> memref<50048xf32, #tpu.memory_space<hbm>>
      tpu.wait_dma2 semaphore(%arg9 : memref<!tpu.dma_semaphore, #tpu.memory_space<semaphore_mem>>) src(%dma_wait3A_95 : memref<50048xf32, #tpu.memory_space<hbm>>) dst(%dma_wait3A_92 : memref<50048xf32, #tpu.memory_space<vmem>>)
      %dma_wait3A_96 = arith.constant 50048 : i32
      %dma_wait3A_97 = tpu.memref_slice %arg7[%dma_wait3A_96] : memref<100000xf32, #tpu.memory_space<vmem>> -> memref<49920xf32, #tpu.memory_space<vmem>>
      %dma_wait3A_98 = arith.constant 50048 : i32
      %dma_wait3A_99 = tpu.memref_slice %arg3[%select_n3A, %select_n3A_44, %dma_wait3A_98] : memref<26x32x100000xf32, #tpu.memory_space<hbm>> -> memref<1x1x49920xf32, #tpu.memory_space<hbm>>
      %dma_wait3A_100 = tpu.memref_squeeze %dma_wait3A_99 : memref<1x1x49920xf32, #tpu.memory_space<hbm>> -> memref<49920xf32, #tpu.memory_space<hbm>>
      %dma_wait3A_101 = arith.constant 50048 : i32
      %dma_wait3A_102 = tpu.memref_slice %arg7[%dma_wait3A_101] : memref<100000xf32, #tpu.memory_space<vmem>> -> memref<49920xf32, #tpu.memory_space<vmem>>
      %dma_wait3A_103 = arith.constant 50048 : i32
      %dma_wait3A_104 = tpu.memref_slice %arg3[%select_n3A, %select_n3A_44, %dma_wait3A_103] : memref<26x32x100000xf32, #tpu.memory_space<hbm>> -> memref<1x1x49920xf32, #tpu.memory_space<hbm>>
      %dma_wait3A_105 = tpu.memref_squeeze %dma_wait3A_104 : memref<1x1x49920xf32, #tpu.memory_space<hbm>> -> memref<49920xf32, #tpu.memory_space<hbm>>
      tpu.wait_dma2 semaphore(%arg9 : memref<!tpu.dma_semaphore, #tpu.memory_space<semaphore_mem>>) src(%dma_wait3A_105 : memref<49920xf32, #tpu.memory_space<hbm>>) dst(%dma_wait3A_102 : memref<49920xf32, #tpu.memory_space<vmem>>)
      %dma_wait3A_106 = arith.constant 99872 : i32
      %dma_wait3A_107 = tpu.memref_slice %arg7[%dma_wait3A_106] : memref<100000xf32, #tpu.memory_space<vmem>> -> memref<128xf32, #tpu.memory_space<vmem>>
      %dma_wait3A_108 = tpu.memref_slice %arg4[%multiple_of3A] : memref<106496xf32, #tpu.memory_space<hbm>> -> memref<128xf32, #tpu.memory_space<hbm>>
      %dma_wait3A_109 = arith.constant 99872 : i32
      %dma_wait3A_110 = tpu.memref_slice %arg7[%dma_wait3A_109] : memref<100000xf32, #tpu.memory_space<vmem>> -> memref<128xf32, #tpu.memory_space<vmem>>
      %dma_wait3A_111 = tpu.memref_slice %arg4[%multiple_of3A] : memref<106496xf32, #tpu.memory_space<hbm>> -> memref<128xf32, #tpu.memory_space<hbm>>
      tpu.wait_dma2 semaphore(%arg9 : memref<!tpu.dma_semaphore, #tpu.memory_space<semaphore_mem>>) src(%dma_wait3A_111 : memref<128xf32, #tpu.memory_space<hbm>>) dst(%dma_wait3A_110 : memref<128xf32, #tpu.memory_space<vmem>>)
      %get3A = arith.constant 0 : index
      %get3A_112 = tpu.vector_load %arg6[%get3A] {strides = array<i32>} : memref<4096xi32, #tpu.memory_space<vmem>>, vector<16xi32>,
      %gather3A = tpu.vector_load_idx %arg7[%get3A_112] : memref<100000xf32, #tpu.memory_space<vmem>>[vector<16xi32>], vector<16xf32>,
      %swap3A = arith.constant 0 : index
      %swap3A_113 = tpu.vector_load %arg8[%swap3A] {strides = array<i32>} : memref<4096xf32, #tpu.memory_space<vmem>>, vector<16xf32>,
      tpu.vector_store %arg8[%swap3A], %gather3A {strides = array<i32>} : memref<4096xf32, #tpu.memory_space<vmem>>, vector<16xf32>,
      %get3A_114 = arith.constant 16 : index
      %get3A_115 = tpu.vector_load %arg6[%get3A_114] {strides = array<i32>} : memref<4096xi32, #tpu.memory_space<vmem>>, vector<16xi32>,
      %gather3A_116 = tpu.vector_load_idx %arg7[%get3A_115] : memref<100000xf32, #tpu.memory_space<vmem>>[vector<16xi32>], vector<16xf32>,
      %swap3A_117 = arith.constant 16 : index
      %swap3A_118 = tpu.vector_load %arg8[%swap3A_117] {strides = array<i32>} : memref<4096xf32, #tpu.memory_space<vmem>>, vector<16xf32>,
      tpu.vector_store %arg8[%swap3A_117], %gather3A_116 {strides = array<i32>} : memref<4096xf32, #tpu.memory_space<vmem>>, vector<16xf32>,
      %get3A_119 = arith.constant 32 : index
      %get3A_120 = tpu.vector_load %arg6[%get3A_119] {strides = array<i32>} : memref<4096xi32, #tpu.memory_space<vmem>>, vector<16xi32>,
      %gather3A_121 = tpu.vector_load_idx %arg7[%get3A_120] : memref<100000xf32, #tpu.memory_space<vmem>>[vector<16xi32>], vector<16xf32>,
      %swap3A_122 = arith.constant 32 : index
      %swap3A_123 = tpu.vector_load %arg8[%swap3A_122] {strides = array<i32>} : memref<4096xf32, #tpu.memory_space<vmem>>, vector<16xf32>,
      tpu.vector_store %arg8[%swap3A_122], %gather3A_121 {strides = array<i32>} : memref<4096xf32, #tpu.memory_space<vmem>>, vector<16xf32>,
      %get3A_124 = arith.constant 48 : index
      %get3A_125 = tpu.vector_load %arg6[%get3A_124] {strides = array<i32>} : memref<4096xi32, #tpu.memory_space<vmem>>, vector<16xi32>,
      %gather3A_126 = tpu.vector_load_idx %arg7[%get3A_125] : memref<100000xf32, #tpu.memory_space<vmem>>[vector<16xi32>], vector<16xf32>,
      %swap3A_127 = arith.constant 48 : index
      %swap3A_128 = tpu.vector_load %arg8[%swap3A_127] {strides = array<i32>} : memref<4096xf32, #tpu.memory_space<vmem>>, vector<16xf32>,
      tpu.vector_store %arg8[%swap3A_127], %gather3A_126 {strides = array<i32>} : memref<4096xf32, #tpu.memory_space<vmem>>, vector<16xf32>,
      %get3A_129 = arith.constant 64 : index
      %get3A_130 = tpu.vector_load %arg6[%get3A_129] {strides = array<i32>} : memref<4096xi32, #tpu.memory_space<vmem>>, vector<16xi32>,
      %gather3A_131 = tpu.vector_load_idx %arg7[%get3A_130] : memref<100000xf32, #tpu.memory_space<vmem>>[vector<16xi32>], vector<16xf32>,
      %swap3A_132 = arith.constant 64 : index
      %swap3A_133 = tpu.vector_load %arg8[%swap3A_132] {strides = array<i32>} : memref<4096xf32, #tpu.memory_space<vmem>>, vector<16xf32>,
      tpu.vector_store %arg8[%swap3A_132], %gather3A_131 {strides = array<i32>} : memref<4096xf32, #tpu.memory_space<vmem>>, vector<16xf32>,
      %get3A_134 = arith.constant 80 : index
      %get3A_135 = tpu.vector_load %arg6[%get3A_134] {strides = array<i32>} : memref<4096xi32, #tpu.memory_space<vmem>>, vector<16xi32>,
      %gather3A_136 = tpu.vector_load_idx %arg7[%get3A_135] : memref<100000xf32, #tpu.memory_space<vmem>>[vector<16xi32>], vector<16xf32>,
      %swap3A_137 = arith.constant 80 : index
      %swap3A_138 = tpu.vector_load %arg8[%swap3A_137] {strides = array<i32>} : memref<4096xf32, #tpu.memory_space<vmem>>, vector<16xf32>,
      tpu.vector_store %arg8[%swap3A_137], %gather3A_136 {strides = array<i32>} : memref<4096xf32, #tpu.memory_space<vmem>>, vector<16xf32>,
      %get3A_139 = arith.constant 96 : index
      %get3A_140 = tpu.vector_load %arg6[%get3A_139] {strides = array<i32>} : memref<4096xi32, #tpu.memory_space<vmem>>, vector<16xi32>,
      %gather3A_141 = tpu.vector_load_idx %arg7[%get3A_140] : memref<100000xf32, #tpu.memory_space<vmem>>[vector<16xi32>], vector<16xf32>,
      %swap3A_142 = arith.constant 96 : index
      %swap3A_143 = tpu.vector_load %arg8[%swap3A_142] {strides = array<i32>} : memref<4096xf32, #tpu.memory_space<vmem>>, vector<16xf32>,
      tpu.vector_store %arg8[%swap3A_142], %gather3A_141 {strides = array<i32>} : memref<4096xf32, #tpu.memory_space<vmem>>, vector<16xf32>,
      %get3A_144 = arith.constant 112 : index
      %get3A_145 = tpu.vector_load %arg6[%get3A_144] {strides = array<i32>} : memref<4096xi32, #tpu.memory_space<vmem>>, vector<16xi32>,
      %gather3A_146 = tpu.vector_load_idx %arg7[%get3A_145] : memref<100000xf32, #tpu.memory_space<vmem>>[vector<16xi32>], vector<16xf32>,
      %swap3A_147 = arith.constant 112 : index
      %swap3A_148 = tpu.vector_load %arg8[%swap3A_147] {strides = array<i32>} : memref<4096xf32, #tpu.memory_space<vmem>>, vector<16xf32>,
      tpu.vector_store %arg8[%swap3A_147], %gather3A_146 {strides = array<i32>} : memref<4096xf32, #tpu.memory_space<vmem>>, vector<16xf32>,
      %get3A_149 = arith.constant 128 : index
      %get3A_150 = tpu.vector_load %arg6[%get3A_149] {strides = array<i32>} : memref<4096xi32, #tpu.memory_space<vmem>>, vector<16xi32>,
      %gather3A_151 = tpu.vector_load_idx %arg7[%get3A_150] : memref<100000xf32, #tpu.memory_space<vmem>>[vector<16xi32>], vector<16xf32>,
      %swap3A_152 = arith.constant 128 : index
      %swap3A_153 = tpu.vector_load %arg8[%swap3A_152] {strides = array<i32>} : memref<4096xf32, #tpu.memory_space<vmem>>, vector<16xf32>,
      tpu.vector_store %arg8[%swap3A_152], %gather3A_151 {strides = array<i32>} : memref<4096xf32, #tpu.memory_space<vmem>>, vector<16xf32>,
      %get3A_154 = arith.constant 144 : index
      %get3A_155 = tpu.vector_load %arg6[%get3A_154] {strides = array<i32>} : memref<4096xi32, #tpu.memory_space<vmem>>, vector<16xi32>,
      %gather3A_156 = tpu.vector_load_idx %arg7[%get3A_155] : memref<100000xf32, #tpu.memory_space<vmem>>[vector<16xi32>], vector<16xf32>,
      %swap3A_157 = arith.constant 144 : index
      %swap3A_158 = tpu.vector_load %arg8[%swap3A_157] {strides = array<i32>} : memref<4096xf32, #tpu.memory_space<vmem>>, vector<16xf32>,
      tpu.vector_store %arg8[%swap3A_157], %gather3A_156 {strides = array<i32>} : memref<4096xf32, #tpu.memory_space<vmem>>, vector<16xf32>,
      %get3A_159 = arith.constant 160 : index
      %get3A_160 = tpu.vector_load %arg6[%get3A_159] {strides = array<i32>} : memref<4096xi32, #tpu.memory_space<vmem>>, vector<16xi32>,
      %gather3A_161 = tpu.vector_load_idx %arg7[%get3A_160] : memref<100000xf32, #tpu.memory_space<vmem>>[vector<16xi32>], vector<16xf32>,
      %swap3A_162 = arith.constant 160 : index
      %swap3A_163 = tpu.vector_load %arg8[%swap3A_162] {strides = array<i32>} : memref<4096xf32, #tpu.memory_space<vmem>>, vector<16xf32>,
      tpu.vector_store %arg8[%swap3A_162], %gather3A_161 {strides = array<i32>} : memref<4096xf32, #tpu.memory_space<vmem>>, vector<16xf32>,
      %get3A_164 = arith.constant 176 : index
      %get3A_165 = tpu.vector_load %arg6[%get3A_164] {strides = array<i32>} : memref<4096xi32, #tpu.memory_space<vmem>>, vector<16xi32>,
      %gather3A_166 = tpu.vector_load_idx %arg7[%get3A_165] : memref<100000xf32, #tpu.memory_space<vmem>>[vector<16xi32>], vector<16xf32>,
      %swap3A_167 = arith.constant 176 : index
      %swap3A_168 = tpu.vector_load %arg8[%swap3A_167] {strides = array<i32>} : memref<4096xf32, #tpu.memory_space<vmem>>, vector<16xf32>,
      tpu.vector_store %arg8[%swap3A_167], %gather3A_166 {strides = array<i32>} : memref<4096xf32, #tpu.memory_space<vmem>>, vector<16xf32>,
      %get3A_169 = arith.constant 192 : index
      %get3A_170 = tpu.vector_load %arg6[%get3A_169] {strides = array<i32>} : memref<4096xi32, #tpu.memory_space<vmem>>, vector<16xi32>,
      %gather3A_171 = tpu.vector_load_idx %arg7[%get3A_170] : memref<100000xf32, #tpu.memory_space<vmem>>[vector<16xi32>], vector<16xf32>,
      %swap3A_172 = arith.constant 192 : index
      %swap3A_173 = tpu.vector_load %arg8[%swap3A_172] {strides = array<i32>} : memref<4096xf32, #tpu.memory_space<vmem>>, vector<16xf32>,
      tpu.vector_store %arg8[%swap3A_172], %gather3A_171 {strides = array<i32>} : memref<4096xf32, #tpu.memory_space<vmem>>, vector<16xf32>,
      %get3A_174 = arith.constant 208 : index
      %get3A_175 = tpu.vector_load %arg6[%get3A_174] {strides = array<i32>} : memref<4096xi32, #tpu.memory_space<vmem>>, vector<16xi32>,
      %gather3A_176 = tpu.vector_load_idx %arg7[%get3A_175] : memref<100000xf32, #tpu.memory_space<vmem>>[vector<16xi32>], vector<16xf32>,
      %swap3A_177 = arith.constant 208 : index
      %swap3A_178 = tpu.vector_load %arg8[%swap3A_177] {strides = array<i32>} : memref<4096xf32, #tpu.memory_space<vmem>>, vector<16xf32>,
      tpu.vector_store %arg8[%swap3A_177], %gather3A_176 {strides = array<i32>} : memref<4096xf32, #tpu.memory_space<vmem>>, vector<16xf32>,
      %get3A_179 = arith.constant 224 : index
      %get3A_180 = tpu.vector_load %arg6[%get3A_179] {strides = array<i32>} : memref<4096xi32, #tpu.memory_space<vmem>>, vector<16xi32>,
      %gather3A_181 = tpu.vector_load_idx %arg7[%get3A_180] : memref<100000xf32, #tpu.memory_space<vmem>>[vector<16xi32>], vector<16xf32>,
      %swap3A_182 = arith.constant 224 : index
      %swap3A_183 = tpu.vector_load %arg8[%swap3A_182] {strides = array<i32>} : memref<4096xf32, #tpu.memory_space<vmem>>, vector<16xf32>,
      tpu.vector_store %arg8[%swap3A_182], %gather3A_181 {strides = array<i32>} : memref<4096xf32, #tpu.memory_space<vmem>>, vector<16xf32>,
      %get3A_184 = arith.constant 240 : index
      %get3A_185 = tpu.vector_load %arg6[%get3A_184] {strides = array<i32>} : memref<4096xi32, #tpu.memory_space<vmem>>, vector<16xi32>,
      %gather3A_186 = tpu.vector_load_idx %arg7[%get3A_185] : memref<100000xf32, #tpu.memory_space<vmem>>[vector<16xi32>], vector<16xf32>,
      %swap3A_187 = arith.constant 240 : index
      %swap3A_188 = tpu.vector_load %arg8[%swap3A_187] {strides = array<i32>} : memref<4096xf32, #tpu.memory_space<vmem>>, vector<16xf32>,
      tpu.vector_store %arg8[%swap3A_187], %gather3A_186 {strides = array<i32>} : memref<4096xf32, #tpu.memory_space<vmem>>, vector<16xf32>,
      %get3A_189 = arith.constant 256 : index
      %get3A_190 = tpu.vector_load %arg6[%get3A_189] {strides = array<i32>} : memref<4096xi32, #tpu.memory_space<vmem>>, vector<16xi32>,
      %gather3A_191 = tpu.vector_load_idx %arg7[%get3A_190] : memref<100000xf32, #tpu.memory_space<vmem>>[vector<16xi32>], vector<16xf32>,
      %swap3A_192 = arith.constant 256 : index
      %swap3A_193 = tpu.vector_load %arg8[%swap3A_192] {strides = array<i32>} : memref<4096xf32, #tpu.memory_space<vmem>>, vector<16xf32>,
      tpu.vector_store %arg8[%swap3A_192], %gather3A_191 {strides = array<i32>} : memref<4096xf32, #tpu.memory_space<vmem>>, vector<16xf32>,
      %get3A_194 = arith.constant 272 : index
      %get3A_195 = tpu.vector_load %arg6[%get3A_194] {strides = array<i32>} : memref<4096xi32, #tpu.memory_space<vmem>>, vector<16xi32>,
      %gather3A_196 = tpu.vector_load_idx %arg7[%get3A_195] : memref<100000xf32, #tpu.memory_space<vmem>>[vector<16xi32>], vector<16xf32>,
      %swap3A_197 = arith.constant 272 : index
      %swap3A_198 = tpu.vector_load %arg8[%swap3A_197] {strides = array<i32>} : memref<4096xf32, #tpu.memory_space<vmem>>, vector<16xf32>,
      tpu.vector_store %arg8[%swap3A_197], %gather3A_196 {strides = array<i32>} : memref<4096xf32, #tpu.memory_space<vmem>>, vector<16xf32>,
      %get3A_199 = arith.constant 288 : index
      %get3A_200 = tpu.vector_load %arg6[%get3A_199] {strides = array<i32>} : memref<4096xi32, #tpu.memory_space<vmem>>, vector<16xi32>,
      %gather3A_201 = tpu.vector_load_idx %arg7[%get3A_200] : memref<100000xf32, #tpu.memory_space<vmem>>[vector<16xi32>], vector<16xf32>,
      %swap3A_202 = arith.constant 288 : index
      %swap3A_203 = tpu.vector_load %arg8[%swap3A_202] {strides = array<i32>} : memref<4096xf32, #tpu.memory_space<vmem>>, vector<16xf32>,
      tpu.vector_store %arg8[%swap3A_202], %gather3A_201 {strides = array<i32>} : memref<4096xf32, #tpu.memory_space<vmem>>, vector<16xf32>,
      %get3A_204 = arith.constant 304 : index
      %get3A_205 = tpu.vector_load %arg6[%get3A_204] {strides = array<i32>} : memref<4096xi32, #tpu.memory_space<vmem>>, vector<16xi32>,
      %gather3A_206 = tpu.vector_load_idx %arg7[%get3A_205] : memref<100000xf32, #tpu.memory_space<vmem>>[vector<16xi32>], vector<16xf32>,
      %swap3A_207 = arith.constant 304 : index
      %swap3A_208 = tpu.vector_load %arg8[%swap3A_207] {strides = array<i32>} : memref<4096xf32, #tpu.memory_space<vmem>>, vector<16xf32>,
      tpu.vector_store %arg8[%swap3A_207], %gather3A_206 {strides = array<i32>} : memref<4096xf32, #tpu.memory_space<vmem>>, vector<16xf32>,
      %get3A_209 = arith.constant 320 : index
      %get3A_210 = tpu.vector_load %arg6[%get3A_209] {strides = array<i32>} : memref<4096xi32, #tpu.memory_space<vmem>>, vector<16xi32>,
      %gather3A_211 = tpu.vector_load_idx %arg7[%get3A_210] : memref<100000xf32, #tpu.memory_space<vmem>>[vector<16xi32>], vector<16xf32>,
      %swap3A_212 = arith.constant 320 : index
      %swap3A_213 = tpu.vector_load %arg8[%swap3A_212] {strides = array<i32>} : memref<4096xf32, #tpu.memory_space<vmem>>, vector<16xf32>,
      tpu.vector_store %arg8[%swap3A_212], %gather3A_211 {strides = array<i32>} : memref<4096xf32, #tpu.memory_space<vmem>>, vector<16xf32>,
      %get3A_214 = arith.constant 336 : index
      %get3A_215 = tpu.vector_load %arg6[%get3A_214] {strides = array<i32>} : memref<4096xi32, #tpu.memory_space<vmem>>, vector<16xi32>,
      %gather3A_216 = tpu.vector_load_idx %arg7[%get3A_215] : memref<100000xf32, #tpu.memory_space<vmem>>[vector<16xi32>], vector<16xf32>,
      %swap3A_217 = arith.constant 336 : index
      %swap3A_218 = tpu.vector_load %arg8[%swap3A_217] {strides = array<i32>} : memref<4096xf32, #tpu.memory_space<vmem>>, vector<16xf32>,
      tpu.vector_store %arg8[%swap3A_217], %gather3A_216 {strides = array<i32>} : memref<4096xf32, #tpu.memory_space<vmem>>, vector<16xf32>,
      %get3A_219 = arith.constant 352 : index
      %get3A_220 = tpu.vector_load %arg6[%get3A_219] {strides = array<i32>} : memref<4096xi32, #tpu.memory_space<vmem>>, vector<16xi32>,
      %gather3A_221 = tpu.vector_load_idx %arg7[%get3A_220] : memref<100000xf32, #tpu.memory_space<vmem>>[vector<16xi32>], vector<16xf32>,
      %swap3A_222 = arith.constant 352 : index
      %swap3A_223 = tpu.vector_load %arg8[%swap3A_222] {strides = array<i32>} : memref<4096xf32, #tpu.memory_space<vmem>>, vector<16xf32>,
      tpu.vector_store %arg8[%swap3A_222], %gather3A_221 {strides = array<i32>} : memref<4096xf32, #tpu.memory_space<vmem>>, vector<16xf32>,
      %get3A_224 = arith.constant 368 : index
      %get3A_225 = tpu.vector_load %arg6[%get3A_224] {strides = array<i32>} : memref<4096xi32, #tpu.memory_space<vmem>>, vector<16xi32>,
      %gather3A_226 = tpu.vector_load_idx %arg7[%get3A_225] : memref<100000xf32, #tpu.memory_space<vmem>>[vector<16xi32>], vector<16xf32>,
      %swap3A_227 = arith.constant 368 : index
      %swap3A_228 = tpu.vector_load %arg8[%swap3A_227] {strides = array<i32>} : memref<4096xf32, #tpu.memory_space<vmem>>, vector<16xf32>,
      tpu.vector_store %arg8[%swap3A_227], %gather3A_226 {strides = array<i32>} : memref<4096xf32, #tpu.memory_space<vmem>>, vector<16xf32>,
      %get3A_229 = arith.constant 384 : index
      %get3A_230 = tpu.vector_load %arg6[%get3A_229] {strides = array<i32>} : memref<4096xi32, #tpu.memory_space<vmem>>, vector<16xi32>,
      %gather3A_231 = tpu.vector_load_idx %arg7[%get3A_230] : memref<100000xf32, #tpu.memory_space<vmem>>[vector<16xi32>], vector<16xf32>,
      %swap3A_232 = arith.constant 384 : index
      %swap3A_233 = tpu.vector_load %arg8[%swap3A_232] {strides = array<i32>} : memref<4096xf32, #tpu.memory_space<vmem>>, vector<16xf32>,
      tpu.vector_store %arg8[%swap3A_232], %gather3A_231 {strides = array<i32>} : memref<4096xf32, #tpu.memory_space<vmem>>, vector<16xf32>,
      %get3A_234 = arith.constant 400 : index
      %get3A_235 = tpu.vector_load %arg6[%get3A_234] {strides = array<i32>} : memref<4096xi32, #tpu.memory_space<vmem>>, vector<16xi32>,
      %gather3A_236 = tpu.vector_load_idx %arg7[%get3A_235] : memref<100000xf32, #tpu.memory_space<vmem>>[vector<16xi32>], vector<16xf32>,
      %swap3A_237 = arith.constant 400 : index
      %swap3A_238 = tpu.vector_load %arg8[%swap3A_237] {strides = array<i32>} : memref<4096xf32, #tpu.memory_space<vmem>>, vector<16xf32>,
      tpu.vector_store %arg8[%swap3A_237], %gather3A_236 {strides = array<i32>} : memref<4096xf32, #tpu.memory_space<vmem>>, vector<16xf32>,
      %get3A_239 = arith.constant 416 : index
      %get3A_240 = tpu.vector_load %arg6[%get3A_239] {strides = array<i32>} : memref<4096xi32, #tpu.memory_space<vmem>>, vector<16xi32>,
      %gather3A_241 = tpu.vector_load_idx %arg7[%get3A_240] : memref<100000xf32, #tpu.memory_space<vmem>>[vector<16xi32>], vector<16xf32>,
      %swap3A_242 = arith.constant 416 : index
      %swap3A_243 = tpu.vector_load %arg8[%swap3A_242] {strides = array<i32>} : memref<4096xf32, #tpu.memory_space<vmem>>, vector<16xf32>,
      tpu.vector_store %arg8[%swap3A_242], %gather3A_241 {strides = array<i32>} : memref<4096xf32, #tpu.memory_space<vmem>>, vector<16xf32>,
      %get3A_244 = arith.constant 432 : index
      %get3A_245 = tpu.vector_load %arg6[%get3A_244] {strides = array<i32>} : memref<4096xi32, #tpu.memory_space<vmem>>, vector<16xi32>,
      %gather3A_246 = tpu.vector_load_idx %arg7[%get3A_245] : memref<100000xf32, #tpu.memory_space<vmem>>[vector<16xi32>], vector<16xf32>,
      %swap3A_247 = arith.constant 432 : index
      %swap3A_248 = tpu.vector_load %arg8[%swap3A_247] {strides = array<i32>} : memref<4096xf32, #tpu.memory_space<vmem>>, vector<16xf32>,
      tpu.vector_store %arg8[%swap3A_247], %gather3A_246 {strides = array<i32>} : memref<4096xf32, #tpu.memory_space<vmem>>, vector<16xf32>,
      %get3A_249 = arith.constant 448 : index
      %get3A_250 = tpu.vector_load %arg6[%get3A_249] {strides = array<i32>} : memref<4096xi32, #tpu.memory_space<vmem>>, vector<16xi32>,
      %gather3A_251 = tpu.vector_load_idx %arg7[%get3A_250] : memref<100000xf32, #tpu.memory_space<vmem>>[vector<16xi32>], vector<16xf32>,
      %swap3A_252 = arith.constant 448 : index
      %swap3A_253 = tpu.vector_load %arg8[%swap3A_252] {strides = array<i32>} : memref<4096xf32, #tpu.memory_space<vmem>>, vector<16xf32>,
      tpu.vector_store %arg8[%swap3A_252], %gather3A_251 {strides = array<i32>} : memref<4096xf32, #tpu.memory_space<vmem>>, vector<16xf32>,
      %get3A_254 = arith.constant 464 : index
      %get3A_255 = tpu.vector_load %arg6[%get3A_254] {strides = array<i32>} : memref<4096xi32, #tpu.memory_space<vmem>>, vector<16xi32>,
      %gather3A_256 = tpu.vector_load_idx %arg7[%get3A_255] : memref<100000xf32, #tpu.memory_space<vmem>>[vector<16xi32>], vector<16xf32>,
      %swap3A_257 = arith.constant 464 : index
      %swap3A_258 = tpu.vector_load %arg8[%swap3A_257] {strides = array<i32>} : memref<4096xf32, #tpu.memory_space<vmem>>, vector<16xf32>,
      tpu.vector_store %arg8[%swap3A_257], %gather3A_256 {strides = array<i32>} : memref<4096xf32, #tpu.memory_space<vmem>>, vector<16xf32>,
      %get3A_259 = arith.constant 480 : index
      %get3A_260 = tpu.vector_load %arg6[%get3A_259] {strides = array<i32>} : memref<4096xi32, #tpu.memory_space<vmem>>, vector<16xi32>,
      %gather3A_261 = tpu.vector_load_idx %arg7[%get3A_260] : memref<100000xf32, #tpu.memory_space<vmem>>[vector<16xi32>], vector<16xf32>,
      %swap3A_262 = arith.constant 480 : index
      %swap3A_263 = tpu.vector_load %arg8[%swap3A_262] {strides = array<i32>} : memref<4096xf32, #tpu.memory_space<vmem>>, vector<16xf32>,
      tpu.vector_store %arg8[%swap3A_262], %gather3A_261 {strides = array<i32>} : memref<4096xf32, #tpu.memory_space<vmem>>, vector<16xf32>,
      %get3A_264 = arith.constant 496 : index
      %get3A_265 = tpu.vector_load %arg6[%get3A_264] {strides = array<i32>} : memref<4096xi32, #tpu.memory_space<vmem>>, vector<16xi32>,
      %gather3A_266 = tpu.vector_load_idx %arg7[%get3A_265] : memref<100000xf32, #tpu.memory_space<vmem>>[vector<16xi32>], vector<16xf32>,
      %swap3A_267 = arith.constant 496 : index
      %swap3A_268 = tpu.vector_load %arg8[%swap3A_267] {strides = array<i32>} : memref<4096xf32, #tpu.memory_space<vmem>>, vector<16xf32>,
      tpu.vector_store %arg8[%swap3A_267], %gather3A_266 {strides = array<i32>} : memref<4096xf32, #tpu.memory_space<vmem>>, vector<16xf32>,
      %get3A_269 = arith.constant 512 : index
      %get3A_270 = tpu.vector_load %arg6[%get3A_269] {strides = array<i32>} : memref<4096xi32, #tpu.memory_space<vmem>>, vector<16xi32>,
      %gather3A_271 = tpu.vector_load_idx %arg7[%get3A_270] : memref<100000xf32, #tpu.memory_space<vmem>>[vector<16xi32>], vector<16xf32>,
      %swap3A_272 = arith.constant 512 : index
      %swap3A_273 = tpu.vector_load %arg8[%swap3A_272] {strides = array<i32>} : memref<4096xf32, #tpu.memory_space<vmem>>, vector<16xf32>,
      tpu.vector_store %arg8[%swap3A_272], %gather3A_271 {strides = array<i32>} : memref<4096xf32, #tpu.memory_space<vmem>>, vector<16xf32>,
      %get3A_274 = arith.constant 528 : index
      %get3A_275 = tpu.vector_load %arg6[%get3A_274] {strides = array<i32>} : memref<4096xi32, #tpu.memory_space<vmem>>, vector<16xi32>,
      %gather3A_276 = tpu.vector_load_idx %arg7[%get3A_275] : memref<100000xf32, #tpu.memory_space<vmem>>[vector<16xi32>], vector<16xf32>,
      %swap3A_277 = arith.constant 528 : index
      %swap3A_278 = tpu.vector_load %arg8[%swap3A_277] {strides = array<i32>} : memref<4096xf32, #tpu.memory_space<vmem>>, vector<16xf32>,
      tpu.vector_store %arg8[%swap3A_277], %gather3A_276 {strides = array<i32>} : memref<4096xf32, #tpu.memory_space<vmem>>, vector<16xf32>,
      %get3A_279 = arith.constant 544 : index
      %get3A_280 = tpu.vector_load %arg6[%get3A_279] {strides = array<i32>} : memref<4096xi32, #tpu.memory_space<vmem>>, vector<16xi32>,
      %gather3A_281 = tpu.vector_load_idx %arg7[%get3A_280] : memref<100000xf32, #tpu.memory_space<vmem>>[vector<16xi32>], vector<16xf32>,
      %swap3A_282 = arith.constant 544 : index
      %swap3A_283 = tpu.vector_load %arg8[%swap3A_282] {strides = array<i32>} : memref<4096xf32, #tpu.memory_space<vmem>>, vector<16xf32>,
      tpu.vector_store %arg8[%swap3A_282], %gather3A_281 {strides = array<i32>} : memref<4096xf32, #tpu.memory_space<vmem>>, vector<16xf32>,
      %get3A_284 = arith.constant 560 : index
      %get3A_285 = tpu.vector_load %arg6[%get3A_284] {strides = array<i32>} : memref<4096xi32, #tpu.memory_space<vmem>>, vector<16xi32>,
      %gather3A_286 = tpu.vector_load_idx %arg7[%get3A_285] : memref<100000xf32, #tpu.memory_space<vmem>>[vector<16xi32>], vector<16xf32>,
      %swap3A_287 = arith.constant 560 : index
      %swap3A_288 = tpu.vector_load %arg8[%swap3A_287] {strides = array<i32>} : memref<4096xf32, #tpu.memory_space<vmem>>, vector<16xf32>,
      tpu.vector_store %arg8[%swap3A_287], %gather3A_286 {strides = array<i32>} : memref<4096xf32, #tpu.memory_space<vmem>>, vector<16xf32>,
      %get3A_289 = arith.constant 576 : index
      %get3A_290 = tpu.vector_load %arg6[%get3A_289] {strides = array<i32>} : memref<4096xi32, #tpu.memory_space<vmem>>, vector<16xi32>,
      %gather3A_291 = tpu.vector_load_idx %arg7[%get3A_290] : memref<100000xf32, #tpu.memory_space<vmem>>[vector<16xi32>], vector<16xf32>,
      %swap3A_292 = arith.constant 576 : index
      %swap3A_293 = tpu.vector_load %arg8[%swap3A_292] {strides = array<i32>} : memref<4096xf32, #tpu.memory_space<vmem>>, vector<16xf32>,
      tpu.vector_store %arg8[%swap3A_292], %gather3A_291 {strides = array<i32>} : memref<4096xf32, #tpu.memory_space<vmem>>, vector<16xf32>,
      %get3A_294 = arith.constant 592 : index
      %get3A_295 = tpu.vector_load %arg6[%get3A_294] {strides = array<i32>} : memref<4096xi32, #tpu.memory_space<vmem>>, vector<16xi32>,
      %gather3A_296 = tpu.vector_load_idx %arg7[%get3A_295] : memref<100000xf32, #tpu.memory_space<vmem>>[vector<16xi32>], vector<16xf32>,
      %swap3A_297 = arith.constant 592 : index
      %swap3A_298 = tpu.vector_load %arg8[%swap3A_297] {strides = array<i32>} : memref<4096xf32, #tpu.memory_space<vmem>>, vector<16xf32>,
      tpu.vector_store %arg8[%swap3A_297], %gather3A_296 {strides = array<i32>} : memref<4096xf32, #tpu.memory_space<vmem>>, vector<16xf32>,
      %get3A_299 = arith.constant 608 : index
      %get3A_300 = tpu.vector_load %arg6[%get3A_299] {strides = array<i32>} : memref<4096xi32, #tpu.memory_space<vmem>>, vector<16xi32>,
      %gather3A_301 = tpu.vector_load_idx %arg7[%get3A_300] : memref<100000xf32, #tpu.memory_space<vmem>>[vector<16xi32>], vector<16xf32>,
      %swap3A_302 = arith.constant 608 : index
      %swap3A_303 = tpu.vector_load %arg8[%swap3A_302] {strides = array<i32>} : memref<4096xf32, #tpu.memory_space<vmem>>, vector<16xf32>,
      tpu.vector_store %arg8[%swap3A_302], %gather3A_301 {strides = array<i32>} : memref<4096xf32, #tpu.memory_space<vmem>>, vector<16xf32>,
      %get3A_304 = arith.constant 624 : index
      %get3A_305 = tpu.vector_load %arg6[%get3A_304] {strides = array<i32>} : memref<4096xi32, #tpu.memory_space<vmem>>, vector<16xi32>,
      %gather3A_306 = tpu.vector_load_idx %arg7[%get3A_305] : memref<100000xf32, #tpu.memory_space<vmem>>[vector<16xi32>], vector<16xf32>,
      %swap3A_307 = arith.constant 624 : index
      %swap3A_308 = tpu.vector_load %arg8[%swap3A_307] {strides = array<i32>} : memref<4096xf32, #tpu.memory_space<vmem>>, vector<16xf32>,
      tpu.vector_store %arg8[%swap3A_307], %gather3A_306 {strides = array<i32>} : memref<4096xf32, #tpu.memory_space<vmem>>, vector<16xf32>,
      %get3A_309 = arith.constant 640 : index
      %get3A_310 = tpu.vector_load %arg6[%get3A_309] {strides = array<i32>} : memref<4096xi32, #tpu.memory_space<vmem>>, vector<16xi32>,
      %gather3A_311 = tpu.vector_load_idx %arg7[%get3A_310] : memref<100000xf32, #tpu.memory_space<vmem>>[vector<16xi32>], vector<16xf32>,
      %swap3A_312 = arith.constant 640 : index
      %swap3A_313 = tpu.vector_load %arg8[%swap3A_312] {strides = array<i32>} : memref<4096xf32, #tpu.memory_space<vmem>>, vector<16xf32>,
      tpu.vector_store %arg8[%swap3A_312], %gather3A_311 {strides = array<i32>} : memref<4096xf32, #tpu.memory_space<vmem>>, vector<16xf32>,
      %get3A_314 = arith.constant 656 : index
      %get3A_315 = tpu.vector_load %arg6[%get3A_314] {strides = array<i32>} : memref<4096xi32, #tpu.memory_space<vmem>>, vector<16xi32>,
      %gather3A_316 = tpu.vector_load_idx %arg7[%get3A_315] : memref<100000xf32, #tpu.memory_space<vmem>>[vector<16xi32>], vector<16xf32>,
      %swap3A_317 = arith.constant 656 : index
      %swap3A_318 = tpu.vector_load %arg8[%swap3A_317] {strides = array<i32>} : memref<4096xf32, #tpu.memory_space<vmem>>, vector<16xf32>,
      tpu.vector_store %arg8[%swap3A_317], %gather3A_316 {strides = array<i32>} : memref<4096xf32, #tpu.memory_space<vmem>>, vector<16xf32>,
      %get3A_319 = arith.constant 672 : index
      %get3A_320 = tpu.vector_load %arg6[%get3A_319] {strides = array<i32>} : memref<4096xi32, #tpu.memory_space<vmem>>, vector<16xi32>,
      %gather3A_321 = tpu.vector_load_idx %arg7[%get3A_320] : memref<100000xf32, #tpu.memory_space<vmem>>[vector<16xi32>], vector<16xf32>,
      %swap3A_322 = arith.constant 672 : index
      %swap3A_323 = tpu.vector_load %arg8[%swap3A_322] {strides = array<i32>} : memref<4096xf32, #tpu.memory_space<vmem>>, vector<16xf32>,
      tpu.vector_store %arg8[%swap3A_322], %gather3A_321 {strides = array<i32>} : memref<4096xf32, #tpu.memory_space<vmem>>, vector<16xf32>,
      %get3A_324 = arith.constant 688 : index
      %get3A_325 = tpu.vector_load %arg6[%get3A_324] {strides = array<i32>} : memref<4096xi32, #tpu.memory_space<vmem>>, vector<16xi32>,
      %gather3A_326 = tpu.vector_load_idx %arg7[%get3A_325] : memref<100000xf32, #tpu.memory_space<vmem>>[vector<16xi32>], vector<16xf32>,
      %swap3A_327 = arith.constant 688 : index
      %swap3A_328 = tpu.vector_load %arg8[%swap3A_327] {strides = array<i32>} : memref<4096xf32, #tpu.memory_space<vmem>>, vector<16xf32>,
      tpu.vector_store %arg8[%swap3A_327], %gather3A_326 {strides = array<i32>} : memref<4096xf32, #tpu.memory_space<vmem>>, vector<16xf32>,
      %get3A_329 = arith.constant 704 : index
      %get3A_330 = tpu.vector_load %arg6[%get3A_329] {strides = array<i32>} : memref<4096xi32, #tpu.memory_space<vmem>>, vector<16xi32>,
      %gather3A_331 = tpu.vector_load_idx %arg7[%get3A_330] : memref<100000xf32, #tpu.memory_space<vmem>>[vector<16xi32>], vector<16xf32>,
      %swap3A_332 = arith.constant 704 : index
      %swap3A_333 = tpu.vector_load %arg8[%swap3A_332] {strides = array<i32>} : memref<4096xf32, #tpu.memory_space<vmem>>, vector<16xf32>,
      tpu.vector_store %arg8[%swap3A_332], %gather3A_331 {strides = array<i32>} : memref<4096xf32, #tpu.memory_space<vmem>>, vector<16xf32>,
      %get3A_334 = arith.constant 720 : index
      %get3A_335 = tpu.vector_load %arg6[%get3A_334] {strides = array<i32>} : memref<4096xi32, #tpu.memory_space<vmem>>, vector<16xi32>,
      %gather3A_336 = tpu.vector_load_idx %arg7[%get3A_335] : memref<100000xf32, #tpu.memory_space<vmem>>[vector<16xi32>], vector<16xf32>,
      %swap3A_337 = arith.constant 720 : index
      %swap3A_338 = tpu.vector_load %arg8[%swap3A_337] {strides = array<i32>} : memref<4096xf32, #tpu.memory_space<vmem>>, vector<16xf32>,
      tpu.vector_store %arg8[%swap3A_337], %gather3A_336 {strides = array<i32>} : memref<4096xf32, #tpu.memory_space<vmem>>, vector<16xf32>,
      %get3A_339 = arith.constant 736 : index
      %get3A_340 = tpu.vector_load %arg6[%get3A_339] {strides = array<i32>} : memref<4096xi32, #tpu.memory_space<vmem>>, vector<16xi32>,
      %gather3A_341 = tpu.vector_load_idx %arg7[%get3A_340] : memref<100000xf32, #tpu.memory_space<vmem>>[vector<16xi32>], vector<16xf32>,
      %swap3A_342 = arith.constant 736 : index
      %swap3A_343 = tpu.vector_load %arg8[%swap3A_342] {strides = array<i32>} : memref<4096xf32, #tpu.memory_space<vmem>>, vector<16xf32>,
      tpu.vector_store %arg8[%swap3A_342], %gather3A_341 {strides = array<i32>} : memref<4096xf32, #tpu.memory_space<vmem>>, vector<16xf32>,
      %get3A_344 = arith.constant 752 : index
      %get3A_345 = tpu.vector_load %arg6[%get3A_344] {strides = array<i32>} : memref<4096xi32, #tpu.memory_space<vmem>>, vector<16xi32>,
      %gather3A_346 = tpu.vector_load_idx %arg7[%get3A_345] : memref<100000xf32, #tpu.memory_space<vmem>>[vector<16xi32>], vector<16xf32>,
      %swap3A_347 = arith.constant 752 : index
      %swap3A_348 = tpu.vector_load %arg8[%swap3A_347] {strides = array<i32>} : memref<4096xf32, #tpu.memory_space<vmem>>, vector<16xf32>,
      tpu.vector_store %arg8[%swap3A_347], %gather3A_346 {strides = array<i32>} : memref<4096xf32, #tpu.memory_space<vmem>>, vector<16xf32>,
      %get3A_349 = arith.constant 768 : index
      %get3A_350 = tpu.vector_load %arg6[%get3A_349] {strides = array<i32>} : memref<4096xi32, #tpu.memory_space<vmem>>, vector<16xi32>,
      %gather3A_351 = tpu.vector_load_idx %arg7[%get3A_350] : memref<100000xf32, #tpu.memory_space<vmem>>[vector<16xi32>], vector<16xf32>,
      %swap3A_352 = arith.constant 768 : index
      %swap3A_353 = tpu.vector_load %arg8[%swap3A_352] {strides = array<i32>} : memref<4096xf32, #tpu.memory_space<vmem>>, vector<16xf32>,
      tpu.vector_store %arg8[%swap3A_352], %gather3A_351 {strides = array<i32>} : memref<4096xf32, #tpu.memory_space<vmem>>, vector<16xf32>,
      %get3A_354 = arith.constant 784 : index
      %get3A_355 = tpu.vector_load %arg6[%get3A_354] {strides = array<i32>} : memref<4096xi32, #tpu.memory_space<vmem>>, vector<16xi32>,
      %gather3A_356 = tpu.vector_load_idx %arg7[%get3A_355] : memref<100000xf32, #tpu.memory_space<vmem>>[vector<16xi32>], vector<16xf32>,
      %swap3A_357 = arith.constant 784 : index
      %swap3A_358 = tpu.vector_load %arg8[%swap3A_357] {strides = array<i32>} : memref<4096xf32, #tpu.memory_space<vmem>>, vector<16xf32>,
      tpu.vector_store %arg8[%swap3A_357], %gather3A_356 {strides = array<i32>} : memref<4096xf32, #tpu.memory_space<vmem>>, vector<16xf32>,
      %get3A_359 = arith.constant 800 : index
      %get3A_360 = tpu.vector_load %arg6[%get3A_359] {strides = array<i32>} : memref<4096xi32, #tpu.memory_space<vmem>>, vector<16xi32>,
      %gather3A_361 = tpu.vector_load_idx %arg7[%get3A_360] : memref<100000xf32, #tpu.memory_space<vmem>>[vector<16xi32>], vector<16xf32>,
      %swap3A_362 = arith.constant 800 : index
      %swap3A_363 = tpu.vector_load %arg8[%swap3A_362] {strides = array<i32>} : memref<4096xf32, #tpu.memory_space<vmem>>, vector<16xf32>,
      tpu.vector_store %arg8[%swap3A_362], %gather3A_361 {strides = array<i32>} : memref<4096xf32, #tpu.memory_space<vmem>>, vector<16xf32>,
      %get3A_364 = arith.constant 816 : index
      %get3A_365 = tpu.vector_load %arg6[%get3A_364] {strides = array<i32>} : memref<4096xi32, #tpu.memory_space<vmem>>, vector<16xi32>,
      %gather3A_366 = tpu.vector_load_idx %arg7[%get3A_365] : memref<100000xf32, #tpu.memory_space<vmem>>[vector<16xi32>], vector<16xf32>,
      %swap3A_367 = arith.constant 816 : index
      %swap3A_368 = tpu.vector_load %arg8[%swap3A_367] {strides = array<i32>} : memref<4096xf32, #tpu.memory_space<vmem>>, vector<16xf32>,
      tpu.vector_store %arg8[%swap3A_367], %gather3A_366 {strides = array<i32>} : memref<4096xf32, #tpu.memory_space<vmem>>, vector<16xf32>,
      %get3A_369 = arith.constant 832 : index
      %get3A_370 = tpu.vector_load %arg6[%get3A_369] {strides = array<i32>} : memref<4096xi32, #tpu.memory_space<vmem>>, vector<16xi32>,
      %gather3A_371 = tpu.vector_load_idx %arg7[%get3A_370] : memref<100000xf32, #tpu.memory_space<vmem>>[vector<16xi32>], vector<16xf32>,
      %swap3A_372 = arith.constant 832 : index
      %swap3A_373 = tpu.vector_load %arg8[%swap3A_372] {strides = array<i32>} : memref<4096xf32, #tpu.memory_space<vmem>>, vector<16xf32>,
      tpu.vector_store %arg8[%swap3A_372], %gather3A_371 {strides = array<i32>} : memref<4096xf32, #tpu.memory_space<vmem>>, vector<16xf32>,
      %get3A_374 = arith.constant 848 : index
      %get3A_375 = tpu.vector_load %arg6[%get3A_374] {strides = array<i32>} : memref<4096xi32, #tpu.memory_space<vmem>>, vector<16xi32>,
      %gather3A_376 = tpu.vector_load_idx %arg7[%get3A_375] : memref<100000xf32, #tpu.memory_space<vmem>>[vector<16xi32>], vector<16xf32>,
      %swap3A_377 = arith.constant 848 : index
      %swap3A_378 = tpu.vector_load %arg8[%swap3A_377] {strides = array<i32>} : memref<4096xf32, #tpu.memory_space<vmem>>, vector<16xf32>,
      tpu.vector_store %arg8[%swap3A_377], %gather3A_376 {strides = array<i32>} : memref<4096xf32, #tpu.memory_space<vmem>>, vector<16xf32>,
      %get3A_379 = arith.constant 864 : index
      %get3A_380 = tpu.vector_load %arg6[%get3A_379] {strides = array<i32>} : memref<4096xi32, #tpu.memory_space<vmem>>, vector<16xi32>,
      %gather3A_381 = tpu.vector_load_idx %arg7[%get3A_380] : memref<100000xf32, #tpu.memory_space<vmem>>[vector<16xi32>], vector<16xf32>,
      %swap3A_382 = arith.constant 864 : index
      %swap3A_383 = tpu.vector_load %arg8[%swap3A_382] {strides = array<i32>} : memref<4096xf32, #tpu.memory_space<vmem>>, vector<16xf32>,
      tpu.vector_store %arg8[%swap3A_382], %gather3A_381 {strides = array<i32>} : memref<4096xf32, #tpu.memory_space<vmem>>, vector<16xf32>,
      %get3A_384 = arith.constant 880 : index
      %get3A_385 = tpu.vector_load %arg6[%get3A_384] {strides = array<i32>} : memref<4096xi32, #tpu.memory_space<vmem>>, vector<16xi32>,
      %gather3A_386 = tpu.vector_load_idx %arg7[%get3A_385] : memref<100000xf32, #tpu.memory_space<vmem>>[vector<16xi32>], vector<16xf32>,
      %swap3A_387 = arith.constant 880 : index
      %swap3A_388 = tpu.vector_load %arg8[%swap3A_387] {strides = array<i32>} : memref<4096xf32, #tpu.memory_space<vmem>>, vector<16xf32>,
      tpu.vector_store %arg8[%swap3A_387], %gather3A_386 {strides = array<i32>} : memref<4096xf32, #tpu.memory_space<vmem>>, vector<16xf32>,
      %get3A_389 = arith.constant 896 : index
      %get3A_390 = tpu.vector_load %arg6[%get3A_389] {strides = array<i32>} : memref<4096xi32, #tpu.memory_space<vmem>>, vector<16xi32>,
      %gather3A_391 = tpu.vector_load_idx %arg7[%get3A_390] : memref<100000xf32, #tpu.memory_space<vmem>>[vector<16xi32>], vector<16xf32>,
      %swap3A_392 = arith.constant 896 : index
      %swap3A_393 = tpu.vector_load %arg8[%swap3A_392] {strides = array<i32>} : memref<4096xf32, #tpu.memory_space<vmem>>, vector<16xf32>,
      tpu.vector_store %arg8[%swap3A_392], %gather3A_391 {strides = array<i32>} : memref<4096xf32, #tpu.memory_space<vmem>>, vector<16xf32>,
      %get3A_394 = arith.constant 912 : index
      %get3A_395 = tpu.vector_load %arg6[%get3A_394] {strides = array<i32>} : memref<4096xi32, #tpu.memory_space<vmem>>, vector<16xi32>,
      %gather3A_396 = tpu.vector_load_idx %arg7[%get3A_395] : memref<100000xf32, #tpu.memory_space<vmem>>[vector<16xi32>], vector<16xf32>,
      %swap3A_397 = arith.constant 912 : index
      %swap3A_398 = tpu.vector_load %arg8[%swap3A_397] {strides = array<i32>} : memref<4096xf32, #tpu.memory_space<vmem>>, vector<16xf32>,
      tpu.vector_store %arg8[%swap3A_397], %gather3A_396 {strides = array<i32>} : memref<4096xf32, #tpu.memory_space<vmem>>, vector<16xf32>,
      %get3A_399 = arith.constant 928 : index
      %get3A_400 = tpu.vector_load %arg6[%get3A_399] {strides = array<i32>} : memref<4096xi32, #tpu.memory_space<vmem>>, vector<16xi32>,
      %gather3A_401 = tpu.vector_load_idx %arg7[%get3A_400] : memref<100000xf32, #tpu.memory_space<vmem>>[vector<16xi32>], vector<16xf32>,
      %swap3A_402 = arith.constant 928 : index
      %swap3A_403 = tpu.vector_load %arg8[%swap3A_402] {strides = array<i32>} : memref<4096xf32, #tpu.memory_space<vmem>>, vector<16xf32>,
      tpu.vector_store %arg8[%swap3A_402], %gather3A_401 {strides = array<i32>} : memref<4096xf32, #tpu.memory_space<vmem>>, vector<16xf32>,
      %get3A_404 = arith.constant 944 : index
      %get3A_405 = tpu.vector_load %arg6[%get3A_404] {strides = array<i32>} : memref<4096xi32, #tpu.memory_space<vmem>>, vector<16xi32>,
      %gather3A_406 = tpu.vector_load_idx %arg7[%get3A_405] : memref<100000xf32, #tpu.memory_space<vmem>>[vector<16xi32>], vector<16xf32>,
      %swap3A_407 = arith.constant 944 : index
      %swap3A_408 = tpu.vector_load %arg8[%swap3A_407] {strides = array<i32>} : memref<4096xf32, #tpu.memory_space<vmem>>, vector<16xf32>,
      tpu.vector_store %arg8[%swap3A_407], %gather3A_406 {strides = array<i32>} : memref<4096xf32, #tpu.memory_space<vmem>>, vector<16xf32>,
      %get3A_409 = arith.constant 960 : index
      %get3A_410 = tpu.vector_load %arg6[%get3A_409] {strides = array<i32>} : memref<4096xi32, #tpu.memory_space<vmem>>, vector<16xi32>,
      %gather3A_411 = tpu.vector_load_idx %arg7[%get3A_410] : memref<100000xf32, #tpu.memory_space<vmem>>[vector<16xi32>], vector<16xf32>,
      %swap3A_412 = arith.constant 960 : index
      %swap3A_413 = tpu.vector_load %arg8[%swap3A_412] {strides = array<i32>} : memref<4096xf32, #tpu.memory_space<vmem>>, vector<16xf32>,
      tpu.vector_store %arg8[%swap3A_412], %gather3A_411 {strides = array<i32>} : memref<4096xf32, #tpu.memory_space<vmem>>, vector<16xf32>,
      %get3A_414 = arith.constant 976 : index
      %get3A_415 = tpu.vector_load %arg6[%get3A_414] {strides = array<i32>} : memref<4096xi32, #tpu.memory_space<vmem>>, vector<16xi32>,
      %gather3A_416 = tpu.vector_load_idx %arg7[%get3A_415] : memref<100000xf32, #tpu.memory_space<vmem>>[vector<16xi32>], vector<16xf32>,
      %swap3A_417 = arith.constant 976 : index
      %swap3A_418 = tpu.vector_load %arg8[%swap3A_417] {strides = array<i32>} : memref<4096xf32, #tpu.memory_space<vmem>>, vector<16xf32>,
      tpu.vector_store %arg8[%swap3A_417], %gather3A_416 {strides = array<i32>} : memref<4096xf32, #tpu.memory_space<vmem>>, vector<16xf32>,
      %get3A_419 = arith.constant 992 : index
      %get3A_420 = tpu.vector_load %arg6[%get3A_419] {strides = array<i32>} : memref<4096xi32, #tpu.memory_space<vmem>>, vector<16xi32>,
      %gather3A_421 = tpu.vector_load_idx %arg7[%get3A_420] : memref<100000xf32, #tpu.memory_space<vmem>>[vector<16xi32>], vector<16xf32>,
      %swap3A_422 = arith.constant 992 : index
      %swap3A_423 = tpu.vector_load %arg8[%swap3A_422] {strides = array<i32>} : memref<4096xf32, #tpu.memory_space<vmem>>, vector<16xf32>,
      tpu.vector_store %arg8[%swap3A_422], %gather3A_421 {strides = array<i32>} : memref<4096xf32, #tpu.memory_space<vmem>>, vector<16xf32>,
      %get3A_424 = arith.constant 1008 : index
      %get3A_425 = tpu.vector_load %arg6[%get3A_424] {strides = array<i32>} : memref<4096xi32, #tpu.memory_space<vmem>>, vector<16xi32>,
      %gather3A_426 = tpu.vector_load_idx %arg7[%get3A_425] : memref<100000xf32, #tpu.memory_space<vmem>>[vector<16xi32>], vector<16xf32>,
      %swap3A_427 = arith.constant 1008 : index
      %swap3A_428 = tpu.vector_load %arg8[%swap3A_427] {strides = array<i32>} : memref<4096xf32, #tpu.memory_space<vmem>>, vector<16xf32>,
      tpu.vector_store %arg8[%swap3A_427], %gather3A_426 {strides = array<i32>} : memref<4096xf32, #tpu.memory_space<vmem>>, vector<16xf32>,
      %get3A_429 = arith.constant 1024 : index
      %get3A_430 = tpu.vector_load %arg6[%get3A_429] {strides = array<i32>} : memref<4096xi32, #tpu.memory_space<vmem>>, vector<16xi32>,
      %gather3A_431 = tpu.vector_load_idx %arg7[%get3A_430] : memref<100000xf32, #tpu.memory_space<vmem>>[vector<16xi32>], vector<16xf32>,
      %swap3A_432 = arith.constant 1024 : index
      %swap3A_433 = tpu.vector_load %arg8[%swap3A_432] {strides = array<i32>} : memref<4096xf32, #tpu.memory_space<vmem>>, vector<16xf32>,
      tpu.vector_store %arg8[%swap3A_432], %gather3A_431 {strides = array<i32>} : memref<4096xf32, #tpu.memory_space<vmem>>, vector<16xf32>,
      %get3A_434 = arith.constant 1040 : index
      %get3A_435 = tpu.vector_load %arg6[%get3A_434] {strides = array<i32>} : memref<4096xi32, #tpu.memory_space<vmem>>, vector<16xi32>,
      %gather3A_436 = tpu.vector_load_idx %arg7[%get3A_435] : memref<100000xf32, #tpu.memory_space<vmem>>[vector<16xi32>], vector<16xf32>,
      %swap3A_437 = arith.constant 1040 : index
      %swap3A_438 = tpu.vector_load %arg8[%swap3A_437] {strides = array<i32>} : memref<4096xf32, #tpu.memory_space<vmem>>, vector<16xf32>,
      tpu.vector_store %arg8[%swap3A_437], %gather3A_436 {strides = array<i32>} : memref<4096xf32, #tpu.memory_space<vmem>>, vector<16xf32>,
      %get3A_439 = arith.constant 1056 : index
      %get3A_440 = tpu.vector_load %arg6[%get3A_439] {strides = array<i32>} : memref<4096xi32, #tpu.memory_space<vmem>>, vector<16xi32>,
      %gather3A_441 = tpu.vector_load_idx %arg7[%get3A_440] : memref<100000xf32, #tpu.memory_space<vmem>>[vector<16xi32>], vector<16xf32>,
      %swap3A_442 = arith.constant 1056 : index
      %swap3A_443 = tpu.vector_load %arg8[%swap3A_442] {strides = array<i32>} : memref<4096xf32, #tpu.memory_space<vmem>>, vector<16xf32>,
      tpu.vector_store %arg8[%swap3A_442], %gather3A_441 {strides = array<i32>} : memref<4096xf32, #tpu.memory_space<vmem>>, vector<16xf32>,
      %get3A_444 = arith.constant 1072 : index
      %get3A_445 = tpu.vector_load %arg6[%get3A_444] {strides = array<i32>} : memref<4096xi32, #tpu.memory_space<vmem>>, vector<16xi32>,
      %gather3A_446 = tpu.vector_load_idx %arg7[%get3A_445] : memref<100000xf32, #tpu.memory_space<vmem>>[vector<16xi32>], vector<16xf32>,
      %swap3A_447 = arith.constant 1072 : index
      %swap3A_448 = tpu.vector_load %arg8[%swap3A_447] {strides = array<i32>} : memref<4096xf32, #tpu.memory_space<vmem>>, vector<16xf32>,
      tpu.vector_store %arg8[%swap3A_447], %gather3A_446 {strides = array<i32>} : memref<4096xf32, #tpu.memory_space<vmem>>, vector<16xf32>,
      %get3A_449 = arith.constant 1088 : index
      %get3A_450 = tpu.vector_load %arg6[%get3A_449] {strides = array<i32>} : memref<4096xi32, #tpu.memory_space<vmem>>, vector<16xi32>,
      %gather3A_451 = tpu.vector_load_idx %arg7[%get3A_450] : memref<100000xf32, #tpu.memory_space<vmem>>[vector<16xi32>], vector<16xf32>,
      %swap3A_452 = arith.constant 1088 : index
      %swap3A_453 = tpu.vector_load %arg8[%swap3A_452] {strides = array<i32>} : memref<4096xf32, #tpu.memory_space<vmem>>, vector<16xf32>,
      tpu.vector_store %arg8[%swap3A_452], %gather3A_451 {strides = array<i32>} : memref<4096xf32, #tpu.memory_space<vmem>>, vector<16xf32>,
      %get3A_454 = arith.constant 1104 : index
      %get3A_455 = tpu.vector_load %arg6[%get3A_454] {strides = array<i32>} : memref<4096xi32, #tpu.memory_space<vmem>>, vector<16xi32>,
      %gather3A_456 = tpu.vector_load_idx %arg7[%get3A_455] : memref<100000xf32, #tpu.memory_space<vmem>>[vector<16xi32>], vector<16xf32>,
      %swap3A_457 = arith.constant 1104 : index
      %swap3A_458 = tpu.vector_load %arg8[%swap3A_457] {strides = array<i32>} : memref<4096xf32, #tpu.memory_space<vmem>>, vector<16xf32>,
      tpu.vector_store %arg8[%swap3A_457], %gather3A_456 {strides = array<i32>} : memref<4096xf32, #tpu.memory_space<vmem>>, vector<16xf32>,
      %get3A_459 = arith.constant 1120 : index
      %get3A_460 = tpu.vector_load %arg6[%get3A_459] {strides = array<i32>} : memref<4096xi32, #tpu.memory_space<vmem>>, vector<16xi32>,
      %gather3A_461 = tpu.vector_load_idx %arg7[%get3A_460] : memref<100000xf32, #tpu.memory_space<vmem>>[vector<16xi32>], vector<16xf32>,
      %swap3A_462 = arith.constant 1120 : index
      %swap3A_463 = tpu.vector_load %arg8[%swap3A_462] {strides = array<i32>} : memref<4096xf32, #tpu.memory_space<vmem>>, vector<16xf32>,
      tpu.vector_store %arg8[%swap3A_462], %gather3A_461 {strides = array<i32>} : memref<4096xf32, #tpu.memory_space<vmem>>, vector<16xf32>,
      %get3A_464 = arith.constant 1136 : index
      %get3A_465 = tpu.vector_load %arg6[%get3A_464] {strides = array<i32>} : memref<4096xi32, #tpu.memory_space<vmem>>, vector<16xi32>,
      %gather3A_466 = tpu.vector_load_idx %arg7[%get3A_465] : memref<100000xf32, #tpu.memory_space<vmem>>[vector<16xi32>], vector<16xf32>,
      %swap3A_467 = arith.constant 1136 : index
      %swap3A_468 = tpu.vector_load %arg8[%swap3A_467] {strides = array<i32>} : memref<4096xf32, #tpu.memory_space<vmem>>, vector<16xf32>,
      tpu.vector_store %arg8[%swap3A_467], %gather3A_466 {strides = array<i32>} : memref<4096xf32, #tpu.memory_space<vmem>>, vector<16xf32>,
      %get3A_469 = arith.constant 1152 : index
      %get3A_470 = tpu.vector_load %arg6[%get3A_469] {strides = array<i32>} : memref<4096xi32, #tpu.memory_space<vmem>>, vector<16xi32>,
      %gather3A_471 = tpu.vector_load_idx %arg7[%get3A_470] : memref<100000xf32, #tpu.memory_space<vmem>>[vector<16xi32>], vector<16xf32>,
      %swap3A_472 = arith.constant 1152 : index
      %swap3A_473 = tpu.vector_load %arg8[%swap3A_472] {strides = array<i32>} : memref<4096xf32, #tpu.memory_space<vmem>>, vector<16xf32>,
      tpu.vector_store %arg8[%swap3A_472], %gather3A_471 {strides = array<i32>} : memref<4096xf32, #tpu.memory_space<vmem>>, vector<16xf32>,
      %get3A_474 = arith.constant 1168 : index
      %get3A_475 = tpu.vector_load %arg6[%get3A_474] {strides = array<i32>} : memref<4096xi32, #tpu.memory_space<vmem>>, vector<16xi32>,
      %gather3A_476 = tpu.vector_load_idx %arg7[%get3A_475] : memref<100000xf32, #tpu.memory_space<vmem>>[vector<16xi32>], vector<16xf32>,
      %swap3A_477 = arith.constant 1168 : index
      %swap3A_478 = tpu.vector_load %arg8[%swap3A_477] {strides = array<i32>} : memref<4096xf32, #tpu.memory_space<vmem>>, vector<16xf32>,
      tpu.vector_store %arg8[%swap3A_477], %gather3A_476 {strides = array<i32>} : memref<4096xf32, #tpu.memory_space<vmem>>, vector<16xf32>,
      %get3A_479 = arith.constant 1184 : index
      %get3A_480 = tpu.vector_load %arg6[%get3A_479] {strides = array<i32>} : memref<4096xi32, #tpu.memory_space<vmem>>, vector<16xi32>,
      %gather3A_481 = tpu.vector_load_idx %arg7[%get3A_480] : memref<100000xf32, #tpu.memory_space<vmem>>[vector<16xi32>], vector<16xf32>,
      %swap3A_482 = arith.constant 1184 : index
      %swap3A_483 = tpu.vector_load %arg8[%swap3A_482] {strides = array<i32>} : memref<4096xf32, #tpu.memory_space<vmem>>, vector<16xf32>,
      tpu.vector_store %arg8[%swap3A_482], %gather3A_481 {strides = array<i32>} : memref<4096xf32, #tpu.memory_space<vmem>>, vector<16xf32>,
      %get3A_484 = arith.constant 1200 : index
      %get3A_485 = tpu.vector_load %arg6[%get3A_484] {strides = array<i32>} : memref<4096xi32, #tpu.memory_space<vmem>>, vector<16xi32>,
      %gather3A_486 = tpu.vector_load_idx %arg7[%get3A_485] : memref<100000xf32, #tpu.memory_space<vmem>>[vector<16xi32>], vector<16xf32>,
      %swap3A_487 = arith.constant 1200 : index
      %swap3A_488 = tpu.vector_load %arg8[%swap3A_487] {strides = array<i32>} : memref<4096xf32, #tpu.memory_space<vmem>>, vector<16xf32>,
      tpu.vector_store %arg8[%swap3A_487], %gather3A_486 {strides = array<i32>} : memref<4096xf32, #tpu.memory_space<vmem>>, vector<16xf32>,
      %get3A_489 = arith.constant 1216 : index
      %get3A_490 = tpu.vector_load %arg6[%get3A_489] {strides = array<i32>} : memref<4096xi32, #tpu.memory_space<vmem>>, vector<16xi32>,
      %gather3A_491 = tpu.vector_load_idx %arg7[%get3A_490] : memref<100000xf32, #tpu.memory_space<vmem>>[vector<16xi32>], vector<16xf32>,
      %swap3A_492 = arith.constant 1216 : index
      %swap3A_493 = tpu.vector_load %arg8[%swap3A_492] {strides = array<i32>} : memref<4096xf32, #tpu.memory_space<vmem>>, vector<16xf32>,
      tpu.vector_store %arg8[%swap3A_492], %gather3A_491 {strides = array<i32>} : memref<4096xf32, #tpu.memory_space<vmem>>, vector<16xf32>,
      %get3A_494 = arith.constant 1232 : index
      %get3A_495 = tpu.vector_load %arg6[%get3A_494] {strides = array<i32>} : memref<4096xi32, #tpu.memory_space<vmem>>, vector<16xi32>,
      %gather3A_496 = tpu.vector_load_idx %arg7[%get3A_495] : memref<100000xf32, #tpu.memory_space<vmem>>[vector<16xi32>], vector<16xf32>,
      %swap3A_497 = arith.constant 1232 : index
      %swap3A_498 = tpu.vector_load %arg8[%swap3A_497] {strides = array<i32>} : memref<4096xf32, #tpu.memory_space<vmem>>, vector<16xf32>,
      tpu.vector_store %arg8[%swap3A_497], %gather3A_496 {strides = array<i32>} : memref<4096xf32, #tpu.memory_space<vmem>>, vector<16xf32>,
      %get3A_499 = arith.constant 1248 : index
      %get3A_500 = tpu.vector_load %arg6[%get3A_499] {strides = array<i32>} : memref<4096xi32, #tpu.memory_space<vmem>>, vector<16xi32>,
      %gather3A_501 = tpu.vector_load_idx %arg7[%get3A_500] : memref<100000xf32, #tpu.memory_space<vmem>>[vector<16xi32>], vector<16xf32>,
      %swap3A_502 = arith.constant 1248 : index
      %swap3A_503 = tpu.vector_load %arg8[%swap3A_502] {strides = array<i32>} : memref<4096xf32, #tpu.memory_space<vmem>>, vector<16xf32>,
      tpu.vector_store %arg8[%swap3A_502], %gather3A_501 {strides = array<i32>} : memref<4096xf32, #tpu.memory_space<vmem>>, vector<16xf32>,
      %get3A_504 = arith.constant 1264 : index
      %get3A_505 = tpu.vector_load %arg6[%get3A_504] {strides = array<i32>} : memref<4096xi32, #tpu.memory_space<vmem>>, vector<16xi32>,
      %gather3A_506 = tpu.vector_load_idx %arg7[%get3A_505] : memref<100000xf32, #tpu.memory_space<vmem>>[vector<16xi32>], vector<16xf32>,
      %swap3A_507 = arith.constant 1264 : index
      %swap3A_508 = tpu.vector_load %arg8[%swap3A_507] {strides = array<i32>} : memref<4096xf32, #tpu.memory_space<vmem>>, vector<16xf32>,
      tpu.vector_store %arg8[%swap3A_507], %gather3A_506 {strides = array<i32>} : memref<4096xf32, #tpu.memory_space<vmem>>, vector<16xf32>,
      %get3A_509 = arith.constant 1280 : index
      %get3A_510 = tpu.vector_load %arg6[%get3A_509] {strides = array<i32>} : memref<4096xi32, #tpu.memory_space<vmem>>, vector<16xi32>,
      %gather3A_511 = tpu.vector_load_idx %arg7[%get3A_510] : memref<100000xf32, #tpu.memory_space<vmem>>[vector<16xi32>], vector<16xf32>,
      %swap3A_512 = arith.constant 1280 : index
      %swap3A_513 = tpu.vector_load %arg8[%swap3A_512] {strides = array<i32>} : memref<4096xf32, #tpu.memory_space<vmem>>, vector<16xf32>,
      tpu.vector_store %arg8[%swap3A_512], %gather3A_511 {strides = array<i32>} : memref<4096xf32, #tpu.memory_space<vmem>>, vector<16xf32>,
      %get3A_514 = arith.constant 1296 : index
      %get3A_515 = tpu.vector_load %arg6[%get3A_514] {strides = array<i32>} : memref<4096xi32, #tpu.memory_space<vmem>>, vector<16xi32>,
      %gather3A_516 = tpu.vector_load_idx %arg7[%get3A_515] : memref<100000xf32, #tpu.memory_space<vmem>>[vector<16xi32>], vector<16xf32>,
      %swap3A_517 = arith.constant 1296 : index
      %swap3A_518 = tpu.vector_load %arg8[%swap3A_517] {strides = array<i32>} : memref<4096xf32, #tpu.memory_space<vmem>>, vector<16xf32>,
      tpu.vector_store %arg8[%swap3A_517], %gather3A_516 {strides = array<i32>} : memref<4096xf32, #tpu.memory_space<vmem>>, vector<16xf32>,
      %get3A_519 = arith.constant 1312 : index
      %get3A_520 = tpu.vector_load %arg6[%get3A_519] {strides = array<i32>} : memref<4096xi32, #tpu.memory_space<vmem>>, vector<16xi32>,
      %gather3A_521 = tpu.vector_load_idx %arg7[%get3A_520] : memref<100000xf32, #tpu.memory_space<vmem>>[vector<16xi32>], vector<16xf32>,
      %swap3A_522 = arith.constant 1312 : index
      %swap3A_523 = tpu.vector_load %arg8[%swap3A_522] {strides = array<i32>} : memref<4096xf32, #tpu.memory_space<vmem>>, vector<16xf32>,
      tpu.vector_store %arg8[%swap3A_522], %gather3A_521 {strides = array<i32>} : memref<4096xf32, #tpu.memory_space<vmem>>, vector<16xf32>,
      %get3A_524 = arith.constant 1328 : index
      %get3A_525 = tpu.vector_load %arg6[%get3A_524] {strides = array<i32>} : memref<4096xi32, #tpu.memory_space<vmem>>, vector<16xi32>,
      %gather3A_526 = tpu.vector_load_idx %arg7[%get3A_525] : memref<100000xf32, #tpu.memory_space<vmem>>[vector<16xi32>], vector<16xf32>,
      %swap3A_527 = arith.constant 1328 : index
      %swap3A_528 = tpu.vector_load %arg8[%swap3A_527] {strides = array<i32>} : memref<4096xf32, #tpu.memory_space<vmem>>, vector<16xf32>,
      tpu.vector_store %arg8[%swap3A_527], %gather3A_526 {strides = array<i32>} : memref<4096xf32, #tpu.memory_space<vmem>>, vector<16xf32>,
      %get3A_529 = arith.constant 1344 : index
      %get3A_530 = tpu.vector_load %arg6[%get3A_529] {strides = array<i32>} : memref<4096xi32, #tpu.memory_space<vmem>>, vector<16xi32>,
      %gather3A_531 = tpu.vector_load_idx %arg7[%get3A_530] : memref<100000xf32, #tpu.memory_space<vmem>>[vector<16xi32>], vector<16xf32>,
      %swap3A_532 = arith.constant 1344 : index
      %swap3A_533 = tpu.vector_load %arg8[%swap3A_532] {strides = array<i32>} : memref<4096xf32, #tpu.memory_space<vmem>>, vector<16xf32>,
      tpu.vector_store %arg8[%swap3A_532], %gather3A_531 {strides = array<i32>} : memref<4096xf32, #tpu.memory_space<vmem>>, vector<16xf32>,
      %get3A_534 = arith.constant 1360 : index
      %get3A_535 = tpu.vector_load %arg6[%get3A_534] {strides = array<i32>} : memref<4096xi32, #tpu.memory_space<vmem>>, vector<16xi32>,
      %gather3A_536 = tpu.vector_load_idx %arg7[%get3A_535] : memref<100000xf32, #tpu.memory_space<vmem>>[vector<16xi32>], vector<16xf32>,
      %swap3A_537 = arith.constant 1360 : index
      %swap3A_538 = tpu.vector_load %arg8[%swap3A_537] {strides = array<i32>} : memref<4096xf32, #tpu.memory_space<vmem>>, vector<16xf32>,
      tpu.vector_store %arg8[%swap3A_537], %gather3A_536 {strides = array<i32>} : memref<4096xf32, #tpu.memory_space<vmem>>, vector<16xf32>,
      %get3A_539 = arith.constant 1376 : index
      %get3A_540 = tpu.vector_load %arg6[%get3A_539] {strides = array<i32>} : memref<4096xi32, #tpu.memory_space<vmem>>, vector<16xi32>,
      %gather3A_541 = tpu.vector_load_idx %arg7[%get3A_540] : memref<100000xf32, #tpu.memory_space<vmem>>[vector<16xi32>], vector<16xf32>,
      %swap3A_542 = arith.constant 1376 : index
      %swap3A_543 = tpu.vector_load %arg8[%swap3A_542] {strides = array<i32>} : memref<4096xf32, #tpu.memory_space<vmem>>, vector<16xf32>,
      tpu.vector_store %arg8[%swap3A_542], %gather3A_541 {strides = array<i32>} : memref<4096xf32, #tpu.memory_space<vmem>>, vector<16xf32>,
      %get3A_544 = arith.constant 1392 : index
      %get3A_545 = tpu.vector_load %arg6[%get3A_544] {strides = array<i32>} : memref<4096xi32, #tpu.memory_space<vmem>>, vector<16xi32>,
      %gather3A_546 = tpu.vector_load_idx %arg7[%get3A_545] : memref<100000xf32, #tpu.memory_space<vmem>>[vector<16xi32>], vector<16xf32>,
      %swap3A_547 = arith.constant 1392 : index
      %swap3A_548 = tpu.vector_load %arg8[%swap3A_547] {strides = array<i32>} : memref<4096xf32, #tpu.memory_space<vmem>>, vector<16xf32>,
      tpu.vector_store %arg8[%swap3A_547], %gather3A_546 {strides = array<i32>} : memref<4096xf32, #tpu.memory_space<vmem>>, vector<16xf32>,
      %get3A_549 = arith.constant 1408 : index
      %get3A_550 = tpu.vector_load %arg6[%get3A_549] {strides = array<i32>} : memref<4096xi32, #tpu.memory_space<vmem>>, vector<16xi32>,
      %gather3A_551 = tpu.vector_load_idx %arg7[%get3A_550] : memref<100000xf32, #tpu.memory_space<vmem>>[vector<16xi32>], vector<16xf32>,
      %swap3A_552 = arith.constant 1408 : index
      %swap3A_553 = tpu.vector_load %arg8[%swap3A_552] {strides = array<i32>} : memref<4096xf32, #tpu.memory_space<vmem>>, vector<16xf32>,
      tpu.vector_store %arg8[%swap3A_552], %gather3A_551 {strides = array<i32>} : memref<4096xf32, #tpu.memory_space<vmem>>, vector<16xf32>,
      %get3A_554 = arith.constant 1424 : index
      %get3A_555 = tpu.vector_load %arg6[%get3A_554] {strides = array<i32>} : memref<4096xi32, #tpu.memory_space<vmem>>, vector<16xi32>,
      %gather3A_556 = tpu.vector_load_idx %arg7[%get3A_555] : memref<100000xf32, #tpu.memory_space<vmem>>[vector<16xi32>], vector<16xf32>,
      %swap3A_557 = arith.constant 1424 : index
      %swap3A_558 = tpu.vector_load %arg8[%swap3A_557] {strides = array<i32>} : memref<4096xf32, #tpu.memory_space<vmem>>, vector<16xf32>,
      tpu.vector_store %arg8[%swap3A_557], %gather3A_556 {strides = array<i32>} : memref<4096xf32, #tpu.memory_space<vmem>>, vector<16xf32>,
      %get3A_559 = arith.constant 1440 : index
      %get3A_560 = tpu.vector_load %arg6[%get3A_559] {strides = array<i32>} : memref<4096xi32, #tpu.memory_space<vmem>>, vector<16xi32>,
      %gather3A_561 = tpu.vector_load_idx %arg7[%get3A_560] : memref<100000xf32, #tpu.memory_space<vmem>>[vector<16xi32>], vector<16xf32>,
      %swap3A_562 = arith.constant 1440 : index
      %swap3A_563 = tpu.vector_load %arg8[%swap3A_562] {strides = array<i32>} : memref<4096xf32, #tpu.memory_space<vmem>>, vector<16xf32>,
      tpu.vector_store %arg8[%swap3A_562], %gather3A_561 {strides = array<i32>} : memref<4096xf32, #tpu.memory_space<vmem>>, vector<16xf32>,
      %get3A_564 = arith.constant 1456 : index
      %get3A_565 = tpu.vector_load %arg6[%get3A_564] {strides = array<i32>} : memref<4096xi32, #tpu.memory_space<vmem>>, vector<16xi32>,
      %gather3A_566 = tpu.vector_load_idx %arg7[%get3A_565] : memref<100000xf32, #tpu.memory_space<vmem>>[vector<16xi32>], vector<16xf32>,
      %swap3A_567 = arith.constant 1456 : index
      %swap3A_568 = tpu.vector_load %arg8[%swap3A_567] {strides = array<i32>} : memref<4096xf32, #tpu.memory_space<vmem>>, vector<16xf32>,
      tpu.vector_store %arg8[%swap3A_567], %gather3A_566 {strides = array<i32>} : memref<4096xf32, #tpu.memory_space<vmem>>, vector<16xf32>,
      %get3A_569 = arith.constant 1472 : index
      %get3A_570 = tpu.vector_load %arg6[%get3A_569] {strides = array<i32>} : memref<4096xi32, #tpu.memory_space<vmem>>, vector<16xi32>,
      %gather3A_571 = tpu.vector_load_idx %arg7[%get3A_570] : memref<100000xf32, #tpu.memory_space<vmem>>[vector<16xi32>], vector<16xf32>,
      %swap3A_572 = arith.constant 1472 : index
      %swap3A_573 = tpu.vector_load %arg8[%swap3A_572] {strides = array<i32>} : memref<4096xf32, #tpu.memory_space<vmem>>, vector<16xf32>,
      tpu.vector_store %arg8[%swap3A_572], %gather3A_571 {strides = array<i32>} : memref<4096xf32, #tpu.memory_space<vmem>>, vector<16xf32>,
      %get3A_574 = arith.constant 1488 : index
      %get3A_575 = tpu.vector_load %arg6[%get3A_574] {strides = array<i32>} : memref<4096xi32, #tpu.memory_space<vmem>>, vector<16xi32>,
      %gather3A_576 = tpu.vector_load_idx %arg7[%get3A_575] : memref<100000xf32, #tpu.memory_space<vmem>>[vector<16xi32>], vector<16xf32>,
      %swap3A_577 = arith.constant 1488 : index
      %swap3A_578 = tpu.vector_load %arg8[%swap3A_577] {strides = array<i32>} : memref<4096xf32, #tpu.memory_space<vmem>>, vector<16xf32>,
      tpu.vector_store %arg8[%swap3A_577], %gather3A_576 {strides = array<i32>} : memref<4096xf32, #tpu.memory_space<vmem>>, vector<16xf32>,
      %get3A_579 = arith.constant 1504 : index
      %get3A_580 = tpu.vector_load %arg6[%get3A_579] {strides = array<i32>} : memref<4096xi32, #tpu.memory_space<vmem>>, vector<16xi32>,
      %gather3A_581 = tpu.vector_load_idx %arg7[%get3A_580] : memref<100000xf32, #tpu.memory_space<vmem>>[vector<16xi32>], vector<16xf32>,
      %swap3A_582 = arith.constant 1504 : index
      %swap3A_583 = tpu.vector_load %arg8[%swap3A_582] {strides = array<i32>} : memref<4096xf32, #tpu.memory_space<vmem>>, vector<16xf32>,
      tpu.vector_store %arg8[%swap3A_582], %gather3A_581 {strides = array<i32>} : memref<4096xf32, #tpu.memory_space<vmem>>, vector<16xf32>,
      %get3A_584 = arith.constant 1520 : index
      %get3A_585 = tpu.vector_load %arg6[%get3A_584] {strides = array<i32>} : memref<4096xi32, #tpu.memory_space<vmem>>, vector<16xi32>,
      %gather3A_586 = tpu.vector_load_idx %arg7[%get3A_585] : memref<100000xf32, #tpu.memory_space<vmem>>[vector<16xi32>], vector<16xf32>,
      %swap3A_587 = arith.constant 1520 : index
      %swap3A_588 = tpu.vector_load %arg8[%swap3A_587] {strides = array<i32>} : memref<4096xf32, #tpu.memory_space<vmem>>, vector<16xf32>,
      tpu.vector_store %arg8[%swap3A_587], %gather3A_586 {strides = array<i32>} : memref<4096xf32, #tpu.memory_space<vmem>>, vector<16xf32>,
      %get3A_589 = arith.constant 1536 : index
      %get3A_590 = tpu.vector_load %arg6[%get3A_589] {strides = array<i32>} : memref<4096xi32, #tpu.memory_space<vmem>>, vector<16xi32>,
      %gather3A_591 = tpu.vector_load_idx %arg7[%get3A_590] : memref<100000xf32, #tpu.memory_space<vmem>>[vector<16xi32>], vector<16xf32>,
      %swap3A_592 = arith.constant 1536 : index
      %swap3A_593 = tpu.vector_load %arg8[%swap3A_592] {strides = array<i32>} : memref<4096xf32, #tpu.memory_space<vmem>>, vector<16xf32>,
      tpu.vector_store %arg8[%swap3A_592], %gather3A_591 {strides = array<i32>} : memref<4096xf32, #tpu.memory_space<vmem>>, vector<16xf32>,
      %get3A_594 = arith.constant 1552 : index
      %get3A_595 = tpu.vector_load %arg6[%get3A_594] {strides = array<i32>} : memref<4096xi32, #tpu.memory_space<vmem>>, vector<16xi32>,
      %gather3A_596 = tpu.vector_load_idx %arg7[%get3A_595] : memref<100000xf32, #tpu.memory_space<vmem>>[vector<16xi32>], vector<16xf32>,
      %swap3A_597 = arith.constant 1552 : index
      %swap3A_598 = tpu.vector_load %arg8[%swap3A_597] {strides = array<i32>} : memref<4096xf32, #tpu.memory_space<vmem>>, vector<16xf32>,
      tpu.vector_store %arg8[%swap3A_597], %gather3A_596 {strides = array<i32>} : memref<4096xf32, #tpu.memory_space<vmem>>, vector<16xf32>,
      %get3A_599 = arith.constant 1568 : index
      %get3A_600 = tpu.vector_load %arg6[%get3A_599] {strides = array<i32>} : memref<4096xi32, #tpu.memory_space<vmem>>, vector<16xi32>,
      %gather3A_601 = tpu.vector_load_idx %arg7[%get3A_600] : memref<100000xf32, #tpu.memory_space<vmem>>[vector<16xi32>], vector<16xf32>,
      %swap3A_602 = arith.constant 1568 : index
      %swap3A_603 = tpu.vector_load %arg8[%swap3A_602] {strides = array<i32>} : memref<4096xf32, #tpu.memory_space<vmem>>, vector<16xf32>,
      tpu.vector_store %arg8[%swap3A_602], %gather3A_601 {strides = array<i32>} : memref<4096xf32, #tpu.memory_space<vmem>>, vector<16xf32>,
      %get3A_604 = arith.constant 1584 : index
      %get3A_605 = tpu.vector_load %arg6[%get3A_604] {strides = array<i32>} : memref<4096xi32, #tpu.memory_space<vmem>>, vector<16xi32>,
      %gather3A_606 = tpu.vector_load_idx %arg7[%get3A_605] : memref<100000xf32, #tpu.memory_space<vmem>>[vector<16xi32>], vector<16xf32>,
      %swap3A_607 = arith.constant 1584 : index
      %swap3A_608 = tpu.vector_load %arg8[%swap3A_607] {strides = array<i32>} : memref<4096xf32, #tpu.memory_space<vmem>>, vector<16xf32>,
      tpu.vector_store %arg8[%swap3A_607], %gather3A_606 {strides = array<i32>} : memref<4096xf32, #tpu.memory_space<vmem>>, vector<16xf32>,
      %get3A_609 = arith.constant 1600 : index
      %get3A_610 = tpu.vector_load %arg6[%get3A_609] {strides = array<i32>} : memref<4096xi32, #tpu.memory_space<vmem>>, vector<16xi32>,
      %gather3A_611 = tpu.vector_load_idx %arg7[%get3A_610] : memref<100000xf32, #tpu.memory_space<vmem>>[vector<16xi32>], vector<16xf32>,
      %swap3A_612 = arith.constant 1600 : index
      %swap3A_613 = tpu.vector_load %arg8[%swap3A_612] {strides = array<i32>} : memref<4096xf32, #tpu.memory_space<vmem>>, vector<16xf32>,
      tpu.vector_store %arg8[%swap3A_612], %gather3A_611 {strides = array<i32>} : memref<4096xf32, #tpu.memory_space<vmem>>, vector<16xf32>,
      %get3A_614 = arith.constant 1616 : index
      %get3A_615 = tpu.vector_load %arg6[%get3A_614] {strides = array<i32>} : memref<4096xi32, #tpu.memory_space<vmem>>, vector<16xi32>,
      %gather3A_616 = tpu.vector_load_idx %arg7[%get3A_615] : memref<100000xf32, #tpu.memory_space<vmem>>[vector<16xi32>], vector<16xf32>,
      %swap3A_617 = arith.constant 1616 : index
      %swap3A_618 = tpu.vector_load %arg8[%swap3A_617] {strides = array<i32>} : memref<4096xf32, #tpu.memory_space<vmem>>, vector<16xf32>,
      tpu.vector_store %arg8[%swap3A_617], %gather3A_616 {strides = array<i32>} : memref<4096xf32, #tpu.memory_space<vmem>>, vector<16xf32>,
      %get3A_619 = arith.constant 1632 : index
      %get3A_620 = tpu.vector_load %arg6[%get3A_619] {strides = array<i32>} : memref<4096xi32, #tpu.memory_space<vmem>>, vector<16xi32>,
      %gather3A_621 = tpu.vector_load_idx %arg7[%get3A_620] : memref<100000xf32, #tpu.memory_space<vmem>>[vector<16xi32>], vector<16xf32>,
      %swap3A_622 = arith.constant 1632 : index
      %swap3A_623 = tpu.vector_load %arg8[%swap3A_622] {strides = array<i32>} : memref<4096xf32, #tpu.memory_space<vmem>>, vector<16xf32>,
      tpu.vector_store %arg8[%swap3A_622], %gather3A_621 {strides = array<i32>} : memref<4096xf32, #tpu.memory_space<vmem>>, vector<16xf32>,
      %get3A_624 = arith.constant 1648 : index
      %get3A_625 = tpu.vector_load %arg6[%get3A_624] {strides = array<i32>} : memref<4096xi32, #tpu.memory_space<vmem>>, vector<16xi32>,
      %gather3A_626 = tpu.vector_load_idx %arg7[%get3A_625] : memref<100000xf32, #tpu.memory_space<vmem>>[vector<16xi32>], vector<16xf32>,
      %swap3A_627 = arith.constant 1648 : index
      %swap3A_628 = tpu.vector_load %arg8[%swap3A_627] {strides = array<i32>} : memref<4096xf32, #tpu.memory_space<vmem>>, vector<16xf32>,
      tpu.vector_store %arg8[%swap3A_627], %gather3A_626 {strides = array<i32>} : memref<4096xf32, #tpu.memory_space<vmem>>, vector<16xf32>,
      %get3A_629 = arith.constant 1664 : index
      %get3A_630 = tpu.vector_load %arg6[%get3A_629] {strides = array<i32>} : memref<4096xi32, #tpu.memory_space<vmem>>, vector<16xi32>,
      %gather3A_631 = tpu.vector_load_idx %arg7[%get3A_630] : memref<100000xf32, #tpu.memory_space<vmem>>[vector<16xi32>], vector<16xf32>,
      %swap3A_632 = arith.constant 1664 : index
      %swap3A_633 = tpu.vector_load %arg8[%swap3A_632] {strides = array<i32>} : memref<4096xf32, #tpu.memory_space<vmem>>, vector<16xf32>,
      tpu.vector_store %arg8[%swap3A_632], %gather3A_631 {strides = array<i32>} : memref<4096xf32, #tpu.memory_space<vmem>>, vector<16xf32>,
      %get3A_634 = arith.constant 1680 : index
      %get3A_635 = tpu.vector_load %arg6[%get3A_634] {strides = array<i32>} : memref<4096xi32, #tpu.memory_space<vmem>>, vector<16xi32>,
      %gather3A_636 = tpu.vector_load_idx %arg7[%get3A_635] : memref<100000xf32, #tpu.memory_space<vmem>>[vector<16xi32>], vector<16xf32>,
      %swap3A_637 = arith.constant 1680 : index
      %swap3A_638 = tpu.vector_load %arg8[%swap3A_637] {strides = array<i32>} : memref<4096xf32, #tpu.memory_space<vmem>>, vector<16xf32>,
      tpu.vector_store %arg8[%swap3A_637], %gather3A_636 {strides = array<i32>} : memref<4096xf32, #tpu.memory_space<vmem>>, vector<16xf32>,
      %get3A_639 = arith.constant 1696 : index
      %get3A_640 = tpu.vector_load %arg6[%get3A_639] {strides = array<i32>} : memref<4096xi32, #tpu.memory_space<vmem>>, vector<16xi32>,
      %gather3A_641 = tpu.vector_load_idx %arg7[%get3A_640] : memref<100000xf32, #tpu.memory_space<vmem>>[vector<16xi32>], vector<16xf32>,
      %swap3A_642 = arith.constant 1696 : index
      %swap3A_643 = tpu.vector_load %arg8[%swap3A_642] {strides = array<i32>} : memref<4096xf32, #tpu.memory_space<vmem>>, vector<16xf32>,
      tpu.vector_store %arg8[%swap3A_642], %gather3A_641 {strides = array<i32>} : memref<4096xf32, #tpu.memory_space<vmem>>, vector<16xf32>,
      %get3A_644 = arith.constant 1712 : index
      %get3A_645 = tpu.vector_load %arg6[%get3A_644] {strides = array<i32>} : memref<4096xi32, #tpu.memory_space<vmem>>, vector<16xi32>,
      %gather3A_646 = tpu.vector_load_idx %arg7[%get3A_645] : memref<100000xf32, #tpu.memory_space<vmem>>[vector<16xi32>], vector<16xf32>,
      %swap3A_647 = arith.constant 1712 : index
      %swap3A_648 = tpu.vector_load %arg8[%swap3A_647] {strides = array<i32>} : memref<4096xf32, #tpu.memory_space<vmem>>, vector<16xf32>,
      tpu.vector_store %arg8[%swap3A_647], %gather3A_646 {strides = array<i32>} : memref<4096xf32, #tpu.memory_space<vmem>>, vector<16xf32>,
      %get3A_649 = arith.constant 1728 : index
      %get3A_650 = tpu.vector_load %arg6[%get3A_649] {strides = array<i32>} : memref<4096xi32, #tpu.memory_space<vmem>>, vector<16xi32>,
      %gather3A_651 = tpu.vector_load_idx %arg7[%get3A_650] : memref<100000xf32, #tpu.memory_space<vmem>>[vector<16xi32>], vector<16xf32>,
      %swap3A_652 = arith.constant 1728 : index
      %swap3A_653 = tpu.vector_load %arg8[%swap3A_652] {strides = array<i32>} : memref<4096xf32, #tpu.memory_space<vmem>>, vector<16xf32>,
      tpu.vector_store %arg8[%swap3A_652], %gather3A_651 {strides = array<i32>} : memref<4096xf32, #tpu.memory_space<vmem>>, vector<16xf32>,
      %get3A_654 = arith.constant 1744 : index
      %get3A_655 = tpu.vector_load %arg6[%get3A_654] {strides = array<i32>} : memref<4096xi32, #tpu.memory_space<vmem>>, vector<16xi32>,
      %gather3A_656 = tpu.vector_load_idx %arg7[%get3A_655] : memref<100000xf32, #tpu.memory_space<vmem>>[vector<16xi32>], vector<16xf32>,
      %swap3A_657 = arith.constant 1744 : index
      %swap3A_658 = tpu.vector_load %arg8[%swap3A_657] {strides = array<i32>} : memref<4096xf32, #tpu.memory_space<vmem>>, vector<16xf32>,
      tpu.vector_store %arg8[%swap3A_657], %gather3A_656 {strides = array<i32>} : memref<4096xf32, #tpu.memory_space<vmem>>, vector<16xf32>,
      %get3A_659 = arith.constant 1760 : index
      %get3A_660 = tpu.vector_load %arg6[%get3A_659] {strides = array<i32>} : memref<4096xi32, #tpu.memory_space<vmem>>, vector<16xi32>,
      %gather3A_661 = tpu.vector_load_idx %arg7[%get3A_660] : memref<100000xf32, #tpu.memory_space<vmem>>[vector<16xi32>], vector<16xf32>,
      %swap3A_662 = arith.constant 1760 : index
      %swap3A_663 = tpu.vector_load %arg8[%swap3A_662] {strides = array<i32>} : memref<4096xf32, #tpu.memory_space<vmem>>, vector<16xf32>,
      tpu.vector_store %arg8[%swap3A_662], %gather3A_661 {strides = array<i32>} : memref<4096xf32, #tpu.memory_space<vmem>>, vector<16xf32>,
      %get3A_664 = arith.constant 1776 : index
      %get3A_665 = tpu.vector_load %arg6[%get3A_664] {strides = array<i32>} : memref<4096xi32, #tpu.memory_space<vmem>>, vector<16xi32>,
      %gather3A_666 = tpu.vector_load_idx %arg7[%get3A_665] : memref<100000xf32, #tpu.memory_space<vmem>>[vector<16xi32>], vector<16xf32>,
      %swap3A_667 = arith.constant 1776 : index
      %swap3A_668 = tpu.vector_load %arg8[%swap3A_667] {strides = array<i32>} : memref<4096xf32, #tpu.memory_space<vmem>>, vector<16xf32>,
      tpu.vector_store %arg8[%swap3A_667], %gather3A_666 {strides = array<i32>} : memref<4096xf32, #tpu.memory_space<vmem>>, vector<16xf32>,
      %get3A_669 = arith.constant 1792 : index
      %get3A_670 = tpu.vector_load %arg6[%get3A_669] {strides = array<i32>} : memref<4096xi32, #tpu.memory_space<vmem>>, vector<16xi32>,
      %gather3A_671 = tpu.vector_load_idx %arg7[%get3A_670] : memref<100000xf32, #tpu.memory_space<vmem>>[vector<16xi32>], vector<16xf32>,
      %swap3A_672 = arith.constant 1792 : index
      %swap3A_673 = tpu.vector_load %arg8[%swap3A_672] {strides = array<i32>} : memref<4096xf32, #tpu.memory_space<vmem>>, vector<16xf32>,
      tpu.vector_store %arg8[%swap3A_672], %gather3A_671 {strides = array<i32>} : memref<4096xf32, #tpu.memory_space<vmem>>, vector<16xf32>,
      %get3A_674 = arith.constant 1808 : index
      %get3A_675 = tpu.vector_load %arg6[%get3A_674] {strides = array<i32>} : memref<4096xi32, #tpu.memory_space<vmem>>, vector<16xi32>,
      %gather3A_676 = tpu.vector_load_idx %arg7[%get3A_675] : memref<100000xf32, #tpu.memory_space<vmem>>[vector<16xi32>], vector<16xf32>,
      %swap3A_677 = arith.constant 1808 : index
      %swap3A_678 = tpu.vector_load %arg8[%swap3A_677] {strides = array<i32>} : memref<4096xf32, #tpu.memory_space<vmem>>, vector<16xf32>,
      tpu.vector_store %arg8[%swap3A_677], %gather3A_676 {strides = array<i32>} : memref<4096xf32, #tpu.memory_space<vmem>>, vector<16xf32>,
      %get3A_679 = arith.constant 1824 : index
      %get3A_680 = tpu.vector_load %arg6[%get3A_679] {strides = array<i32>} : memref<4096xi32, #tpu.memory_space<vmem>>, vector<16xi32>,
      %gather3A_681 = tpu.vector_load_idx %arg7[%get3A_680] : memref<100000xf32, #tpu.memory_space<vmem>>[vector<16xi32>], vector<16xf32>,
      %swap3A_682 = arith.constant 1824 : index
      %swap3A_683 = tpu.vector_load %arg8[%swap3A_682] {strides = array<i32>} : memref<4096xf32, #tpu.memory_space<vmem>>, vector<16xf32>,
      tpu.vector_store %arg8[%swap3A_682], %gather3A_681 {strides = array<i32>} : memref<4096xf32, #tpu.memory_space<vmem>>, vector<16xf32>,
      %get3A_684 = arith.constant 1840 : index
      %get3A_685 = tpu.vector_load %arg6[%get3A_684] {strides = array<i32>} : memref<4096xi32, #tpu.memory_space<vmem>>, vector<16xi32>,
      %gather3A_686 = tpu.vector_load_idx %arg7[%get3A_685] : memref<100000xf32, #tpu.memory_space<vmem>>[vector<16xi32>], vector<16xf32>,
      %swap3A_687 = arith.constant 1840 : index
      %swap3A_688 = tpu.vector_load %arg8[%swap3A_687] {strides = array<i32>} : memref<4096xf32, #tpu.memory_space<vmem>>, vector<16xf32>,
      tpu.vector_store %arg8[%swap3A_687], %gather3A_686 {strides = array<i32>} : memref<4096xf32, #tpu.memory_space<vmem>>, vector<16xf32>,
      %get3A_689 = arith.constant 1856 : index
      %get3A_690 = tpu.vector_load %arg6[%get3A_689] {strides = array<i32>} : memref<4096xi32, #tpu.memory_space<vmem>>, vector<16xi32>,
      %gather3A_691 = tpu.vector_load_idx %arg7[%get3A_690] : memref<100000xf32, #tpu.memory_space<vmem>>[vector<16xi32>], vector<16xf32>,
      %swap3A_692 = arith.constant 1856 : index
      %swap3A_693 = tpu.vector_load %arg8[%swap3A_692] {strides = array<i32>} : memref<4096xf32, #tpu.memory_space<vmem>>, vector<16xf32>,
      tpu.vector_store %arg8[%swap3A_692], %gather3A_691 {strides = array<i32>} : memref<4096xf32, #tpu.memory_space<vmem>>, vector<16xf32>,
      %get3A_694 = arith.constant 1872 : index
      %get3A_695 = tpu.vector_load %arg6[%get3A_694] {strides = array<i32>} : memref<4096xi32, #tpu.memory_space<vmem>>, vector<16xi32>,
      %gather3A_696 = tpu.vector_load_idx %arg7[%get3A_695] : memref<100000xf32, #tpu.memory_space<vmem>>[vector<16xi32>], vector<16xf32>,
      %swap3A_697 = arith.constant 1872 : index
      %swap3A_698 = tpu.vector_load %arg8[%swap3A_697] {strides = array<i32>} : memref<4096xf32, #tpu.memory_space<vmem>>, vector<16xf32>,
      tpu.vector_store %arg8[%swap3A_697], %gather3A_696 {strides = array<i32>} : memref<4096xf32, #tpu.memory_space<vmem>>, vector<16xf32>,
      %get3A_699 = arith.constant 1888 : index
      %get3A_700 = tpu.vector_load %arg6[%get3A_699] {strides = array<i32>} : memref<4096xi32, #tpu.memory_space<vmem>>, vector<16xi32>,
      %gather3A_701 = tpu.vector_load_idx %arg7[%get3A_700] : memref<100000xf32, #tpu.memory_space<vmem>>[vector<16xi32>], vector<16xf32>,
      %swap3A_702 = arith.constant 1888 : index
      %swap3A_703 = tpu.vector_load %arg8[%swap3A_702] {strides = array<i32>} : memref<4096xf32, #tpu.memory_space<vmem>>, vector<16xf32>,
      tpu.vector_store %arg8[%swap3A_702], %gather3A_701 {strides = array<i32>} : memref<4096xf32, #tpu.memory_space<vmem>>, vector<16xf32>,
      %get3A_704 = arith.constant 1904 : index
      %get3A_705 = tpu.vector_load %arg6[%get3A_704] {strides = array<i32>} : memref<4096xi32, #tpu.memory_space<vmem>>, vector<16xi32>,
      %gather3A_706 = tpu.vector_load_idx %arg7[%get3A_705] : memref<100000xf32, #tpu.memory_space<vmem>>[vector<16xi32>], vector<16xf32>,
      %swap3A_707 = arith.constant 1904 : index
      %swap3A_708 = tpu.vector_load %arg8[%swap3A_707] {strides = array<i32>} : memref<4096xf32, #tpu.memory_space<vmem>>, vector<16xf32>,
      tpu.vector_store %arg8[%swap3A_707], %gather3A_706 {strides = array<i32>} : memref<4096xf32, #tpu.memory_space<vmem>>, vector<16xf32>,
      %get3A_709 = arith.constant 1920 : index
      %get3A_710 = tpu.vector_load %arg6[%get3A_709] {strides = array<i32>} : memref<4096xi32, #tpu.memory_space<vmem>>, vector<16xi32>,
      %gather3A_711 = tpu.vector_load_idx %arg7[%get3A_710] : memref<100000xf32, #tpu.memory_space<vmem>>[vector<16xi32>], vector<16xf32>,
      %swap3A_712 = arith.constant 1920 : index
      %swap3A_713 = tpu.vector_load %arg8[%swap3A_712] {strides = array<i32>} : memref<4096xf32, #tpu.memory_space<vmem>>, vector<16xf32>,
      tpu.vector_store %arg8[%swap3A_712], %gather3A_711 {strides = array<i32>} : memref<4096xf32, #tpu.memory_space<vmem>>, vector<16xf32>,
      %get3A_714 = arith.constant 1936 : index
      %get3A_715 = tpu.vector_load %arg6[%get3A_714] {strides = array<i32>} : memref<4096xi32, #tpu.memory_space<vmem>>, vector<16xi32>,
      %gather3A_716 = tpu.vector_load_idx %arg7[%get3A_715] : memref<100000xf32, #tpu.memory_space<vmem>>[vector<16xi32>], vector<16xf32>,
      %swap3A_717 = arith.constant 1936 : index
      %swap3A_718 = tpu.vector_load %arg8[%swap3A_717] {strides = array<i32>} : memref<4096xf32, #tpu.memory_space<vmem>>, vector<16xf32>,
      tpu.vector_store %arg8[%swap3A_717], %gather3A_716 {strides = array<i32>} : memref<4096xf32, #tpu.memory_space<vmem>>, vector<16xf32>,
      %get3A_719 = arith.constant 1952 : index
      %get3A_720 = tpu.vector_load %arg6[%get3A_719] {strides = array<i32>} : memref<4096xi32, #tpu.memory_space<vmem>>, vector<16xi32>,
      %gather3A_721 = tpu.vector_load_idx %arg7[%get3A_720] : memref<100000xf32, #tpu.memory_space<vmem>>[vector<16xi32>], vector<16xf32>,
      %swap3A_722 = arith.constant 1952 : index
      %swap3A_723 = tpu.vector_load %arg8[%swap3A_722] {strides = array<i32>} : memref<4096xf32, #tpu.memory_space<vmem>>, vector<16xf32>,
      tpu.vector_store %arg8[%swap3A_722], %gather3A_721 {strides = array<i32>} : memref<4096xf32, #tpu.memory_space<vmem>>, vector<16xf32>,
      %get3A_724 = arith.constant 1968 : index
      %get3A_725 = tpu.vector_load %arg6[%get3A_724] {strides = array<i32>} : memref<4096xi32, #tpu.memory_space<vmem>>, vector<16xi32>,
      %gather3A_726 = tpu.vector_load_idx %arg7[%get3A_725] : memref<100000xf32, #tpu.memory_space<vmem>>[vector<16xi32>], vector<16xf32>,
      %swap3A_727 = arith.constant 1968 : index
      %swap3A_728 = tpu.vector_load %arg8[%swap3A_727] {strides = array<i32>} : memref<4096xf32, #tpu.memory_space<vmem>>, vector<16xf32>,
      tpu.vector_store %arg8[%swap3A_727], %gather3A_726 {strides = array<i32>} : memref<4096xf32, #tpu.memory_space<vmem>>, vector<16xf32>,
      %get3A_729 = arith.constant 1984 : index
      %get3A_730 = tpu.vector_load %arg6[%get3A_729] {strides = array<i32>} : memref<4096xi32, #tpu.memory_space<vmem>>, vector<16xi32>,
      %gather3A_731 = tpu.vector_load_idx %arg7[%get3A_730] : memref<100000xf32, #tpu.memory_space<vmem>>[vector<16xi32>], vector<16xf32>,
      %swap3A_732 = arith.constant 1984 : index
      %swap3A_733 = tpu.vector_load %arg8[%swap3A_732] {strides = array<i32>} : memref<4096xf32, #tpu.memory_space<vmem>>, vector<16xf32>,
      tpu.vector_store %arg8[%swap3A_732], %gather3A_731 {strides = array<i32>} : memref<4096xf32, #tpu.memory_space<vmem>>, vector<16xf32>,
      %get3A_734 = arith.constant 2000 : index
      %get3A_735 = tpu.vector_load %arg6[%get3A_734] {strides = array<i32>} : memref<4096xi32, #tpu.memory_space<vmem>>, vector<16xi32>,
      %gather3A_736 = tpu.vector_load_idx %arg7[%get3A_735] : memref<100000xf32, #tpu.memory_space<vmem>>[vector<16xi32>], vector<16xf32>,
      %swap3A_737 = arith.constant 2000 : index
      %swap3A_738 = tpu.vector_load %arg8[%swap3A_737] {strides = array<i32>} : memref<4096xf32, #tpu.memory_space<vmem>>, vector<16xf32>,
      tpu.vector_store %arg8[%swap3A_737], %gather3A_736 {strides = array<i32>} : memref<4096xf32, #tpu.memory_space<vmem>>, vector<16xf32>,
      %get3A_739 = arith.constant 2016 : index
      %get3A_740 = tpu.vector_load %arg6[%get3A_739] {strides = array<i32>} : memref<4096xi32, #tpu.memory_space<vmem>>, vector<16xi32>,
      %gather3A_741 = tpu.vector_load_idx %arg7[%get3A_740] : memref<100000xf32, #tpu.memory_space<vmem>>[vector<16xi32>], vector<16xf32>,
      %swap3A_742 = arith.constant 2016 : index
      %swap3A_743 = tpu.vector_load %arg8[%swap3A_742] {strides = array<i32>} : memref<4096xf32, #tpu.memory_space<vmem>>, vector<16xf32>,
      tpu.vector_store %arg8[%swap3A_742], %gather3A_741 {strides = array<i32>} : memref<4096xf32, #tpu.memory_space<vmem>>, vector<16xf32>,
      %get3A_744 = arith.constant 2032 : index
      %get3A_745 = tpu.vector_load %arg6[%get3A_744] {strides = array<i32>} : memref<4096xi32, #tpu.memory_space<vmem>>, vector<16xi32>,
      %gather3A_746 = tpu.vector_load_idx %arg7[%get3A_745] : memref<100000xf32, #tpu.memory_space<vmem>>[vector<16xi32>], vector<16xf32>,
      %swap3A_747 = arith.constant 2032 : index
      %swap3A_748 = tpu.vector_load %arg8[%swap3A_747] {strides = array<i32>} : memref<4096xf32, #tpu.memory_space<vmem>>, vector<16xf32>,
      tpu.vector_store %arg8[%swap3A_747], %gather3A_746 {strides = array<i32>} : memref<4096xf32, #tpu.memory_space<vmem>>, vector<16xf32>,
      %get3A_749 = arith.constant 2048 : index
      %get3A_750 = tpu.vector_load %arg6[%get3A_749] {strides = array<i32>} : memref<4096xi32, #tpu.memory_space<vmem>>, vector<16xi32>,
      %gather3A_751 = tpu.vector_load_idx %arg7[%get3A_750] : memref<100000xf32, #tpu.memory_space<vmem>>[vector<16xi32>], vector<16xf32>,
      %swap3A_752 = arith.constant 2048 : index
      %swap3A_753 = tpu.vector_load %arg8[%swap3A_752] {strides = array<i32>} : memref<4096xf32, #tpu.memory_space<vmem>>, vector<16xf32>,
      tpu.vector_store %arg8[%swap3A_752], %gather3A_751 {strides = array<i32>} : memref<4096xf32, #tpu.memory_space<vmem>>, vector<16xf32>,
      %get3A_754 = arith.constant 2064 : index
      %get3A_755 = tpu.vector_load %arg6[%get3A_754] {strides = array<i32>} : memref<4096xi32, #tpu.memory_space<vmem>>, vector<16xi32>,
      %gather3A_756 = tpu.vector_load_idx %arg7[%get3A_755] : memref<100000xf32, #tpu.memory_space<vmem>>[vector<16xi32>], vector<16xf32>,
      %swap3A_757 = arith.constant 2064 : index
      %swap3A_758 = tpu.vector_load %arg8[%swap3A_757] {strides = array<i32>} : memref<4096xf32, #tpu.memory_space<vmem>>, vector<16xf32>,
      tpu.vector_store %arg8[%swap3A_757], %gather3A_756 {strides = array<i32>} : memref<4096xf32, #tpu.memory_space<vmem>>, vector<16xf32>,
      %get3A_759 = arith.constant 2080 : index
      %get3A_760 = tpu.vector_load %arg6[%get3A_759] {strides = array<i32>} : memref<4096xi32, #tpu.memory_space<vmem>>, vector<16xi32>,
      %gather3A_761 = tpu.vector_load_idx %arg7[%get3A_760] : memref<100000xf32, #tpu.memory_space<vmem>>[vector<16xi32>], vector<16xf32>,
      %swap3A_762 = arith.constant 2080 : index
      %swap3A_763 = tpu.vector_load %arg8[%swap3A_762] {strides = array<i32>} : memref<4096xf32, #tpu.memory_space<vmem>>, vector<16xf32>,
      tpu.vector_store %arg8[%swap3A_762], %gather3A_761 {strides = array<i32>} : memref<4096xf32, #tpu.memory_space<vmem>>, vector<16xf32>,
      %get3A_764 = arith.constant 2096 : index
      %get3A_765 = tpu.vector_load %arg6[%get3A_764] {strides = array<i32>} : memref<4096xi32, #tpu.memory_space<vmem>>, vector<16xi32>,
      %gather3A_766 = tpu.vector_load_idx %arg7[%get3A_765] : memref<100000xf32, #tpu.memory_space<vmem>>[vector<16xi32>], vector<16xf32>,
      %swap3A_767 = arith.constant 2096 : index
      %swap3A_768 = tpu.vector_load %arg8[%swap3A_767] {strides = array<i32>} : memref<4096xf32, #tpu.memory_space<vmem>>, vector<16xf32>,
      tpu.vector_store %arg8[%swap3A_767], %gather3A_766 {strides = array<i32>} : memref<4096xf32, #tpu.memory_space<vmem>>, vector<16xf32>,
      %get3A_769 = arith.constant 2112 : index
      %get3A_770 = tpu.vector_load %arg6[%get3A_769] {strides = array<i32>} : memref<4096xi32, #tpu.memory_space<vmem>>, vector<16xi32>,
      %gather3A_771 = tpu.vector_load_idx %arg7[%get3A_770] : memref<100000xf32, #tpu.memory_space<vmem>>[vector<16xi32>], vector<16xf32>,
      %swap3A_772 = arith.constant 2112 : index
      %swap3A_773 = tpu.vector_load %arg8[%swap3A_772] {strides = array<i32>} : memref<4096xf32, #tpu.memory_space<vmem>>, vector<16xf32>,
      tpu.vector_store %arg8[%swap3A_772], %gather3A_771 {strides = array<i32>} : memref<4096xf32, #tpu.memory_space<vmem>>, vector<16xf32>,
      %get3A_774 = arith.constant 2128 : index
      %get3A_775 = tpu.vector_load %arg6[%get3A_774] {strides = array<i32>} : memref<4096xi32, #tpu.memory_space<vmem>>, vector<16xi32>,
      %gather3A_776 = tpu.vector_load_idx %arg7[%get3A_775] : memref<100000xf32, #tpu.memory_space<vmem>>[vector<16xi32>], vector<16xf32>,
      %swap3A_777 = arith.constant 2128 : index
      %swap3A_778 = tpu.vector_load %arg8[%swap3A_777] {strides = array<i32>} : memref<4096xf32, #tpu.memory_space<vmem>>, vector<16xf32>,
      tpu.vector_store %arg8[%swap3A_777], %gather3A_776 {strides = array<i32>} : memref<4096xf32, #tpu.memory_space<vmem>>, vector<16xf32>,
      %get3A_779 = arith.constant 2144 : index
      %get3A_780 = tpu.vector_load %arg6[%get3A_779] {strides = array<i32>} : memref<4096xi32, #tpu.memory_space<vmem>>, vector<16xi32>,
      %gather3A_781 = tpu.vector_load_idx %arg7[%get3A_780] : memref<100000xf32, #tpu.memory_space<vmem>>[vector<16xi32>], vector<16xf32>,
      %swap3A_782 = arith.constant 2144 : index
      %swap3A_783 = tpu.vector_load %arg8[%swap3A_782] {strides = array<i32>} : memref<4096xf32, #tpu.memory_space<vmem>>, vector<16xf32>,
      tpu.vector_store %arg8[%swap3A_782], %gather3A_781 {strides = array<i32>} : memref<4096xf32, #tpu.memory_space<vmem>>, vector<16xf32>,
      %get3A_784 = arith.constant 2160 : index
      %get3A_785 = tpu.vector_load %arg6[%get3A_784] {strides = array<i32>} : memref<4096xi32, #tpu.memory_space<vmem>>, vector<16xi32>,
      %gather3A_786 = tpu.vector_load_idx %arg7[%get3A_785] : memref<100000xf32, #tpu.memory_space<vmem>>[vector<16xi32>], vector<16xf32>,
      %swap3A_787 = arith.constant 2160 : index
      %swap3A_788 = tpu.vector_load %arg8[%swap3A_787] {strides = array<i32>} : memref<4096xf32, #tpu.memory_space<vmem>>, vector<16xf32>,
      tpu.vector_store %arg8[%swap3A_787], %gather3A_786 {strides = array<i32>} : memref<4096xf32, #tpu.memory_space<vmem>>, vector<16xf32>,
      %get3A_789 = arith.constant 2176 : index
      %get3A_790 = tpu.vector_load %arg6[%get3A_789] {strides = array<i32>} : memref<4096xi32, #tpu.memory_space<vmem>>, vector<16xi32>,
      %gather3A_791 = tpu.vector_load_idx %arg7[%get3A_790] : memref<100000xf32, #tpu.memory_space<vmem>>[vector<16xi32>], vector<16xf32>,
      %swap3A_792 = arith.constant 2176 : index
      %swap3A_793 = tpu.vector_load %arg8[%swap3A_792] {strides = array<i32>} : memref<4096xf32, #tpu.memory_space<vmem>>, vector<16xf32>,
      tpu.vector_store %arg8[%swap3A_792], %gather3A_791 {strides = array<i32>} : memref<4096xf32, #tpu.memory_space<vmem>>, vector<16xf32>,
      %get3A_794 = arith.constant 2192 : index
      %get3A_795 = tpu.vector_load %arg6[%get3A_794] {strides = array<i32>} : memref<4096xi32, #tpu.memory_space<vmem>>, vector<16xi32>,
      %gather3A_796 = tpu.vector_load_idx %arg7[%get3A_795] : memref<100000xf32, #tpu.memory_space<vmem>>[vector<16xi32>], vector<16xf32>,
      %swap3A_797 = arith.constant 2192 : index
      %swap3A_798 = tpu.vector_load %arg8[%swap3A_797] {strides = array<i32>} : memref<4096xf32, #tpu.memory_space<vmem>>, vector<16xf32>,
      tpu.vector_store %arg8[%swap3A_797], %gather3A_796 {strides = array<i32>} : memref<4096xf32, #tpu.memory_space<vmem>>, vector<16xf32>,
      %get3A_799 = arith.constant 2208 : index
      %get3A_800 = tpu.vector_load %arg6[%get3A_799] {strides = array<i32>} : memref<4096xi32, #tpu.memory_space<vmem>>, vector<16xi32>,
      %gather3A_801 = tpu.vector_load_idx %arg7[%get3A_800] : memref<100000xf32, #tpu.memory_space<vmem>>[vector<16xi32>], vector<16xf32>,
      %swap3A_802 = arith.constant 2208 : index
      %swap3A_803 = tpu.vector_load %arg8[%swap3A_802] {strides = array<i32>} : memref<4096xf32, #tpu.memory_space<vmem>>, vector<16xf32>,
      tpu.vector_store %arg8[%swap3A_802], %gather3A_801 {strides = array<i32>} : memref<4096xf32, #tpu.memory_space<vmem>>, vector<16xf32>,
      %get3A_804 = arith.constant 2224 : index
      %get3A_805 = tpu.vector_load %arg6[%get3A_804] {strides = array<i32>} : memref<4096xi32, #tpu.memory_space<vmem>>, vector<16xi32>,
      %gather3A_806 = tpu.vector_load_idx %arg7[%get3A_805] : memref<100000xf32, #tpu.memory_space<vmem>>[vector<16xi32>], vector<16xf32>,
      %swap3A_807 = arith.constant 2224 : index
      %swap3A_808 = tpu.vector_load %arg8[%swap3A_807] {strides = array<i32>} : memref<4096xf32, #tpu.memory_space<vmem>>, vector<16xf32>,
      tpu.vector_store %arg8[%swap3A_807], %gather3A_806 {strides = array<i32>} : memref<4096xf32, #tpu.memory_space<vmem>>, vector<16xf32>,
      %get3A_809 = arith.constant 2240 : index
      %get3A_810 = tpu.vector_load %arg6[%get3A_809] {strides = array<i32>} : memref<4096xi32, #tpu.memory_space<vmem>>, vector<16xi32>,
      %gather3A_811 = tpu.vector_load_idx %arg7[%get3A_810] : memref<100000xf32, #tpu.memory_space<vmem>>[vector<16xi32>], vector<16xf32>,
      %swap3A_812 = arith.constant 2240 : index
      %swap3A_813 = tpu.vector_load %arg8[%swap3A_812] {strides = array<i32>} : memref<4096xf32, #tpu.memory_space<vmem>>, vector<16xf32>,
      tpu.vector_store %arg8[%swap3A_812], %gather3A_811 {strides = array<i32>} : memref<4096xf32, #tpu.memory_space<vmem>>, vector<16xf32>,
      %get3A_814 = arith.constant 2256 : index
      %get3A_815 = tpu.vector_load %arg6[%get3A_814] {strides = array<i32>} : memref<4096xi32, #tpu.memory_space<vmem>>, vector<16xi32>,
      %gather3A_816 = tpu.vector_load_idx %arg7[%get3A_815] : memref<100000xf32, #tpu.memory_space<vmem>>[vector<16xi32>], vector<16xf32>,
      %swap3A_817 = arith.constant 2256 : index
      %swap3A_818 = tpu.vector_load %arg8[%swap3A_817] {strides = array<i32>} : memref<4096xf32, #tpu.memory_space<vmem>>, vector<16xf32>,
      tpu.vector_store %arg8[%swap3A_817], %gather3A_816 {strides = array<i32>} : memref<4096xf32, #tpu.memory_space<vmem>>, vector<16xf32>,
      %get3A_819 = arith.constant 2272 : index
      %get3A_820 = tpu.vector_load %arg6[%get3A_819] {strides = array<i32>} : memref<4096xi32, #tpu.memory_space<vmem>>, vector<16xi32>,
      %gather3A_821 = tpu.vector_load_idx %arg7[%get3A_820] : memref<100000xf32, #tpu.memory_space<vmem>>[vector<16xi32>], vector<16xf32>,
      %swap3A_822 = arith.constant 2272 : index
      %swap3A_823 = tpu.vector_load %arg8[%swap3A_822] {strides = array<i32>} : memref<4096xf32, #tpu.memory_space<vmem>>, vector<16xf32>,
      tpu.vector_store %arg8[%swap3A_822], %gather3A_821 {strides = array<i32>} : memref<4096xf32, #tpu.memory_space<vmem>>, vector<16xf32>,
      %get3A_824 = arith.constant 2288 : index
      %get3A_825 = tpu.vector_load %arg6[%get3A_824] {strides = array<i32>} : memref<4096xi32, #tpu.memory_space<vmem>>, vector<16xi32>,
      %gather3A_826 = tpu.vector_load_idx %arg7[%get3A_825] : memref<100000xf32, #tpu.memory_space<vmem>>[vector<16xi32>], vector<16xf32>,
      %swap3A_827 = arith.constant 2288 : index
      %swap3A_828 = tpu.vector_load %arg8[%swap3A_827] {strides = array<i32>} : memref<4096xf32, #tpu.memory_space<vmem>>, vector<16xf32>,
      tpu.vector_store %arg8[%swap3A_827], %gather3A_826 {strides = array<i32>} : memref<4096xf32, #tpu.memory_space<vmem>>, vector<16xf32>,
      %get3A_829 = arith.constant 2304 : index
      %get3A_830 = tpu.vector_load %arg6[%get3A_829] {strides = array<i32>} : memref<4096xi32, #tpu.memory_space<vmem>>, vector<16xi32>,
      %gather3A_831 = tpu.vector_load_idx %arg7[%get3A_830] : memref<100000xf32, #tpu.memory_space<vmem>>[vector<16xi32>], vector<16xf32>,
      %swap3A_832 = arith.constant 2304 : index
      %swap3A_833 = tpu.vector_load %arg8[%swap3A_832] {strides = array<i32>} : memref<4096xf32, #tpu.memory_space<vmem>>, vector<16xf32>,
      tpu.vector_store %arg8[%swap3A_832], %gather3A_831 {strides = array<i32>} : memref<4096xf32, #tpu.memory_space<vmem>>, vector<16xf32>,
      %get3A_834 = arith.constant 2320 : index
      %get3A_835 = tpu.vector_load %arg6[%get3A_834] {strides = array<i32>} : memref<4096xi32, #tpu.memory_space<vmem>>, vector<16xi32>,
      %gather3A_836 = tpu.vector_load_idx %arg7[%get3A_835] : memref<100000xf32, #tpu.memory_space<vmem>>[vector<16xi32>], vector<16xf32>,
      %swap3A_837 = arith.constant 2320 : index
      %swap3A_838 = tpu.vector_load %arg8[%swap3A_837] {strides = array<i32>} : memref<4096xf32, #tpu.memory_space<vmem>>, vector<16xf32>,
      tpu.vector_store %arg8[%swap3A_837], %gather3A_836 {strides = array<i32>} : memref<4096xf32, #tpu.memory_space<vmem>>, vector<16xf32>,
      %get3A_839 = arith.constant 2336 : index
      %get3A_840 = tpu.vector_load %arg6[%get3A_839] {strides = array<i32>} : memref<4096xi32, #tpu.memory_space<vmem>>, vector<16xi32>,
      %gather3A_841 = tpu.vector_load_idx %arg7[%get3A_840] : memref<100000xf32, #tpu.memory_space<vmem>>[vector<16xi32>], vector<16xf32>,
      %swap3A_842 = arith.constant 2336 : index
      %swap3A_843 = tpu.vector_load %arg8[%swap3A_842] {strides = array<i32>} : memref<4096xf32, #tpu.memory_space<vmem>>, vector<16xf32>,
      tpu.vector_store %arg8[%swap3A_842], %gather3A_841 {strides = array<i32>} : memref<4096xf32, #tpu.memory_space<vmem>>, vector<16xf32>,
      %get3A_844 = arith.constant 2352 : index
      %get3A_845 = tpu.vector_load %arg6[%get3A_844] {strides = array<i32>} : memref<4096xi32, #tpu.memory_space<vmem>>, vector<16xi32>,
      %gather3A_846 = tpu.vector_load_idx %arg7[%get3A_845] : memref<100000xf32, #tpu.memory_space<vmem>>[vector<16xi32>], vector<16xf32>,
      %swap3A_847 = arith.constant 2352 : index
      %swap3A_848 = tpu.vector_load %arg8[%swap3A_847] {strides = array<i32>} : memref<4096xf32, #tpu.memory_space<vmem>>, vector<16xf32>,
      tpu.vector_store %arg8[%swap3A_847], %gather3A_846 {strides = array<i32>} : memref<4096xf32, #tpu.memory_space<vmem>>, vector<16xf32>,
      %get3A_849 = arith.constant 2368 : index
      %get3A_850 = tpu.vector_load %arg6[%get3A_849] {strides = array<i32>} : memref<4096xi32, #tpu.memory_space<vmem>>, vector<16xi32>,
      %gather3A_851 = tpu.vector_load_idx %arg7[%get3A_850] : memref<100000xf32, #tpu.memory_space<vmem>>[vector<16xi32>], vector<16xf32>,
      %swap3A_852 = arith.constant 2368 : index
      %swap3A_853 = tpu.vector_load %arg8[%swap3A_852] {strides = array<i32>} : memref<4096xf32, #tpu.memory_space<vmem>>, vector<16xf32>,
      tpu.vector_store %arg8[%swap3A_852], %gather3A_851 {strides = array<i32>} : memref<4096xf32, #tpu.memory_space<vmem>>, vector<16xf32>,
      %get3A_854 = arith.constant 2384 : index
      %get3A_855 = tpu.vector_load %arg6[%get3A_854] {strides = array<i32>} : memref<4096xi32, #tpu.memory_space<vmem>>, vector<16xi32>,
      %gather3A_856 = tpu.vector_load_idx %arg7[%get3A_855] : memref<100000xf32, #tpu.memory_space<vmem>>[vector<16xi32>], vector<16xf32>,
      %swap3A_857 = arith.constant 2384 : index
      %swap3A_858 = tpu.vector_load %arg8[%swap3A_857] {strides = array<i32>} : memref<4096xf32, #tpu.memory_space<vmem>>, vector<16xf32>,
      tpu.vector_store %arg8[%swap3A_857], %gather3A_856 {strides = array<i32>} : memref<4096xf32, #tpu.memory_space<vmem>>, vector<16xf32>,
      %get3A_859 = arith.constant 2400 : index
      %get3A_860 = tpu.vector_load %arg6[%get3A_859] {strides = array<i32>} : memref<4096xi32, #tpu.memory_space<vmem>>, vector<16xi32>,
      %gather3A_861 = tpu.vector_load_idx %arg7[%get3A_860] : memref<100000xf32, #tpu.memory_space<vmem>>[vector<16xi32>], vector<16xf32>,
      %swap3A_862 = arith.constant 2400 : index
      %swap3A_863 = tpu.vector_load %arg8[%swap3A_862] {strides = array<i32>} : memref<4096xf32, #tpu.memory_space<vmem>>, vector<16xf32>,
      tpu.vector_store %arg8[%swap3A_862], %gather3A_861 {strides = array<i32>} : memref<4096xf32, #tpu.memory_space<vmem>>, vector<16xf32>,
      %get3A_864 = arith.constant 2416 : index
      %get3A_865 = tpu.vector_load %arg6[%get3A_864] {strides = array<i32>} : memref<4096xi32, #tpu.memory_space<vmem>>, vector<16xi32>,
      %gather3A_866 = tpu.vector_load_idx %arg7[%get3A_865] : memref<100000xf32, #tpu.memory_space<vmem>>[vector<16xi32>], vector<16xf32>,
      %swap3A_867 = arith.constant 2416 : index
      %swap3A_868 = tpu.vector_load %arg8[%swap3A_867] {strides = array<i32>} : memref<4096xf32, #tpu.memory_space<vmem>>, vector<16xf32>,
      tpu.vector_store %arg8[%swap3A_867], %gather3A_866 {strides = array<i32>} : memref<4096xf32, #tpu.memory_space<vmem>>, vector<16xf32>,
      %get3A_869 = arith.constant 2432 : index
      %get3A_870 = tpu.vector_load %arg6[%get3A_869] {strides = array<i32>} : memref<4096xi32, #tpu.memory_space<vmem>>, vector<16xi32>,
      %gather3A_871 = tpu.vector_load_idx %arg7[%get3A_870] : memref<100000xf32, #tpu.memory_space<vmem>>[vector<16xi32>], vector<16xf32>,
      %swap3A_872 = arith.constant 2432 : index
      %swap3A_873 = tpu.vector_load %arg8[%swap3A_872] {strides = array<i32>} : memref<4096xf32, #tpu.memory_space<vmem>>, vector<16xf32>,
      tpu.vector_store %arg8[%swap3A_872], %gather3A_871 {strides = array<i32>} : memref<4096xf32, #tpu.memory_space<vmem>>, vector<16xf32>,
      %get3A_874 = arith.constant 2448 : index
      %get3A_875 = tpu.vector_load %arg6[%get3A_874] {strides = array<i32>} : memref<4096xi32, #tpu.memory_space<vmem>>, vector<16xi32>,
      %gather3A_876 = tpu.vector_load_idx %arg7[%get3A_875] : memref<100000xf32, #tpu.memory_space<vmem>>[vector<16xi32>], vector<16xf32>,
      %swap3A_877 = arith.constant 2448 : index
      %swap3A_878 = tpu.vector_load %arg8[%swap3A_877] {strides = array<i32>} : memref<4096xf32, #tpu.memory_space<vmem>>, vector<16xf32>,
      tpu.vector_store %arg8[%swap3A_877], %gather3A_876 {strides = array<i32>} : memref<4096xf32, #tpu.memory_space<vmem>>, vector<16xf32>,
      %get3A_879 = arith.constant 2464 : index
      %get3A_880 = tpu.vector_load %arg6[%get3A_879] {strides = array<i32>} : memref<4096xi32, #tpu.memory_space<vmem>>, vector<16xi32>,
      %gather3A_881 = tpu.vector_load_idx %arg7[%get3A_880] : memref<100000xf32, #tpu.memory_space<vmem>>[vector<16xi32>], vector<16xf32>,
      %swap3A_882 = arith.constant 2464 : index
      %swap3A_883 = tpu.vector_load %arg8[%swap3A_882] {strides = array<i32>} : memref<4096xf32, #tpu.memory_space<vmem>>, vector<16xf32>,
      tpu.vector_store %arg8[%swap3A_882], %gather3A_881 {strides = array<i32>} : memref<4096xf32, #tpu.memory_space<vmem>>, vector<16xf32>,
      %get3A_884 = arith.constant 2480 : index
      %get3A_885 = tpu.vector_load %arg6[%get3A_884] {strides = array<i32>} : memref<4096xi32, #tpu.memory_space<vmem>>, vector<16xi32>,
      %gather3A_886 = tpu.vector_load_idx %arg7[%get3A_885] : memref<100000xf32, #tpu.memory_space<vmem>>[vector<16xi32>], vector<16xf32>,
      %swap3A_887 = arith.constant 2480 : index
      %swap3A_888 = tpu.vector_load %arg8[%swap3A_887] {strides = array<i32>} : memref<4096xf32, #tpu.memory_space<vmem>>, vector<16xf32>,
      tpu.vector_store %arg8[%swap3A_887], %gather3A_886 {strides = array<i32>} : memref<4096xf32, #tpu.memory_space<vmem>>, vector<16xf32>,
      %get3A_889 = arith.constant 2496 : index
      %get3A_890 = tpu.vector_load %arg6[%get3A_889] {strides = array<i32>} : memref<4096xi32, #tpu.memory_space<vmem>>, vector<16xi32>,
      %gather3A_891 = tpu.vector_load_idx %arg7[%get3A_890] : memref<100000xf32, #tpu.memory_space<vmem>>[vector<16xi32>], vector<16xf32>,
      %swap3A_892 = arith.constant 2496 : index
      %swap3A_893 = tpu.vector_load %arg8[%swap3A_892] {strides = array<i32>} : memref<4096xf32, #tpu.memory_space<vmem>>, vector<16xf32>,
      tpu.vector_store %arg8[%swap3A_892], %gather3A_891 {strides = array<i32>} : memref<4096xf32, #tpu.memory_space<vmem>>, vector<16xf32>,
      %get3A_894 = arith.constant 2512 : index
      %get3A_895 = tpu.vector_load %arg6[%get3A_894] {strides = array<i32>} : memref<4096xi32, #tpu.memory_space<vmem>>, vector<16xi32>,
      %gather3A_896 = tpu.vector_load_idx %arg7[%get3A_895] : memref<100000xf32, #tpu.memory_space<vmem>>[vector<16xi32>], vector<16xf32>,
      %swap3A_897 = arith.constant 2512 : index
      %swap3A_898 = tpu.vector_load %arg8[%swap3A_897] {strides = array<i32>} : memref<4096xf32, #tpu.memory_space<vmem>>, vector<16xf32>,
      tpu.vector_store %arg8[%swap3A_897], %gather3A_896 {strides = array<i32>} : memref<4096xf32, #tpu.memory_space<vmem>>, vector<16xf32>,
      %get3A_899 = arith.constant 2528 : index
      %get3A_900 = tpu.vector_load %arg6[%get3A_899] {strides = array<i32>} : memref<4096xi32, #tpu.memory_space<vmem>>, vector<16xi32>,
      %gather3A_901 = tpu.vector_load_idx %arg7[%get3A_900] : memref<100000xf32, #tpu.memory_space<vmem>>[vector<16xi32>], vector<16xf32>,
      %swap3A_902 = arith.constant 2528 : index
      %swap3A_903 = tpu.vector_load %arg8[%swap3A_902] {strides = array<i32>} : memref<4096xf32, #tpu.memory_space<vmem>>, vector<16xf32>,
      tpu.vector_store %arg8[%swap3A_902], %gather3A_901 {strides = array<i32>} : memref<4096xf32, #tpu.memory_space<vmem>>, vector<16xf32>,
      %get3A_904 = arith.constant 2544 : index
      %get3A_905 = tpu.vector_load %arg6[%get3A_904] {strides = array<i32>} : memref<4096xi32, #tpu.memory_space<vmem>>, vector<16xi32>,
      %gather3A_906 = tpu.vector_load_idx %arg7[%get3A_905] : memref<100000xf32, #tpu.memory_space<vmem>>[vector<16xi32>], vector<16xf32>,
      %swap3A_907 = arith.constant 2544 : index
      %swap3A_908 = tpu.vector_load %arg8[%swap3A_907] {strides = array<i32>} : memref<4096xf32, #tpu.memory_space<vmem>>, vector<16xf32>,
      tpu.vector_store %arg8[%swap3A_907], %gather3A_906 {strides = array<i32>} : memref<4096xf32, #tpu.memory_space<vmem>>, vector<16xf32>,
      %get3A_909 = arith.constant 2560 : index
      %get3A_910 = tpu.vector_load %arg6[%get3A_909] {strides = array<i32>} : memref<4096xi32, #tpu.memory_space<vmem>>, vector<16xi32>,
      %gather3A_911 = tpu.vector_load_idx %arg7[%get3A_910] : memref<100000xf32, #tpu.memory_space<vmem>>[vector<16xi32>], vector<16xf32>,
      %swap3A_912 = arith.constant 2560 : index
      %swap3A_913 = tpu.vector_load %arg8[%swap3A_912] {strides = array<i32>} : memref<4096xf32, #tpu.memory_space<vmem>>, vector<16xf32>,
      tpu.vector_store %arg8[%swap3A_912], %gather3A_911 {strides = array<i32>} : memref<4096xf32, #tpu.memory_space<vmem>>, vector<16xf32>,
      %get3A_914 = arith.constant 2576 : index
      %get3A_915 = tpu.vector_load %arg6[%get3A_914] {strides = array<i32>} : memref<4096xi32, #tpu.memory_space<vmem>>, vector<16xi32>,
      %gather3A_916 = tpu.vector_load_idx %arg7[%get3A_915] : memref<100000xf32, #tpu.memory_space<vmem>>[vector<16xi32>], vector<16xf32>,
      %swap3A_917 = arith.constant 2576 : index
      %swap3A_918 = tpu.vector_load %arg8[%swap3A_917] {strides = array<i32>} : memref<4096xf32, #tpu.memory_space<vmem>>, vector<16xf32>,
      tpu.vector_store %arg8[%swap3A_917], %gather3A_916 {strides = array<i32>} : memref<4096xf32, #tpu.memory_space<vmem>>, vector<16xf32>,
      %get3A_919 = arith.constant 2592 : index
      %get3A_920 = tpu.vector_load %arg6[%get3A_919] {strides = array<i32>} : memref<4096xi32, #tpu.memory_space<vmem>>, vector<16xi32>,
      %gather3A_921 = tpu.vector_load_idx %arg7[%get3A_920] : memref<100000xf32, #tpu.memory_space<vmem>>[vector<16xi32>], vector<16xf32>,
      %swap3A_922 = arith.constant 2592 : index
      %swap3A_923 = tpu.vector_load %arg8[%swap3A_922] {strides = array<i32>} : memref<4096xf32, #tpu.memory_space<vmem>>, vector<16xf32>,
      tpu.vector_store %arg8[%swap3A_922], %gather3A_921 {strides = array<i32>} : memref<4096xf32, #tpu.memory_space<vmem>>, vector<16xf32>,
      %get3A_924 = arith.constant 2608 : index
      %get3A_925 = tpu.vector_load %arg6[%get3A_924] {strides = array<i32>} : memref<4096xi32, #tpu.memory_space<vmem>>, vector<16xi32>,
      %gather3A_926 = tpu.vector_load_idx %arg7[%get3A_925] : memref<100000xf32, #tpu.memory_space<vmem>>[vector<16xi32>], vector<16xf32>,
      %swap3A_927 = arith.constant 2608 : index
      %swap3A_928 = tpu.vector_load %arg8[%swap3A_927] {strides = array<i32>} : memref<4096xf32, #tpu.memory_space<vmem>>, vector<16xf32>,
      tpu.vector_store %arg8[%swap3A_927], %gather3A_926 {strides = array<i32>} : memref<4096xf32, #tpu.memory_space<vmem>>, vector<16xf32>,
      %get3A_929 = arith.constant 2624 : index
      %get3A_930 = tpu.vector_load %arg6[%get3A_929] {strides = array<i32>} : memref<4096xi32, #tpu.memory_space<vmem>>, vector<16xi32>,
      %gather3A_931 = tpu.vector_load_idx %arg7[%get3A_930] : memref<100000xf32, #tpu.memory_space<vmem>>[vector<16xi32>], vector<16xf32>,
      %swap3A_932 = arith.constant 2624 : index
      %swap3A_933 = tpu.vector_load %arg8[%swap3A_932] {strides = array<i32>} : memref<4096xf32, #tpu.memory_space<vmem>>, vector<16xf32>,
      tpu.vector_store %arg8[%swap3A_932], %gather3A_931 {strides = array<i32>} : memref<4096xf32, #tpu.memory_space<vmem>>, vector<16xf32>,
      %get3A_934 = arith.constant 2640 : index
      %get3A_935 = tpu.vector_load %arg6[%get3A_934] {strides = array<i32>} : memref<4096xi32, #tpu.memory_space<vmem>>, vector<16xi32>,
      %gather3A_936 = tpu.vector_load_idx %arg7[%get3A_935] : memref<100000xf32, #tpu.memory_space<vmem>>[vector<16xi32>], vector<16xf32>,
      %swap3A_937 = arith.constant 2640 : index
      %swap3A_938 = tpu.vector_load %arg8[%swap3A_937] {strides = array<i32>} : memref<4096xf32, #tpu.memory_space<vmem>>, vector<16xf32>,
      tpu.vector_store %arg8[%swap3A_937], %gather3A_936 {strides = array<i32>} : memref<4096xf32, #tpu.memory_space<vmem>>, vector<16xf32>,
      %get3A_939 = arith.constant 2656 : index
      %get3A_940 = tpu.vector_load %arg6[%get3A_939] {strides = array<i32>} : memref<4096xi32, #tpu.memory_space<vmem>>, vector<16xi32>,
      %gather3A_941 = tpu.vector_load_idx %arg7[%get3A_940] : memref<100000xf32, #tpu.memory_space<vmem>>[vector<16xi32>], vector<16xf32>,
      %swap3A_942 = arith.constant 2656 : index
      %swap3A_943 = tpu.vector_load %arg8[%swap3A_942] {strides = array<i32>} : memref<4096xf32, #tpu.memory_space<vmem>>, vector<16xf32>,
      tpu.vector_store %arg8[%swap3A_942], %gather3A_941 {strides = array<i32>} : memref<4096xf32, #tpu.memory_space<vmem>>, vector<16xf32>,
      %get3A_944 = arith.constant 2672 : index
      %get3A_945 = tpu.vector_load %arg6[%get3A_944] {strides = array<i32>} : memref<4096xi32, #tpu.memory_space<vmem>>, vector<16xi32>,
      %gather3A_946 = tpu.vector_load_idx %arg7[%get3A_945] : memref<100000xf32, #tpu.memory_space<vmem>>[vector<16xi32>], vector<16xf32>,
      %swap3A_947 = arith.constant 2672 : index
      %swap3A_948 = tpu.vector_load %arg8[%swap3A_947] {strides = array<i32>} : memref<4096xf32, #tpu.memory_space<vmem>>, vector<16xf32>,
      tpu.vector_store %arg8[%swap3A_947], %gather3A_946 {strides = array<i32>} : memref<4096xf32, #tpu.memory_space<vmem>>, vector<16xf32>,
      %get3A_949 = arith.constant 2688 : index
      %get3A_950 = tpu.vector_load %arg6[%get3A_949] {strides = array<i32>} : memref<4096xi32, #tpu.memory_space<vmem>>, vector<16xi32>,
      %gather3A_951 = tpu.vector_load_idx %arg7[%get3A_950] : memref<100000xf32, #tpu.memory_space<vmem>>[vector<16xi32>], vector<16xf32>,
      %swap3A_952 = arith.constant 2688 : index
      %swap3A_953 = tpu.vector_load %arg8[%swap3A_952] {strides = array<i32>} : memref<4096xf32, #tpu.memory_space<vmem>>, vector<16xf32>,
      tpu.vector_store %arg8[%swap3A_952], %gather3A_951 {strides = array<i32>} : memref<4096xf32, #tpu.memory_space<vmem>>, vector<16xf32>,
      %get3A_954 = arith.constant 2704 : index
      %get3A_955 = tpu.vector_load %arg6[%get3A_954] {strides = array<i32>} : memref<4096xi32, #tpu.memory_space<vmem>>, vector<16xi32>,
      %gather3A_956 = tpu.vector_load_idx %arg7[%get3A_955] : memref<100000xf32, #tpu.memory_space<vmem>>[vector<16xi32>], vector<16xf32>,
      %swap3A_957 = arith.constant 2704 : index
      %swap3A_958 = tpu.vector_load %arg8[%swap3A_957] {strides = array<i32>} : memref<4096xf32, #tpu.memory_space<vmem>>, vector<16xf32>,
      tpu.vector_store %arg8[%swap3A_957], %gather3A_956 {strides = array<i32>} : memref<4096xf32, #tpu.memory_space<vmem>>, vector<16xf32>,
      %get3A_959 = arith.constant 2720 : index
      %get3A_960 = tpu.vector_load %arg6[%get3A_959] {strides = array<i32>} : memref<4096xi32, #tpu.memory_space<vmem>>, vector<16xi32>,
      %gather3A_961 = tpu.vector_load_idx %arg7[%get3A_960] : memref<100000xf32, #tpu.memory_space<vmem>>[vector<16xi32>], vector<16xf32>,
      %swap3A_962 = arith.constant 2720 : index
      %swap3A_963 = tpu.vector_load %arg8[%swap3A_962] {strides = array<i32>} : memref<4096xf32, #tpu.memory_space<vmem>>, vector<16xf32>,
      tpu.vector_store %arg8[%swap3A_962], %gather3A_961 {strides = array<i32>} : memref<4096xf32, #tpu.memory_space<vmem>>, vector<16xf32>,
      %get3A_964 = arith.constant 2736 : index
      %get3A_965 = tpu.vector_load %arg6[%get3A_964] {strides = array<i32>} : memref<4096xi32, #tpu.memory_space<vmem>>, vector<16xi32>,
      %gather3A_966 = tpu.vector_load_idx %arg7[%get3A_965] : memref<100000xf32, #tpu.memory_space<vmem>>[vector<16xi32>], vector<16xf32>,
      %swap3A_967 = arith.constant 2736 : index
      %swap3A_968 = tpu.vector_load %arg8[%swap3A_967] {strides = array<i32>} : memref<4096xf32, #tpu.memory_space<vmem>>, vector<16xf32>,
      tpu.vector_store %arg8[%swap3A_967], %gather3A_966 {strides = array<i32>} : memref<4096xf32, #tpu.memory_space<vmem>>, vector<16xf32>,
      %get3A_969 = arith.constant 2752 : index
      %get3A_970 = tpu.vector_load %arg6[%get3A_969] {strides = array<i32>} : memref<4096xi32, #tpu.memory_space<vmem>>, vector<16xi32>,
      %gather3A_971 = tpu.vector_load_idx %arg7[%get3A_970] : memref<100000xf32, #tpu.memory_space<vmem>>[vector<16xi32>], vector<16xf32>,
      %swap3A_972 = arith.constant 2752 : index
      %swap3A_973 = tpu.vector_load %arg8[%swap3A_972] {strides = array<i32>} : memref<4096xf32, #tpu.memory_space<vmem>>, vector<16xf32>,
      tpu.vector_store %arg8[%swap3A_972], %gather3A_971 {strides = array<i32>} : memref<4096xf32, #tpu.memory_space<vmem>>, vector<16xf32>,
      %get3A_974 = arith.constant 2768 : index
      %get3A_975 = tpu.vector_load %arg6[%get3A_974] {strides = array<i32>} : memref<4096xi32, #tpu.memory_space<vmem>>, vector<16xi32>,
      %gather3A_976 = tpu.vector_load_idx %arg7[%get3A_975] : memref<100000xf32, #tpu.memory_space<vmem>>[vector<16xi32>], vector<16xf32>,
      %swap3A_977 = arith.constant 2768 : index
      %swap3A_978 = tpu.vector_load %arg8[%swap3A_977] {strides = array<i32>} : memref<4096xf32, #tpu.memory_space<vmem>>, vector<16xf32>,
      tpu.vector_store %arg8[%swap3A_977], %gather3A_976 {strides = array<i32>} : memref<4096xf32, #tpu.memory_space<vmem>>, vector<16xf32>,
      %get3A_979 = arith.constant 2784 : index
      %get3A_980 = tpu.vector_load %arg6[%get3A_979] {strides = array<i32>} : memref<4096xi32, #tpu.memory_space<vmem>>, vector<16xi32>,
      %gather3A_981 = tpu.vector_load_idx %arg7[%get3A_980] : memref<100000xf32, #tpu.memory_space<vmem>>[vector<16xi32>], vector<16xf32>,
      %swap3A_982 = arith.constant 2784 : index
      %swap3A_983 = tpu.vector_load %arg8[%swap3A_982] {strides = array<i32>} : memref<4096xf32, #tpu.memory_space<vmem>>, vector<16xf32>,
      tpu.vector_store %arg8[%swap3A_982], %gather3A_981 {strides = array<i32>} : memref<4096xf32, #tpu.memory_space<vmem>>, vector<16xf32>,
      %get3A_984 = arith.constant 2800 : index
      %get3A_985 = tpu.vector_load %arg6[%get3A_984] {strides = array<i32>} : memref<4096xi32, #tpu.memory_space<vmem>>, vector<16xi32>,
      %gather3A_986 = tpu.vector_load_idx %arg7[%get3A_985] : memref<100000xf32, #tpu.memory_space<vmem>>[vector<16xi32>], vector<16xf32>,
      %swap3A_987 = arith.constant 2800 : index
      %swap3A_988 = tpu.vector_load %arg8[%swap3A_987] {strides = array<i32>} : memref<4096xf32, #tpu.memory_space<vmem>>, vector<16xf32>,
      tpu.vector_store %arg8[%swap3A_987], %gather3A_986 {strides = array<i32>} : memref<4096xf32, #tpu.memory_space<vmem>>, vector<16xf32>,
      %get3A_989 = arith.constant 2816 : index
      %get3A_990 = tpu.vector_load %arg6[%get3A_989] {strides = array<i32>} : memref<4096xi32, #tpu.memory_space<vmem>>, vector<16xi32>,
      %gather3A_991 = tpu.vector_load_idx %arg7[%get3A_990] : memref<100000xf32, #tpu.memory_space<vmem>>[vector<16xi32>], vector<16xf32>,
      %swap3A_992 = arith.constant 2816 : index
      %swap3A_993 = tpu.vector_load %arg8[%swap3A_992] {strides = array<i32>} : memref<4096xf32, #tpu.memory_space<vmem>>, vector<16xf32>,
      tpu.vector_store %arg8[%swap3A_992], %gather3A_991 {strides = array<i32>} : memref<4096xf32, #tpu.memory_space<vmem>>, vector<16xf32>,
      %get3A_994 = arith.constant 2832 : index
      %get3A_995 = tpu.vector_load %arg6[%get3A_994] {strides = array<i32>} : memref<4096xi32, #tpu.memory_space<vmem>>, vector<16xi32>,
      %gather3A_996 = tpu.vector_load_idx %arg7[%get3A_995] : memref<100000xf32, #tpu.memory_space<vmem>>[vector<16xi32>], vector<16xf32>,
      %swap3A_997 = arith.constant 2832 : index
      %swap3A_998 = tpu.vector_load %arg8[%swap3A_997] {strides = array<i32>} : memref<4096xf32, #tpu.memory_space<vmem>>, vector<16xf32>,
      tpu.vector_store %arg8[%swap3A_997], %gather3A_996 {strides = array<i32>} : memref<4096xf32, #tpu.memory_space<vmem>>, vector<16xf32>,
      %get3A_999 = arith.constant 2848 : index
      %get3A_1000 = tpu.vector_load %arg6[%get3A_999] {strides = array<i32>} : memref<4096xi32, #tpu.memory_space<vmem>>, vector<16xi32>,
      %gather3A_1001 = tpu.vector_load_idx %arg7[%get3A_1000] : memref<100000xf32, #tpu.memory_space<vmem>>[vector<16xi32>], vector<16xf32>,
      %swap3A_1002 = arith.constant 2848 : index
      %swap3A_1003 = tpu.vector_load %arg8[%swap3A_1002] {strides = array<i32>} : memref<4096xf32, #tpu.memory_space<vmem>>, vector<16xf32>,
      tpu.vector_store %arg8[%swap3A_1002], %gather3A_1001 {strides = array<i32>} : memref<4096xf32, #tpu.memory_space<vmem>>, vector<16xf32>,
      %get3A_1004 = arith.constant 2864 : index
      %get3A_1005 = tpu.vector_load %arg6[%get3A_1004] {strides = array<i32>} : memref<4096xi32, #tpu.memory_space<vmem>>, vector<16xi32>,
      %gather3A_1006 = tpu.vector_load_idx %arg7[%get3A_1005] : memref<100000xf32, #tpu.memory_space<vmem>>[vector<16xi32>], vector<16xf32>,
      %swap3A_1007 = arith.constant 2864 : index
      %swap3A_1008 = tpu.vector_load %arg8[%swap3A_1007] {strides = array<i32>} : memref<4096xf32, #tpu.memory_space<vmem>>, vector<16xf32>,
      tpu.vector_store %arg8[%swap3A_1007], %gather3A_1006 {strides = array<i32>} : memref<4096xf32, #tpu.memory_space<vmem>>, vector<16xf32>,
      %get3A_1009 = arith.constant 2880 : index
      %get3A_1010 = tpu.vector_load %arg6[%get3A_1009] {strides = array<i32>} : memref<4096xi32, #tpu.memory_space<vmem>>, vector<16xi32>,
      %gather3A_1011 = tpu.vector_load_idx %arg7[%get3A_1010] : memref<100000xf32, #tpu.memory_space<vmem>>[vector<16xi32>], vector<16xf32>,
      %swap3A_1012 = arith.constant 2880 : index
      %swap3A_1013 = tpu.vector_load %arg8[%swap3A_1012] {strides = array<i32>} : memref<4096xf32, #tpu.memory_space<vmem>>, vector<16xf32>,
      tpu.vector_store %arg8[%swap3A_1012], %gather3A_1011 {strides = array<i32>} : memref<4096xf32, #tpu.memory_space<vmem>>, vector<16xf32>,
      %get3A_1014 = arith.constant 2896 : index
      %get3A_1015 = tpu.vector_load %arg6[%get3A_1014] {strides = array<i32>} : memref<4096xi32, #tpu.memory_space<vmem>>, vector<16xi32>,
      %gather3A_1016 = tpu.vector_load_idx %arg7[%get3A_1015] : memref<100000xf32, #tpu.memory_space<vmem>>[vector<16xi32>], vector<16xf32>,
      %swap3A_1017 = arith.constant 2896 : index
      %swap3A_1018 = tpu.vector_load %arg8[%swap3A_1017] {strides = array<i32>} : memref<4096xf32, #tpu.memory_space<vmem>>, vector<16xf32>,
      tpu.vector_store %arg8[%swap3A_1017], %gather3A_1016 {strides = array<i32>} : memref<4096xf32, #tpu.memory_space<vmem>>, vector<16xf32>,
      %get3A_1019 = arith.constant 2912 : index
      %get3A_1020 = tpu.vector_load %arg6[%get3A_1019] {strides = array<i32>} : memref<4096xi32, #tpu.memory_space<vmem>>, vector<16xi32>,
      %gather3A_1021 = tpu.vector_load_idx %arg7[%get3A_1020] : memref<100000xf32, #tpu.memory_space<vmem>>[vector<16xi32>], vector<16xf32>,
      %swap3A_1022 = arith.constant 2912 : index
      %swap3A_1023 = tpu.vector_load %arg8[%swap3A_1022] {strides = array<i32>} : memref<4096xf32, #tpu.memory_space<vmem>>, vector<16xf32>,
      tpu.vector_store %arg8[%swap3A_1022], %gather3A_1021 {strides = array<i32>} : memref<4096xf32, #tpu.memory_space<vmem>>, vector<16xf32>,
      %get3A_1024 = arith.constant 2928 : index
      %get3A_1025 = tpu.vector_load %arg6[%get3A_1024] {strides = array<i32>} : memref<4096xi32, #tpu.memory_space<vmem>>, vector<16xi32>,
      %gather3A_1026 = tpu.vector_load_idx %arg7[%get3A_1025] : memref<100000xf32, #tpu.memory_space<vmem>>[vector<16xi32>], vector<16xf32>,
      %swap3A_1027 = arith.constant 2928 : index
      %swap3A_1028 = tpu.vector_load %arg8[%swap3A_1027] {strides = array<i32>} : memref<4096xf32, #tpu.memory_space<vmem>>, vector<16xf32>,
      tpu.vector_store %arg8[%swap3A_1027], %gather3A_1026 {strides = array<i32>} : memref<4096xf32, #tpu.memory_space<vmem>>, vector<16xf32>,
      %get3A_1029 = arith.constant 2944 : index
      %get3A_1030 = tpu.vector_load %arg6[%get3A_1029] {strides = array<i32>} : memref<4096xi32, #tpu.memory_space<vmem>>, vector<16xi32>,
      %gather3A_1031 = tpu.vector_load_idx %arg7[%get3A_1030] : memref<100000xf32, #tpu.memory_space<vmem>>[vector<16xi32>], vector<16xf32>,
      %swap3A_1032 = arith.constant 2944 : index
      %swap3A_1033 = tpu.vector_load %arg8[%swap3A_1032] {strides = array<i32>} : memref<4096xf32, #tpu.memory_space<vmem>>, vector<16xf32>,
      tpu.vector_store %arg8[%swap3A_1032], %gather3A_1031 {strides = array<i32>} : memref<4096xf32, #tpu.memory_space<vmem>>, vector<16xf32>,
      %get3A_1034 = arith.constant 2960 : index
      %get3A_1035 = tpu.vector_load %arg6[%get3A_1034] {strides = array<i32>} : memref<4096xi32, #tpu.memory_space<vmem>>, vector<16xi32>,
      %gather3A_1036 = tpu.vector_load_idx %arg7[%get3A_1035] : memref<100000xf32, #tpu.memory_space<vmem>>[vector<16xi32>], vector<16xf32>,
      %swap3A_1037 = arith.constant 2960 : index
      %swap3A_1038 = tpu.vector_load %arg8[%swap3A_1037] {strides = array<i32>} : memref<4096xf32, #tpu.memory_space<vmem>>, vector<16xf32>,
      tpu.vector_store %arg8[%swap3A_1037], %gather3A_1036 {strides = array<i32>} : memref<4096xf32, #tpu.memory_space<vmem>>, vector<16xf32>,
      %get3A_1039 = arith.constant 2976 : index
      %get3A_1040 = tpu.vector_load %arg6[%get3A_1039] {strides = array<i32>} : memref<4096xi32, #tpu.memory_space<vmem>>, vector<16xi32>,
      %gather3A_1041 = tpu.vector_load_idx %arg7[%get3A_1040] : memref<100000xf32, #tpu.memory_space<vmem>>[vector<16xi32>], vector<16xf32>,
      %swap3A_1042 = arith.constant 2976 : index
      %swap3A_1043 = tpu.vector_load %arg8[%swap3A_1042] {strides = array<i32>} : memref<4096xf32, #tpu.memory_space<vmem>>, vector<16xf32>,
      tpu.vector_store %arg8[%swap3A_1042], %gather3A_1041 {strides = array<i32>} : memref<4096xf32, #tpu.memory_space<vmem>>, vector<16xf32>,
      %get3A_1044 = arith.constant 2992 : index
      %get3A_1045 = tpu.vector_load %arg6[%get3A_1044] {strides = array<i32>} : memref<4096xi32, #tpu.memory_space<vmem>>, vector<16xi32>,
      %gather3A_1046 = tpu.vector_load_idx %arg7[%get3A_1045] : memref<100000xf32, #tpu.memory_space<vmem>>[vector<16xi32>], vector<16xf32>,
      %swap3A_1047 = arith.constant 2992 : index
      %swap3A_1048 = tpu.vector_load %arg8[%swap3A_1047] {strides = array<i32>} : memref<4096xf32, #tpu.memory_space<vmem>>, vector<16xf32>,
      tpu.vector_store %arg8[%swap3A_1047], %gather3A_1046 {strides = array<i32>} : memref<4096xf32, #tpu.memory_space<vmem>>, vector<16xf32>,
      %get3A_1049 = arith.constant 3008 : index
      %get3A_1050 = tpu.vector_load %arg6[%get3A_1049] {strides = array<i32>} : memref<4096xi32, #tpu.memory_space<vmem>>, vector<16xi32>,
      %gather3A_1051 = tpu.vector_load_idx %arg7[%get3A_1050] : memref<100000xf32, #tpu.memory_space<vmem>>[vector<16xi32>], vector<16xf32>,
      %swap3A_1052 = arith.constant 3008 : index
      %swap3A_1053 = tpu.vector_load %arg8[%swap3A_1052] {strides = array<i32>} : memref<4096xf32, #tpu.memory_space<vmem>>, vector<16xf32>,
      tpu.vector_store %arg8[%swap3A_1052], %gather3A_1051 {strides = array<i32>} : memref<4096xf32, #tpu.memory_space<vmem>>, vector<16xf32>,
      %get3A_1054 = arith.constant 3024 : index
      %get3A_1055 = tpu.vector_load %arg6[%get3A_1054] {strides = array<i32>} : memref<4096xi32, #tpu.memory_space<vmem>>, vector<16xi32>,
      %gather3A_1056 = tpu.vector_load_idx %arg7[%get3A_1055] : memref<100000xf32, #tpu.memory_space<vmem>>[vector<16xi32>], vector<16xf32>,
      %swap3A_1057 = arith.constant 3024 : index
      %swap3A_1058 = tpu.vector_load %arg8[%swap3A_1057] {strides = array<i32>} : memref<4096xf32, #tpu.memory_space<vmem>>, vector<16xf32>,
      tpu.vector_store %arg8[%swap3A_1057], %gather3A_1056 {strides = array<i32>} : memref<4096xf32, #tpu.memory_space<vmem>>, vector<16xf32>,
      %get3A_1059 = arith.constant 3040 : index
      %get3A_1060 = tpu.vector_load %arg6[%get3A_1059] {strides = array<i32>} : memref<4096xi32, #tpu.memory_space<vmem>>, vector<16xi32>,
      %gather3A_1061 = tpu.vector_load_idx %arg7[%get3A_1060] : memref<100000xf32, #tpu.memory_space<vmem>>[vector<16xi32>], vector<16xf32>,
      %swap3A_1062 = arith.constant 3040 : index
      %swap3A_1063 = tpu.vector_load %arg8[%swap3A_1062] {strides = array<i32>} : memref<4096xf32, #tpu.memory_space<vmem>>, vector<16xf32>,
      tpu.vector_store %arg8[%swap3A_1062], %gather3A_1061 {strides = array<i32>} : memref<4096xf32, #tpu.memory_space<vmem>>, vector<16xf32>,
      %get3A_1064 = arith.constant 3056 : index
      %get3A_1065 = tpu.vector_load %arg6[%get3A_1064] {strides = array<i32>} : memref<4096xi32, #tpu.memory_space<vmem>>, vector<16xi32>,
      %gather3A_1066 = tpu.vector_load_idx %arg7[%get3A_1065] : memref<100000xf32, #tpu.memory_space<vmem>>[vector<16xi32>], vector<16xf32>,
      %swap3A_1067 = arith.constant 3056 : index
      %swap3A_1068 = tpu.vector_load %arg8[%swap3A_1067] {strides = array<i32>} : memref<4096xf32, #tpu.memory_space<vmem>>, vector<16xf32>,
      tpu.vector_store %arg8[%swap3A_1067], %gather3A_1066 {strides = array<i32>} : memref<4096xf32, #tpu.memory_space<vmem>>, vector<16xf32>,
      %get3A_1069 = arith.constant 3072 : index
      %get3A_1070 = tpu.vector_load %arg6[%get3A_1069] {strides = array<i32>} : memref<4096xi32, #tpu.memory_space<vmem>>, vector<16xi32>,
      %gather3A_1071 = tpu.vector_load_idx %arg7[%get3A_1070] : memref<100000xf32, #tpu.memory_space<vmem>>[vector<16xi32>], vector<16xf32>,
      %swap3A_1072 = arith.constant 3072 : index
      %swap3A_1073 = tpu.vector_load %arg8[%swap3A_1072] {strides = array<i32>} : memref<4096xf32, #tpu.memory_space<vmem>>, vector<16xf32>,
      tpu.vector_store %arg8[%swap3A_1072], %gather3A_1071 {strides = array<i32>} : memref<4096xf32, #tpu.memory_space<vmem>>, vector<16xf32>,
      %get3A_1074 = arith.constant 3088 : index
      %get3A_1075 = tpu.vector_load %arg6[%get3A_1074] {strides = array<i32>} : memref<4096xi32, #tpu.memory_space<vmem>>, vector<16xi32>,
      %gather3A_1076 = tpu.vector_load_idx %arg7[%get3A_1075] : memref<100000xf32, #tpu.memory_space<vmem>>[vector<16xi32>], vector<16xf32>,
      %swap3A_1077 = arith.constant 3088 : index
      %swap3A_1078 = tpu.vector_load %arg8[%swap3A_1077] {strides = array<i32>} : memref<4096xf32, #tpu.memory_space<vmem>>, vector<16xf32>,
      tpu.vector_store %arg8[%swap3A_1077], %gather3A_1076 {strides = array<i32>} : memref<4096xf32, #tpu.memory_space<vmem>>, vector<16xf32>,
      %get3A_1079 = arith.constant 3104 : index
      %get3A_1080 = tpu.vector_load %arg6[%get3A_1079] {strides = array<i32>} : memref<4096xi32, #tpu.memory_space<vmem>>, vector<16xi32>,
      %gather3A_1081 = tpu.vector_load_idx %arg7[%get3A_1080] : memref<100000xf32, #tpu.memory_space<vmem>>[vector<16xi32>], vector<16xf32>,
      %swap3A_1082 = arith.constant 3104 : index
      %swap3A_1083 = tpu.vector_load %arg8[%swap3A_1082] {strides = array<i32>} : memref<4096xf32, #tpu.memory_space<vmem>>, vector<16xf32>,
      tpu.vector_store %arg8[%swap3A_1082], %gather3A_1081 {strides = array<i32>} : memref<4096xf32, #tpu.memory_space<vmem>>, vector<16xf32>,
      %get3A_1084 = arith.constant 3120 : index
      %get3A_1085 = tpu.vector_load %arg6[%get3A_1084] {strides = array<i32>} : memref<4096xi32, #tpu.memory_space<vmem>>, vector<16xi32>,
      %gather3A_1086 = tpu.vector_load_idx %arg7[%get3A_1085] : memref<100000xf32, #tpu.memory_space<vmem>>[vector<16xi32>], vector<16xf32>,
      %swap3A_1087 = arith.constant 3120 : index
      %swap3A_1088 = tpu.vector_load %arg8[%swap3A_1087] {strides = array<i32>} : memref<4096xf32, #tpu.memory_space<vmem>>, vector<16xf32>,
      tpu.vector_store %arg8[%swap3A_1087], %gather3A_1086 {strides = array<i32>} : memref<4096xf32, #tpu.memory_space<vmem>>, vector<16xf32>,
      %get3A_1089 = arith.constant 3136 : index
      %get3A_1090 = tpu.vector_load %arg6[%get3A_1089] {strides = array<i32>} : memref<4096xi32, #tpu.memory_space<vmem>>, vector<16xi32>,
      %gather3A_1091 = tpu.vector_load_idx %arg7[%get3A_1090] : memref<100000xf32, #tpu.memory_space<vmem>>[vector<16xi32>], vector<16xf32>,
      %swap3A_1092 = arith.constant 3136 : index
      %swap3A_1093 = tpu.vector_load %arg8[%swap3A_1092] {strides = array<i32>} : memref<4096xf32, #tpu.memory_space<vmem>>, vector<16xf32>,
      tpu.vector_store %arg8[%swap3A_1092], %gather3A_1091 {strides = array<i32>} : memref<4096xf32, #tpu.memory_space<vmem>>, vector<16xf32>,
      %get3A_1094 = arith.constant 3152 : index
      %get3A_1095 = tpu.vector_load %arg6[%get3A_1094] {strides = array<i32>} : memref<4096xi32, #tpu.memory_space<vmem>>, vector<16xi32>,
      %gather3A_1096 = tpu.vector_load_idx %arg7[%get3A_1095] : memref<100000xf32, #tpu.memory_space<vmem>>[vector<16xi32>], vector<16xf32>,
      %swap3A_1097 = arith.constant 3152 : index
      %swap3A_1098 = tpu.vector_load %arg8[%swap3A_1097] {strides = array<i32>} : memref<4096xf32, #tpu.memory_space<vmem>>, vector<16xf32>,
      tpu.vector_store %arg8[%swap3A_1097], %gather3A_1096 {strides = array<i32>} : memref<4096xf32, #tpu.memory_space<vmem>>, vector<16xf32>,
      %get3A_1099 = arith.constant 3168 : index
      %get3A_1100 = tpu.vector_load %arg6[%get3A_1099] {strides = array<i32>} : memref<4096xi32, #tpu.memory_space<vmem>>, vector<16xi32>,
      %gather3A_1101 = tpu.vector_load_idx %arg7[%get3A_1100] : memref<100000xf32, #tpu.memory_space<vmem>>[vector<16xi32>], vector<16xf32>,
      %swap3A_1102 = arith.constant 3168 : index
      %swap3A_1103 = tpu.vector_load %arg8[%swap3A_1102] {strides = array<i32>} : memref<4096xf32, #tpu.memory_space<vmem>>, vector<16xf32>,
      tpu.vector_store %arg8[%swap3A_1102], %gather3A_1101 {strides = array<i32>} : memref<4096xf32, #tpu.memory_space<vmem>>, vector<16xf32>,
      %get3A_1104 = arith.constant 3184 : index
      %get3A_1105 = tpu.vector_load %arg6[%get3A_1104] {strides = array<i32>} : memref<4096xi32, #tpu.memory_space<vmem>>, vector<16xi32>,
      %gather3A_1106 = tpu.vector_load_idx %arg7[%get3A_1105] : memref<100000xf32, #tpu.memory_space<vmem>>[vector<16xi32>], vector<16xf32>,
      %swap3A_1107 = arith.constant 3184 : index
      %swap3A_1108 = tpu.vector_load %arg8[%swap3A_1107] {strides = array<i32>} : memref<4096xf32, #tpu.memory_space<vmem>>, vector<16xf32>,
      tpu.vector_store %arg8[%swap3A_1107], %gather3A_1106 {strides = array<i32>} : memref<4096xf32, #tpu.memory_space<vmem>>, vector<16xf32>,
      %get3A_1109 = arith.constant 3200 : index
      %get3A_1110 = tpu.vector_load %arg6[%get3A_1109] {strides = array<i32>} : memref<4096xi32, #tpu.memory_space<vmem>>, vector<16xi32>,
      %gather3A_1111 = tpu.vector_load_idx %arg7[%get3A_1110] : memref<100000xf32, #tpu.memory_space<vmem>>[vector<16xi32>], vector<16xf32>,
      %swap3A_1112 = arith.constant 3200 : index
      %swap3A_1113 = tpu.vector_load %arg8[%swap3A_1112] {strides = array<i32>} : memref<4096xf32, #tpu.memory_space<vmem>>, vector<16xf32>,
      tpu.vector_store %arg8[%swap3A_1112], %gather3A_1111 {strides = array<i32>} : memref<4096xf32, #tpu.memory_space<vmem>>, vector<16xf32>,
      %get3A_1114 = arith.constant 3216 : index
      %get3A_1115 = tpu.vector_load %arg6[%get3A_1114] {strides = array<i32>} : memref<4096xi32, #tpu.memory_space<vmem>>, vector<16xi32>,
      %gather3A_1116 = tpu.vector_load_idx %arg7[%get3A_1115] : memref<100000xf32, #tpu.memory_space<vmem>>[vector<16xi32>], vector<16xf32>,
      %swap3A_1117 = arith.constant 3216 : index
      %swap3A_1118 = tpu.vector_load %arg8[%swap3A_1117] {strides = array<i32>} : memref<4096xf32, #tpu.memory_space<vmem>>, vector<16xf32>,
      tpu.vector_store %arg8[%swap3A_1117], %gather3A_1116 {strides = array<i32>} : memref<4096xf32, #tpu.memory_space<vmem>>, vector<16xf32>,
      %get3A_1119 = arith.constant 3232 : index
      %get3A_1120 = tpu.vector_load %arg6[%get3A_1119] {strides = array<i32>} : memref<4096xi32, #tpu.memory_space<vmem>>, vector<16xi32>,
      %gather3A_1121 = tpu.vector_load_idx %arg7[%get3A_1120] : memref<100000xf32, #tpu.memory_space<vmem>>[vector<16xi32>], vector<16xf32>,
      %swap3A_1122 = arith.constant 3232 : index
      %swap3A_1123 = tpu.vector_load %arg8[%swap3A_1122] {strides = array<i32>} : memref<4096xf32, #tpu.memory_space<vmem>>, vector<16xf32>,
      tpu.vector_store %arg8[%swap3A_1122], %gather3A_1121 {strides = array<i32>} : memref<4096xf32, #tpu.memory_space<vmem>>, vector<16xf32>,
      %get3A_1124 = arith.constant 3248 : index
      %get3A_1125 = tpu.vector_load %arg6[%get3A_1124] {strides = array<i32>} : memref<4096xi32, #tpu.memory_space<vmem>>, vector<16xi32>,
      %gather3A_1126 = tpu.vector_load_idx %arg7[%get3A_1125] : memref<100000xf32, #tpu.memory_space<vmem>>[vector<16xi32>], vector<16xf32>,
      %swap3A_1127 = arith.constant 3248 : index
      %swap3A_1128 = tpu.vector_load %arg8[%swap3A_1127] {strides = array<i32>} : memref<4096xf32, #tpu.memory_space<vmem>>, vector<16xf32>,
      tpu.vector_store %arg8[%swap3A_1127], %gather3A_1126 {strides = array<i32>} : memref<4096xf32, #tpu.memory_space<vmem>>, vector<16xf32>,
      %get3A_1129 = arith.constant 3264 : index
      %get3A_1130 = tpu.vector_load %arg6[%get3A_1129] {strides = array<i32>} : memref<4096xi32, #tpu.memory_space<vmem>>, vector<16xi32>,
      %gather3A_1131 = tpu.vector_load_idx %arg7[%get3A_1130] : memref<100000xf32, #tpu.memory_space<vmem>>[vector<16xi32>], vector<16xf32>,
      %swap3A_1132 = arith.constant 3264 : index
      %swap3A_1133 = tpu.vector_load %arg8[%swap3A_1132] {strides = array<i32>} : memref<4096xf32, #tpu.memory_space<vmem>>, vector<16xf32>,
      tpu.vector_store %arg8[%swap3A_1132], %gather3A_1131 {strides = array<i32>} : memref<4096xf32, #tpu.memory_space<vmem>>, vector<16xf32>,
      %get3A_1134 = arith.constant 3280 : index
      %get3A_1135 = tpu.vector_load %arg6[%get3A_1134] {strides = array<i32>} : memref<4096xi32, #tpu.memory_space<vmem>>, vector<16xi32>,
      %gather3A_1136 = tpu.vector_load_idx %arg7[%get3A_1135] : memref<100000xf32, #tpu.memory_space<vmem>>[vector<16xi32>], vector<16xf32>,
      %swap3A_1137 = arith.constant 3280 : index
      %swap3A_1138 = tpu.vector_load %arg8[%swap3A_1137] {strides = array<i32>} : memref<4096xf32, #tpu.memory_space<vmem>>, vector<16xf32>,
      tpu.vector_store %arg8[%swap3A_1137], %gather3A_1136 {strides = array<i32>} : memref<4096xf32, #tpu.memory_space<vmem>>, vector<16xf32>,
      %get3A_1139 = arith.constant 3296 : index
      %get3A_1140 = tpu.vector_load %arg6[%get3A_1139] {strides = array<i32>} : memref<4096xi32, #tpu.memory_space<vmem>>, vector<16xi32>,
      %gather3A_1141 = tpu.vector_load_idx %arg7[%get3A_1140] : memref<100000xf32, #tpu.memory_space<vmem>>[vector<16xi32>], vector<16xf32>,
      %swap3A_1142 = arith.constant 3296 : index
      %swap3A_1143 = tpu.vector_load %arg8[%swap3A_1142] {strides = array<i32>} : memref<4096xf32, #tpu.memory_space<vmem>>, vector<16xf32>,
      tpu.vector_store %arg8[%swap3A_1142], %gather3A_1141 {strides = array<i32>} : memref<4096xf32, #tpu.memory_space<vmem>>, vector<16xf32>,
      %get3A_1144 = arith.constant 3312 : index
      %get3A_1145 = tpu.vector_load %arg6[%get3A_1144] {strides = array<i32>} : memref<4096xi32, #tpu.memory_space<vmem>>, vector<16xi32>,
      %gather3A_1146 = tpu.vector_load_idx %arg7[%get3A_1145] : memref<100000xf32, #tpu.memory_space<vmem>>[vector<16xi32>], vector<16xf32>,
      %swap3A_1147 = arith.constant 3312 : index
      %swap3A_1148 = tpu.vector_load %arg8[%swap3A_1147] {strides = array<i32>} : memref<4096xf32, #tpu.memory_space<vmem>>, vector<16xf32>,
      tpu.vector_store %arg8[%swap3A_1147], %gather3A_1146 {strides = array<i32>} : memref<4096xf32, #tpu.memory_space<vmem>>, vector<16xf32>,
      %get3A_1149 = arith.constant 3328 : index
      %get3A_1150 = tpu.vector_load %arg6[%get3A_1149] {strides = array<i32>} : memref<4096xi32, #tpu.memory_space<vmem>>, vector<16xi32>,
      %gather3A_1151 = tpu.vector_load_idx %arg7[%get3A_1150] : memref<100000xf32, #tpu.memory_space<vmem>>[vector<16xi32>], vector<16xf32>,
      %swap3A_1152 = arith.constant 3328 : index
      %swap3A_1153 = tpu.vector_load %arg8[%swap3A_1152] {strides = array<i32>} : memref<4096xf32, #tpu.memory_space<vmem>>, vector<16xf32>,
      tpu.vector_store %arg8[%swap3A_1152], %gather3A_1151 {strides = array<i32>} : memref<4096xf32, #tpu.memory_space<vmem>>, vector<16xf32>,
      %get3A_1154 = arith.constant 3344 : index
      %get3A_1155 = tpu.vector_load %arg6[%get3A_1154] {strides = array<i32>} : memref<4096xi32, #tpu.memory_space<vmem>>, vector<16xi32>,
      %gather3A_1156 = tpu.vector_load_idx %arg7[%get3A_1155] : memref<100000xf32, #tpu.memory_space<vmem>>[vector<16xi32>], vector<16xf32>,
      %swap3A_1157 = arith.constant 3344 : index
      %swap3A_1158 = tpu.vector_load %arg8[%swap3A_1157] {strides = array<i32>} : memref<4096xf32, #tpu.memory_space<vmem>>, vector<16xf32>,
      tpu.vector_store %arg8[%swap3A_1157], %gather3A_1156 {strides = array<i32>} : memref<4096xf32, #tpu.memory_space<vmem>>, vector<16xf32>,
      %get3A_1159 = arith.constant 3360 : index
      %get3A_1160 = tpu.vector_load %arg6[%get3A_1159] {strides = array<i32>} : memref<4096xi32, #tpu.memory_space<vmem>>, vector<16xi32>,
      %gather3A_1161 = tpu.vector_load_idx %arg7[%get3A_1160] : memref<100000xf32, #tpu.memory_space<vmem>>[vector<16xi32>], vector<16xf32>,
      %swap3A_1162 = arith.constant 3360 : index
      %swap3A_1163 = tpu.vector_load %arg8[%swap3A_1162] {strides = array<i32>} : memref<4096xf32, #tpu.memory_space<vmem>>, vector<16xf32>,
      tpu.vector_store %arg8[%swap3A_1162], %gather3A_1161 {strides = array<i32>} : memref<4096xf32, #tpu.memory_space<vmem>>, vector<16xf32>,
      %get3A_1164 = arith.constant 3376 : index
      %get3A_1165 = tpu.vector_load %arg6[%get3A_1164] {strides = array<i32>} : memref<4096xi32, #tpu.memory_space<vmem>>, vector<16xi32>,
      %gather3A_1166 = tpu.vector_load_idx %arg7[%get3A_1165] : memref<100000xf32, #tpu.memory_space<vmem>>[vector<16xi32>], vector<16xf32>,
      %swap3A_1167 = arith.constant 3376 : index
      %swap3A_1168 = tpu.vector_load %arg8[%swap3A_1167] {strides = array<i32>} : memref<4096xf32, #tpu.memory_space<vmem>>, vector<16xf32>,
      tpu.vector_store %arg8[%swap3A_1167], %gather3A_1166 {strides = array<i32>} : memref<4096xf32, #tpu.memory_space<vmem>>, vector<16xf32>,
      %get3A_1169 = arith.constant 3392 : index
      %get3A_1170 = tpu.vector_load %arg6[%get3A_1169] {strides = array<i32>} : memref<4096xi32, #tpu.memory_space<vmem>>, vector<16xi32>,
      %gather3A_1171 = tpu.vector_load_idx %arg7[%get3A_1170] : memref<100000xf32, #tpu.memory_space<vmem>>[vector<16xi32>], vector<16xf32>,
      %swap3A_1172 = arith.constant 3392 : index
      %swap3A_1173 = tpu.vector_load %arg8[%swap3A_1172] {strides = array<i32>} : memref<4096xf32, #tpu.memory_space<vmem>>, vector<16xf32>,
      tpu.vector_store %arg8[%swap3A_1172], %gather3A_1171 {strides = array<i32>} : memref<4096xf32, #tpu.memory_space<vmem>>, vector<16xf32>,
      %get3A_1174 = arith.constant 3408 : index
      %get3A_1175 = tpu.vector_load %arg6[%get3A_1174] {strides = array<i32>} : memref<4096xi32, #tpu.memory_space<vmem>>, vector<16xi32>,
      %gather3A_1176 = tpu.vector_load_idx %arg7[%get3A_1175] : memref<100000xf32, #tpu.memory_space<vmem>>[vector<16xi32>], vector<16xf32>,
      %swap3A_1177 = arith.constant 3408 : index
      %swap3A_1178 = tpu.vector_load %arg8[%swap3A_1177] {strides = array<i32>} : memref<4096xf32, #tpu.memory_space<vmem>>, vector<16xf32>,
      tpu.vector_store %arg8[%swap3A_1177], %gather3A_1176 {strides = array<i32>} : memref<4096xf32, #tpu.memory_space<vmem>>, vector<16xf32>,
      %get3A_1179 = arith.constant 3424 : index
      %get3A_1180 = tpu.vector_load %arg6[%get3A_1179] {strides = array<i32>} : memref<4096xi32, #tpu.memory_space<vmem>>, vector<16xi32>,
      %gather3A_1181 = tpu.vector_load_idx %arg7[%get3A_1180] : memref<100000xf32, #tpu.memory_space<vmem>>[vector<16xi32>], vector<16xf32>,
      %swap3A_1182 = arith.constant 3424 : index
      %swap3A_1183 = tpu.vector_load %arg8[%swap3A_1182] {strides = array<i32>} : memref<4096xf32, #tpu.memory_space<vmem>>, vector<16xf32>,
      tpu.vector_store %arg8[%swap3A_1182], %gather3A_1181 {strides = array<i32>} : memref<4096xf32, #tpu.memory_space<vmem>>, vector<16xf32>,
      %get3A_1184 = arith.constant 3440 : index
      %get3A_1185 = tpu.vector_load %arg6[%get3A_1184] {strides = array<i32>} : memref<4096xi32, #tpu.memory_space<vmem>>, vector<16xi32>,
      %gather3A_1186 = tpu.vector_load_idx %arg7[%get3A_1185] : memref<100000xf32, #tpu.memory_space<vmem>>[vector<16xi32>], vector<16xf32>,
      %swap3A_1187 = arith.constant 3440 : index
      %swap3A_1188 = tpu.vector_load %arg8[%swap3A_1187] {strides = array<i32>} : memref<4096xf32, #tpu.memory_space<vmem>>, vector<16xf32>,
      tpu.vector_store %arg8[%swap3A_1187], %gather3A_1186 {strides = array<i32>} : memref<4096xf32, #tpu.memory_space<vmem>>, vector<16xf32>,
      %get3A_1189 = arith.constant 3456 : index
      %get3A_1190 = tpu.vector_load %arg6[%get3A_1189] {strides = array<i32>} : memref<4096xi32, #tpu.memory_space<vmem>>, vector<16xi32>,
      %gather3A_1191 = tpu.vector_load_idx %arg7[%get3A_1190] : memref<100000xf32, #tpu.memory_space<vmem>>[vector<16xi32>], vector<16xf32>,
      %swap3A_1192 = arith.constant 3456 : index
      %swap3A_1193 = tpu.vector_load %arg8[%swap3A_1192] {strides = array<i32>} : memref<4096xf32, #tpu.memory_space<vmem>>, vector<16xf32>,
      tpu.vector_store %arg8[%swap3A_1192], %gather3A_1191 {strides = array<i32>} : memref<4096xf32, #tpu.memory_space<vmem>>, vector<16xf32>,
      %get3A_1194 = arith.constant 3472 : index
      %get3A_1195 = tpu.vector_load %arg6[%get3A_1194] {strides = array<i32>} : memref<4096xi32, #tpu.memory_space<vmem>>, vector<16xi32>,
      %gather3A_1196 = tpu.vector_load_idx %arg7[%get3A_1195] : memref<100000xf32, #tpu.memory_space<vmem>>[vector<16xi32>], vector<16xf32>,
      %swap3A_1197 = arith.constant 3472 : index
      %swap3A_1198 = tpu.vector_load %arg8[%swap3A_1197] {strides = array<i32>} : memref<4096xf32, #tpu.memory_space<vmem>>, vector<16xf32>,
      tpu.vector_store %arg8[%swap3A_1197], %gather3A_1196 {strides = array<i32>} : memref<4096xf32, #tpu.memory_space<vmem>>, vector<16xf32>,
      %get3A_1199 = arith.constant 3488 : index
      %get3A_1200 = tpu.vector_load %arg6[%get3A_1199] {strides = array<i32>} : memref<4096xi32, #tpu.memory_space<vmem>>, vector<16xi32>,
      %gather3A_1201 = tpu.vector_load_idx %arg7[%get3A_1200] : memref<100000xf32, #tpu.memory_space<vmem>>[vector<16xi32>], vector<16xf32>,
      %swap3A_1202 = arith.constant 3488 : index
      %swap3A_1203 = tpu.vector_load %arg8[%swap3A_1202] {strides = array<i32>} : memref<4096xf32, #tpu.memory_space<vmem>>, vector<16xf32>,
      tpu.vector_store %arg8[%swap3A_1202], %gather3A_1201 {strides = array<i32>} : memref<4096xf32, #tpu.memory_space<vmem>>, vector<16xf32>,
      %get3A_1204 = arith.constant 3504 : index
      %get3A_1205 = tpu.vector_load %arg6[%get3A_1204] {strides = array<i32>} : memref<4096xi32, #tpu.memory_space<vmem>>, vector<16xi32>,
      %gather3A_1206 = tpu.vector_load_idx %arg7[%get3A_1205] : memref<100000xf32, #tpu.memory_space<vmem>>[vector<16xi32>], vector<16xf32>,
      %swap3A_1207 = arith.constant 3504 : index
      %swap3A_1208 = tpu.vector_load %arg8[%swap3A_1207] {strides = array<i32>} : memref<4096xf32, #tpu.memory_space<vmem>>, vector<16xf32>,
      tpu.vector_store %arg8[%swap3A_1207], %gather3A_1206 {strides = array<i32>} : memref<4096xf32, #tpu.memory_space<vmem>>, vector<16xf32>,
      %get3A_1209 = arith.constant 3520 : index
      %get3A_1210 = tpu.vector_load %arg6[%get3A_1209] {strides = array<i32>} : memref<4096xi32, #tpu.memory_space<vmem>>, vector<16xi32>,
      %gather3A_1211 = tpu.vector_load_idx %arg7[%get3A_1210] : memref<100000xf32, #tpu.memory_space<vmem>>[vector<16xi32>], vector<16xf32>,
      %swap3A_1212 = arith.constant 3520 : index
      %swap3A_1213 = tpu.vector_load %arg8[%swap3A_1212] {strides = array<i32>} : memref<4096xf32, #tpu.memory_space<vmem>>, vector<16xf32>,
      tpu.vector_store %arg8[%swap3A_1212], %gather3A_1211 {strides = array<i32>} : memref<4096xf32, #tpu.memory_space<vmem>>, vector<16xf32>,
      %get3A_1214 = arith.constant 3536 : index
      %get3A_1215 = tpu.vector_load %arg6[%get3A_1214] {strides = array<i32>} : memref<4096xi32, #tpu.memory_space<vmem>>, vector<16xi32>,
      %gather3A_1216 = tpu.vector_load_idx %arg7[%get3A_1215] : memref<100000xf32, #tpu.memory_space<vmem>>[vector<16xi32>], vector<16xf32>,
      %swap3A_1217 = arith.constant 3536 : index
      %swap3A_1218 = tpu.vector_load %arg8[%swap3A_1217] {strides = array<i32>} : memref<4096xf32, #tpu.memory_space<vmem>>, vector<16xf32>,
      tpu.vector_store %arg8[%swap3A_1217], %gather3A_1216 {strides = array<i32>} : memref<4096xf32, #tpu.memory_space<vmem>>, vector<16xf32>,
      %get3A_1219 = arith.constant 3552 : index
      %get3A_1220 = tpu.vector_load %arg6[%get3A_1219] {strides = array<i32>} : memref<4096xi32, #tpu.memory_space<vmem>>, vector<16xi32>,
      %gather3A_1221 = tpu.vector_load_idx %arg7[%get3A_1220] : memref<100000xf32, #tpu.memory_space<vmem>>[vector<16xi32>], vector<16xf32>,
      %swap3A_1222 = arith.constant 3552 : index
      %swap3A_1223 = tpu.vector_load %arg8[%swap3A_1222] {strides = array<i32>} : memref<4096xf32, #tpu.memory_space<vmem>>, vector<16xf32>,
      tpu.vector_store %arg8[%swap3A_1222], %gather3A_1221 {strides = array<i32>} : memref<4096xf32, #tpu.memory_space<vmem>>, vector<16xf32>,
      %get3A_1224 = arith.constant 3568 : index
      %get3A_1225 = tpu.vector_load %arg6[%get3A_1224] {strides = array<i32>} : memref<4096xi32, #tpu.memory_space<vmem>>, vector<16xi32>,
      %gather3A_1226 = tpu.vector_load_idx %arg7[%get3A_1225] : memref<100000xf32, #tpu.memory_space<vmem>>[vector<16xi32>], vector<16xf32>,
      %swap3A_1227 = arith.constant 3568 : index
      %swap3A_1228 = tpu.vector_load %arg8[%swap3A_1227] {strides = array<i32>} : memref<4096xf32, #tpu.memory_space<vmem>>, vector<16xf32>,
      tpu.vector_store %arg8[%swap3A_1227], %gather3A_1226 {strides = array<i32>} : memref<4096xf32, #tpu.memory_space<vmem>>, vector<16xf32>,
      %get3A_1229 = arith.constant 3584 : index
      %get3A_1230 = tpu.vector_load %arg6[%get3A_1229] {strides = array<i32>} : memref<4096xi32, #tpu.memory_space<vmem>>, vector<16xi32>,
      %gather3A_1231 = tpu.vector_load_idx %arg7[%get3A_1230] : memref<100000xf32, #tpu.memory_space<vmem>>[vector<16xi32>], vector<16xf32>,
      %swap3A_1232 = arith.constant 3584 : index
      %swap3A_1233 = tpu.vector_load %arg8[%swap3A_1232] {strides = array<i32>} : memref<4096xf32, #tpu.memory_space<vmem>>, vector<16xf32>,
      tpu.vector_store %arg8[%swap3A_1232], %gather3A_1231 {strides = array<i32>} : memref<4096xf32, #tpu.memory_space<vmem>>, vector<16xf32>,
      %get3A_1234 = arith.constant 3600 : index
      %get3A_1235 = tpu.vector_load %arg6[%get3A_1234] {strides = array<i32>} : memref<4096xi32, #tpu.memory_space<vmem>>, vector<16xi32>,
      %gather3A_1236 = tpu.vector_load_idx %arg7[%get3A_1235] : memref<100000xf32, #tpu.memory_space<vmem>>[vector<16xi32>], vector<16xf32>,
      %swap3A_1237 = arith.constant 3600 : index
      %swap3A_1238 = tpu.vector_load %arg8[%swap3A_1237] {strides = array<i32>} : memref<4096xf32, #tpu.memory_space<vmem>>, vector<16xf32>,
      tpu.vector_store %arg8[%swap3A_1237], %gather3A_1236 {strides = array<i32>} : memref<4096xf32, #tpu.memory_space<vmem>>, vector<16xf32>,
      %get3A_1239 = arith.constant 3616 : index
      %get3A_1240 = tpu.vector_load %arg6[%get3A_1239] {strides = array<i32>} : memref<4096xi32, #tpu.memory_space<vmem>>, vector<16xi32>,
      %gather3A_1241 = tpu.vector_load_idx %arg7[%get3A_1240] : memref<100000xf32, #tpu.memory_space<vmem>>[vector<16xi32>], vector<16xf32>,
      %swap3A_1242 = arith.constant 3616 : index
      %swap3A_1243 = tpu.vector_load %arg8[%swap3A_1242] {strides = array<i32>} : memref<4096xf32, #tpu.memory_space<vmem>>, vector<16xf32>,
      tpu.vector_store %arg8[%swap3A_1242], %gather3A_1241 {strides = array<i32>} : memref<4096xf32, #tpu.memory_space<vmem>>, vector<16xf32>,
      %get3A_1244 = arith.constant 3632 : index
      %get3A_1245 = tpu.vector_load %arg6[%get3A_1244] {strides = array<i32>} : memref<4096xi32, #tpu.memory_space<vmem>>, vector<16xi32>,
      %gather3A_1246 = tpu.vector_load_idx %arg7[%get3A_1245] : memref<100000xf32, #tpu.memory_space<vmem>>[vector<16xi32>], vector<16xf32>,
      %swap3A_1247 = arith.constant 3632 : index
      %swap3A_1248 = tpu.vector_load %arg8[%swap3A_1247] {strides = array<i32>} : memref<4096xf32, #tpu.memory_space<vmem>>, vector<16xf32>,
      tpu.vector_store %arg8[%swap3A_1247], %gather3A_1246 {strides = array<i32>} : memref<4096xf32, #tpu.memory_space<vmem>>, vector<16xf32>,
      %get3A_1249 = arith.constant 3648 : index
      %get3A_1250 = tpu.vector_load %arg6[%get3A_1249] {strides = array<i32>} : memref<4096xi32, #tpu.memory_space<vmem>>, vector<16xi32>,
      %gather3A_1251 = tpu.vector_load_idx %arg7[%get3A_1250] : memref<100000xf32, #tpu.memory_space<vmem>>[vector<16xi32>], vector<16xf32>,
      %swap3A_1252 = arith.constant 3648 : index
      %swap3A_1253 = tpu.vector_load %arg8[%swap3A_1252] {strides = array<i32>} : memref<4096xf32, #tpu.memory_space<vmem>>, vector<16xf32>,
      tpu.vector_store %arg8[%swap3A_1252], %gather3A_1251 {strides = array<i32>} : memref<4096xf32, #tpu.memory_space<vmem>>, vector<16xf32>,
      %get3A_1254 = arith.constant 3664 : index
      %get3A_1255 = tpu.vector_load %arg6[%get3A_1254] {strides = array<i32>} : memref<4096xi32, #tpu.memory_space<vmem>>, vector<16xi32>,
      %gather3A_1256 = tpu.vector_load_idx %arg7[%get3A_1255] : memref<100000xf32, #tpu.memory_space<vmem>>[vector<16xi32>], vector<16xf32>,
      %swap3A_1257 = arith.constant 3664 : index
      %swap3A_1258 = tpu.vector_load %arg8[%swap3A_1257] {strides = array<i32>} : memref<4096xf32, #tpu.memory_space<vmem>>, vector<16xf32>,
      tpu.vector_store %arg8[%swap3A_1257], %gather3A_1256 {strides = array<i32>} : memref<4096xf32, #tpu.memory_space<vmem>>, vector<16xf32>,
      %get3A_1259 = arith.constant 3680 : index
      %get3A_1260 = tpu.vector_load %arg6[%get3A_1259] {strides = array<i32>} : memref<4096xi32, #tpu.memory_space<vmem>>, vector<16xi32>,
      %gather3A_1261 = tpu.vector_load_idx %arg7[%get3A_1260] : memref<100000xf32, #tpu.memory_space<vmem>>[vector<16xi32>], vector<16xf32>,
      %swap3A_1262 = arith.constant 3680 : index
      %swap3A_1263 = tpu.vector_load %arg8[%swap3A_1262] {strides = array<i32>} : memref<4096xf32, #tpu.memory_space<vmem>>, vector<16xf32>,
      tpu.vector_store %arg8[%swap3A_1262], %gather3A_1261 {strides = array<i32>} : memref<4096xf32, #tpu.memory_space<vmem>>, vector<16xf32>,
      %get3A_1264 = arith.constant 3696 : index
      %get3A_1265 = tpu.vector_load %arg6[%get3A_1264] {strides = array<i32>} : memref<4096xi32, #tpu.memory_space<vmem>>, vector<16xi32>,
      %gather3A_1266 = tpu.vector_load_idx %arg7[%get3A_1265] : memref<100000xf32, #tpu.memory_space<vmem>>[vector<16xi32>], vector<16xf32>,
      %swap3A_1267 = arith.constant 3696 : index
      %swap3A_1268 = tpu.vector_load %arg8[%swap3A_1267] {strides = array<i32>} : memref<4096xf32, #tpu.memory_space<vmem>>, vector<16xf32>,
      tpu.vector_store %arg8[%swap3A_1267], %gather3A_1266 {strides = array<i32>} : memref<4096xf32, #tpu.memory_space<vmem>>, vector<16xf32>,
      %get3A_1269 = arith.constant 3712 : index
      %get3A_1270 = tpu.vector_load %arg6[%get3A_1269] {strides = array<i32>} : memref<4096xi32, #tpu.memory_space<vmem>>, vector<16xi32>,
      %gather3A_1271 = tpu.vector_load_idx %arg7[%get3A_1270] : memref<100000xf32, #tpu.memory_space<vmem>>[vector<16xi32>], vector<16xf32>,
      %swap3A_1272 = arith.constant 3712 : index
      %swap3A_1273 = tpu.vector_load %arg8[%swap3A_1272] {strides = array<i32>} : memref<4096xf32, #tpu.memory_space<vmem>>, vector<16xf32>,
      tpu.vector_store %arg8[%swap3A_1272], %gather3A_1271 {strides = array<i32>} : memref<4096xf32, #tpu.memory_space<vmem>>, vector<16xf32>,
      %get3A_1274 = arith.constant 3728 : index
      %get3A_1275 = tpu.vector_load %arg6[%get3A_1274] {strides = array<i32>} : memref<4096xi32, #tpu.memory_space<vmem>>, vector<16xi32>,
      %gather3A_1276 = tpu.vector_load_idx %arg7[%get3A_1275] : memref<100000xf32, #tpu.memory_space<vmem>>[vector<16xi32>], vector<16xf32>,
      %swap3A_1277 = arith.constant 3728 : index
      %swap3A_1278 = tpu.vector_load %arg8[%swap3A_1277] {strides = array<i32>} : memref<4096xf32, #tpu.memory_space<vmem>>, vector<16xf32>,
      tpu.vector_store %arg8[%swap3A_1277], %gather3A_1276 {strides = array<i32>} : memref<4096xf32, #tpu.memory_space<vmem>>, vector<16xf32>,
      %get3A_1279 = arith.constant 3744 : index
      %get3A_1280 = tpu.vector_load %arg6[%get3A_1279] {strides = array<i32>} : memref<4096xi32, #tpu.memory_space<vmem>>, vector<16xi32>,
      %gather3A_1281 = tpu.vector_load_idx %arg7[%get3A_1280] : memref<100000xf32, #tpu.memory_space<vmem>>[vector<16xi32>], vector<16xf32>,
      %swap3A_1282 = arith.constant 3744 : index
      %swap3A_1283 = tpu.vector_load %arg8[%swap3A_1282] {strides = array<i32>} : memref<4096xf32, #tpu.memory_space<vmem>>, vector<16xf32>,
      tpu.vector_store %arg8[%swap3A_1282], %gather3A_1281 {strides = array<i32>} : memref<4096xf32, #tpu.memory_space<vmem>>, vector<16xf32>,
      %get3A_1284 = arith.constant 3760 : index
      %get3A_1285 = tpu.vector_load %arg6[%get3A_1284] {strides = array<i32>} : memref<4096xi32, #tpu.memory_space<vmem>>, vector<16xi32>,
      %gather3A_1286 = tpu.vector_load_idx %arg7[%get3A_1285] : memref<100000xf32, #tpu.memory_space<vmem>>[vector<16xi32>], vector<16xf32>,
      %swap3A_1287 = arith.constant 3760 : index
      %swap3A_1288 = tpu.vector_load %arg8[%swap3A_1287] {strides = array<i32>} : memref<4096xf32, #tpu.memory_space<vmem>>, vector<16xf32>,
      tpu.vector_store %arg8[%swap3A_1287], %gather3A_1286 {strides = array<i32>} : memref<4096xf32, #tpu.memory_space<vmem>>, vector<16xf32>,
      %get3A_1289 = arith.constant 3776 : index
      %get3A_1290 = tpu.vector_load %arg6[%get3A_1289] {strides = array<i32>} : memref<4096xi32, #tpu.memory_space<vmem>>, vector<16xi32>,
      %gather3A_1291 = tpu.vector_load_idx %arg7[%get3A_1290] : memref<100000xf32, #tpu.memory_space<vmem>>[vector<16xi32>], vector<16xf32>,
      %swap3A_1292 = arith.constant 3776 : index
      %swap3A_1293 = tpu.vector_load %arg8[%swap3A_1292] {strides = array<i32>} : memref<4096xf32, #tpu.memory_space<vmem>>, vector<16xf32>,
      tpu.vector_store %arg8[%swap3A_1292], %gather3A_1291 {strides = array<i32>} : memref<4096xf32, #tpu.memory_space<vmem>>, vector<16xf32>,
      %get3A_1294 = arith.constant 3792 : index
      %get3A_1295 = tpu.vector_load %arg6[%get3A_1294] {strides = array<i32>} : memref<4096xi32, #tpu.memory_space<vmem>>, vector<16xi32>,
      %gather3A_1296 = tpu.vector_load_idx %arg7[%get3A_1295] : memref<100000xf32, #tpu.memory_space<vmem>>[vector<16xi32>], vector<16xf32>,
      %swap3A_1297 = arith.constant 3792 : index
      %swap3A_1298 = tpu.vector_load %arg8[%swap3A_1297] {strides = array<i32>} : memref<4096xf32, #tpu.memory_space<vmem>>, vector<16xf32>,
      tpu.vector_store %arg8[%swap3A_1297], %gather3A_1296 {strides = array<i32>} : memref<4096xf32, #tpu.memory_space<vmem>>, vector<16xf32>,
      %get3A_1299 = arith.constant 3808 : index
      %get3A_1300 = tpu.vector_load %arg6[%get3A_1299] {strides = array<i32>} : memref<4096xi32, #tpu.memory_space<vmem>>, vector<16xi32>,
      %gather3A_1301 = tpu.vector_load_idx %arg7[%get3A_1300] : memref<100000xf32, #tpu.memory_space<vmem>>[vector<16xi32>], vector<16xf32>,
      %swap3A_1302 = arith.constant 3808 : index
      %swap3A_1303 = tpu.vector_load %arg8[%swap3A_1302] {strides = array<i32>} : memref<4096xf32, #tpu.memory_space<vmem>>, vector<16xf32>,
      tpu.vector_store %arg8[%swap3A_1302], %gather3A_1301 {strides = array<i32>} : memref<4096xf32, #tpu.memory_space<vmem>>, vector<16xf32>,
      %get3A_1304 = arith.constant 3824 : index
      %get3A_1305 = tpu.vector_load %arg6[%get3A_1304] {strides = array<i32>} : memref<4096xi32, #tpu.memory_space<vmem>>, vector<16xi32>,
      %gather3A_1306 = tpu.vector_load_idx %arg7[%get3A_1305] : memref<100000xf32, #tpu.memory_space<vmem>>[vector<16xi32>], vector<16xf32>,
      %swap3A_1307 = arith.constant 3824 : index
      %swap3A_1308 = tpu.vector_load %arg8[%swap3A_1307] {strides = array<i32>} : memref<4096xf32, #tpu.memory_space<vmem>>, vector<16xf32>,
      tpu.vector_store %arg8[%swap3A_1307], %gather3A_1306 {strides = array<i32>} : memref<4096xf32, #tpu.memory_space<vmem>>, vector<16xf32>,
      %get3A_1309 = arith.constant 3840 : index
      %get3A_1310 = tpu.vector_load %arg6[%get3A_1309] {strides = array<i32>} : memref<4096xi32, #tpu.memory_space<vmem>>, vector<16xi32>,
      %gather3A_1311 = tpu.vector_load_idx %arg7[%get3A_1310] : memref<100000xf32, #tpu.memory_space<vmem>>[vector<16xi32>], vector<16xf32>,
      %swap3A_1312 = arith.constant 3840 : index
      %swap3A_1313 = tpu.vector_load %arg8[%swap3A_1312] {strides = array<i32>} : memref<4096xf32, #tpu.memory_space<vmem>>, vector<16xf32>,
      tpu.vector_store %arg8[%swap3A_1312], %gather3A_1311 {strides = array<i32>} : memref<4096xf32, #tpu.memory_space<vmem>>, vector<16xf32>,
      %get3A_1314 = arith.constant 3856 : index
      %get3A_1315 = tpu.vector_load %arg6[%get3A_1314] {strides = array<i32>} : memref<4096xi32, #tpu.memory_space<vmem>>, vector<16xi32>,
      %gather3A_1316 = tpu.vector_load_idx %arg7[%get3A_1315] : memref<100000xf32, #tpu.memory_space<vmem>>[vector<16xi32>], vector<16xf32>,
      %swap3A_1317 = arith.constant 3856 : index
      %swap3A_1318 = tpu.vector_load %arg8[%swap3A_1317] {strides = array<i32>} : memref<4096xf32, #tpu.memory_space<vmem>>, vector<16xf32>,
      tpu.vector_store %arg8[%swap3A_1317], %gather3A_1316 {strides = array<i32>} : memref<4096xf32, #tpu.memory_space<vmem>>, vector<16xf32>,
      %get3A_1319 = arith.constant 3872 : index
      %get3A_1320 = tpu.vector_load %arg6[%get3A_1319] {strides = array<i32>} : memref<4096xi32, #tpu.memory_space<vmem>>, vector<16xi32>,
      %gather3A_1321 = tpu.vector_load_idx %arg7[%get3A_1320] : memref<100000xf32, #tpu.memory_space<vmem>>[vector<16xi32>], vector<16xf32>,
      %swap3A_1322 = arith.constant 3872 : index
      %swap3A_1323 = tpu.vector_load %arg8[%swap3A_1322] {strides = array<i32>} : memref<4096xf32, #tpu.memory_space<vmem>>, vector<16xf32>,
      tpu.vector_store %arg8[%swap3A_1322], %gather3A_1321 {strides = array<i32>} : memref<4096xf32, #tpu.memory_space<vmem>>, vector<16xf32>,
      %get3A_1324 = arith.constant 3888 : index
      %get3A_1325 = tpu.vector_load %arg6[%get3A_1324] {strides = array<i32>} : memref<4096xi32, #tpu.memory_space<vmem>>, vector<16xi32>,
      %gather3A_1326 = tpu.vector_load_idx %arg7[%get3A_1325] : memref<100000xf32, #tpu.memory_space<vmem>>[vector<16xi32>], vector<16xf32>,
      %swap3A_1327 = arith.constant 3888 : index
      %swap3A_1328 = tpu.vector_load %arg8[%swap3A_1327] {strides = array<i32>} : memref<4096xf32, #tpu.memory_space<vmem>>, vector<16xf32>,
      tpu.vector_store %arg8[%swap3A_1327], %gather3A_1326 {strides = array<i32>} : memref<4096xf32, #tpu.memory_space<vmem>>, vector<16xf32>,
      %get3A_1329 = arith.constant 3904 : index
      %get3A_1330 = tpu.vector_load %arg6[%get3A_1329] {strides = array<i32>} : memref<4096xi32, #tpu.memory_space<vmem>>, vector<16xi32>,
      %gather3A_1331 = tpu.vector_load_idx %arg7[%get3A_1330] : memref<100000xf32, #tpu.memory_space<vmem>>[vector<16xi32>], vector<16xf32>,
      %swap3A_1332 = arith.constant 3904 : index
      %swap3A_1333 = tpu.vector_load %arg8[%swap3A_1332] {strides = array<i32>} : memref<4096xf32, #tpu.memory_space<vmem>>, vector<16xf32>,
      tpu.vector_store %arg8[%swap3A_1332], %gather3A_1331 {strides = array<i32>} : memref<4096xf32, #tpu.memory_space<vmem>>, vector<16xf32>,
      %get3A_1334 = arith.constant 3920 : index
      %get3A_1335 = tpu.vector_load %arg6[%get3A_1334] {strides = array<i32>} : memref<4096xi32, #tpu.memory_space<vmem>>, vector<16xi32>,
      %gather3A_1336 = tpu.vector_load_idx %arg7[%get3A_1335] : memref<100000xf32, #tpu.memory_space<vmem>>[vector<16xi32>], vector<16xf32>,
      %swap3A_1337 = arith.constant 3920 : index
      %swap3A_1338 = tpu.vector_load %arg8[%swap3A_1337] {strides = array<i32>} : memref<4096xf32, #tpu.memory_space<vmem>>, vector<16xf32>,
      tpu.vector_store %arg8[%swap3A_1337], %gather3A_1336 {strides = array<i32>} : memref<4096xf32, #tpu.memory_space<vmem>>, vector<16xf32>,
      %get3A_1339 = arith.constant 3936 : index
      %get3A_1340 = tpu.vector_load %arg6[%get3A_1339] {strides = array<i32>} : memref<4096xi32, #tpu.memory_space<vmem>>, vector<16xi32>,
      %gather3A_1341 = tpu.vector_load_idx %arg7[%get3A_1340] : memref<100000xf32, #tpu.memory_space<vmem>>[vector<16xi32>], vector<16xf32>,
      %swap3A_1342 = arith.constant 3936 : index
      %swap3A_1343 = tpu.vector_load %arg8[%swap3A_1342] {strides = array<i32>} : memref<4096xf32, #tpu.memory_space<vmem>>, vector<16xf32>,
      tpu.vector_store %arg8[%swap3A_1342], %gather3A_1341 {strides = array<i32>} : memref<4096xf32, #tpu.memory_space<vmem>>, vector<16xf32>,
      %get3A_1344 = arith.constant 3952 : index
      %get3A_1345 = tpu.vector_load %arg6[%get3A_1344] {strides = array<i32>} : memref<4096xi32, #tpu.memory_space<vmem>>, vector<16xi32>,
      %gather3A_1346 = tpu.vector_load_idx %arg7[%get3A_1345] : memref<100000xf32, #tpu.memory_space<vmem>>[vector<16xi32>], vector<16xf32>,
      %swap3A_1347 = arith.constant 3952 : index
      %swap3A_1348 = tpu.vector_load %arg8[%swap3A_1347] {strides = array<i32>} : memref<4096xf32, #tpu.memory_space<vmem>>, vector<16xf32>,
      tpu.vector_store %arg8[%swap3A_1347], %gather3A_1346 {strides = array<i32>} : memref<4096xf32, #tpu.memory_space<vmem>>, vector<16xf32>,
      %get3A_1349 = arith.constant 3968 : index
      %get3A_1350 = tpu.vector_load %arg6[%get3A_1349] {strides = array<i32>} : memref<4096xi32, #tpu.memory_space<vmem>>, vector<16xi32>,
      %gather3A_1351 = tpu.vector_load_idx %arg7[%get3A_1350] : memref<100000xf32, #tpu.memory_space<vmem>>[vector<16xi32>], vector<16xf32>,
      %swap3A_1352 = arith.constant 3968 : index
      %swap3A_1353 = tpu.vector_load %arg8[%swap3A_1352] {strides = array<i32>} : memref<4096xf32, #tpu.memory_space<vmem>>, vector<16xf32>,
      tpu.vector_store %arg8[%swap3A_1352], %gather3A_1351 {strides = array<i32>} : memref<4096xf32, #tpu.memory_space<vmem>>, vector<16xf32>,
      %get3A_1354 = arith.constant 3984 : index
      %get3A_1355 = tpu.vector_load %arg6[%get3A_1354] {strides = array<i32>} : memref<4096xi32, #tpu.memory_space<vmem>>, vector<16xi32>,
      %gather3A_1356 = tpu.vector_load_idx %arg7[%get3A_1355] : memref<100000xf32, #tpu.memory_space<vmem>>[vector<16xi32>], vector<16xf32>,
      %swap3A_1357 = arith.constant 3984 : index
      %swap3A_1358 = tpu.vector_load %arg8[%swap3A_1357] {strides = array<i32>} : memref<4096xf32, #tpu.memory_space<vmem>>, vector<16xf32>,
      tpu.vector_store %arg8[%swap3A_1357], %gather3A_1356 {strides = array<i32>} : memref<4096xf32, #tpu.memory_space<vmem>>, vector<16xf32>,
      %get3A_1359 = arith.constant 4000 : index
      %get3A_1360 = tpu.vector_load %arg6[%get3A_1359] {strides = array<i32>} : memref<4096xi32, #tpu.memory_space<vmem>>, vector<16xi32>,
      %gather3A_1361 = tpu.vector_load_idx %arg7[%get3A_1360] : memref<100000xf32, #tpu.memory_space<vmem>>[vector<16xi32>], vector<16xf32>,
      %swap3A_1362 = arith.constant 4000 : index
      %swap3A_1363 = tpu.vector_load %arg8[%swap3A_1362] {strides = array<i32>} : memref<4096xf32, #tpu.memory_space<vmem>>, vector<16xf32>,
      tpu.vector_store %arg8[%swap3A_1362], %gather3A_1361 {strides = array<i32>} : memref<4096xf32, #tpu.memory_space<vmem>>, vector<16xf32>,
      %get3A_1364 = arith.constant 4016 : index
      %get3A_1365 = tpu.vector_load %arg6[%get3A_1364] {strides = array<i32>} : memref<4096xi32, #tpu.memory_space<vmem>>, vector<16xi32>,
      %gather3A_1366 = tpu.vector_load_idx %arg7[%get3A_1365] : memref<100000xf32, #tpu.memory_space<vmem>>[vector<16xi32>], vector<16xf32>,
      %swap3A_1367 = arith.constant 4016 : index
      %swap3A_1368 = tpu.vector_load %arg8[%swap3A_1367] {strides = array<i32>} : memref<4096xf32, #tpu.memory_space<vmem>>, vector<16xf32>,
      tpu.vector_store %arg8[%swap3A_1367], %gather3A_1366 {strides = array<i32>} : memref<4096xf32, #tpu.memory_space<vmem>>, vector<16xf32>,
      %get3A_1369 = arith.constant 4032 : index
      %get3A_1370 = tpu.vector_load %arg6[%get3A_1369] {strides = array<i32>} : memref<4096xi32, #tpu.memory_space<vmem>>, vector<16xi32>,
      %gather3A_1371 = tpu.vector_load_idx %arg7[%get3A_1370] : memref<100000xf32, #tpu.memory_space<vmem>>[vector<16xi32>], vector<16xf32>,
      %swap3A_1372 = arith.constant 4032 : index
      %swap3A_1373 = tpu.vector_load %arg8[%swap3A_1372] {strides = array<i32>} : memref<4096xf32, #tpu.memory_space<vmem>>, vector<16xf32>,
      tpu.vector_store %arg8[%swap3A_1372], %gather3A_1371 {strides = array<i32>} : memref<4096xf32, #tpu.memory_space<vmem>>, vector<16xf32>,
      %get3A_1374 = arith.constant 4048 : index
      %get3A_1375 = tpu.vector_load %arg6[%get3A_1374] {strides = array<i32>} : memref<4096xi32, #tpu.memory_space<vmem>>, vector<16xi32>,
      %gather3A_1376 = tpu.vector_load_idx %arg7[%get3A_1375] : memref<100000xf32, #tpu.memory_space<vmem>>[vector<16xi32>], vector<16xf32>,
      %swap3A_1377 = arith.constant 4048 : index
      %swap3A_1378 = tpu.vector_load %arg8[%swap3A_1377] {strides = array<i32>} : memref<4096xf32, #tpu.memory_space<vmem>>, vector<16xf32>,
      tpu.vector_store %arg8[%swap3A_1377], %gather3A_1376 {strides = array<i32>} : memref<4096xf32, #tpu.memory_space<vmem>>, vector<16xf32>,
      %get3A_1379 = arith.constant 4064 : index
      %get3A_1380 = tpu.vector_load %arg6[%get3A_1379] {strides = array<i32>} : memref<4096xi32, #tpu.memory_space<vmem>>, vector<16xi32>,
      %gather3A_1381 = tpu.vector_load_idx %arg7[%get3A_1380] : memref<100000xf32, #tpu.memory_space<vmem>>[vector<16xi32>], vector<16xf32>,
      %swap3A_1382 = arith.constant 4064 : index
      %swap3A_1383 = tpu.vector_load %arg8[%swap3A_1382] {strides = array<i32>} : memref<4096xf32, #tpu.memory_space<vmem>>, vector<16xf32>,
      tpu.vector_store %arg8[%swap3A_1382], %gather3A_1381 {strides = array<i32>} : memref<4096xf32, #tpu.memory_space<vmem>>, vector<16xf32>,
      %get3A_1384 = arith.constant 4080 : index
      %get3A_1385 = tpu.vector_load %arg6[%get3A_1384] {strides = array<i32>} : memref<4096xi32, #tpu.memory_space<vmem>>, vector<16xi32>,
      %gather3A_1386 = tpu.vector_load_idx %arg7[%get3A_1385] : memref<100000xf32, #tpu.memory_space<vmem>>[vector<16xi32>], vector<16xf32>,
      %swap3A_1387 = arith.constant 4080 : index
      %swap3A_1388 = tpu.vector_load %arg8[%swap3A_1387] {strides = array<i32>} : memref<4096xf32, #tpu.memory_space<vmem>>, vector<16xf32>,
      tpu.vector_store %arg8[%swap3A_1387], %gather3A_1386 {strides = array<i32>} : memref<4096xf32, #tpu.memory_space<vmem>>, vector<16xf32>,
      %dma_start3A_1389 = arith.constant 0 : i32
      %dma_start3A_1390 = tpu.memref_slice %arg5[%add3A_14, %dma_start3A_1389] : memref<832x4096xf32, #tpu.memory_space<hbm>> -> memref<1x4096xf32, #tpu.memory_space<hbm>>
      %dma_start3A_1391 = tpu.memref_squeeze %dma_start3A_1390 : memref<1x4096xf32, #tpu.memory_space<hbm>> -> memref<4096xf32, #tpu.memory_space<hbm>>
      %dma_start3A_1392 = arith.constant 0 : i32
      %dma_start3A_1393 = tpu.memref_slice %arg5[%add3A_14, %dma_start3A_1392] : memref<832x4096xf32, #tpu.memory_space<hbm>> -> memref<1x4096xf32, #tpu.memory_space<hbm>>
      %dma_start3A_1394 = tpu.memref_squeeze %dma_start3A_1393 : memref<1x4096xf32, #tpu.memory_space<hbm>> -> memref<4096xf32, #tpu.memory_space<hbm>>
      tpu.enqueue_dma source(%arg8 : memref<4096xf32, #tpu.memory_space<vmem>>) target(%dma_start3A_1394 : memref<4096xf32, #tpu.memory_space<hbm>>) target_semaphore(%arg11 : memref<!tpu.dma_semaphore, #tpu.memory_space<semaphore_mem>>)
    }
    %scan3A_7 = arith.constant 26 : i32
    %dma_wait3A = arith.constant 0 : i32
    %dma_wait3A_8 = tpu.memref_slice %arg5[%mul3A_2, %dma_wait3A] : memref<832x4096xf32, #tpu.memory_space<hbm>> -> memref<1x4096xf32, #tpu.memory_space<hbm>>
    %dma_wait3A_9 = tpu.memref_squeeze %dma_wait3A_8 : memref<1x4096xf32, #tpu.memory_space<hbm>> -> memref<4096xf32, #tpu.memory_space<hbm>>
    %dma_wait3A_10 = arith.constant 0 : i32
    %dma_wait3A_11 = tpu.memref_slice %arg5[%mul3A_2, %dma_wait3A_10] : memref<832x4096xf32, #tpu.memory_space<hbm>> -> memref<1x4096xf32, #tpu.memory_space<hbm>>
    %dma_wait3A_12 = tpu.memref_squeeze %dma_wait3A_11 : memref<1x4096xf32, #tpu.memory_space<hbm>> -> memref<4096xf32, #tpu.memory_space<hbm>>
    tpu.wait_dma2 semaphore(%arg11 : memref<!tpu.dma_semaphore, #tpu.memory_space<semaphore_mem>>) src(%arg8 : memref<4096xf32, #tpu.memory_space<vmem>>) dst(%dma_wait3A_12 : memref<4096xf32, #tpu.memory_space<hbm>>)
    return
  }
}

</mosaic_0001>

<sc_bundles>
// kernel: kernel.3.cloned.1.call-start
scs
__scs_entry_jumppad:
0x0: {  	(pc) =	sbr.rel $0x88, $3  }
0x1: {  	(tag) =	ssettag $0x0;
	lr =	simm.s32 $0x1  }
0x2: {  	[smem:$0x3F9F] =	sst lr;
	_ =	strace $0xD0000000  }
0x3: {  	_ = 	snop  }
0x4: {  	_ = 	snop  }
0x5: {  	_ = 	snop  }
0x6: {  	_ = 	snop  }
0x7: {  	_ = 	snop  }
__scs_overlays_trampoline_lowered:
0x8: {  	[smem:$0x3FAE] =	sst s0  }
0x9: {  	[smem:$0x3FAF] =	sst s1  }
0xa: {  	[smem:$0x3FB0] =	sst s2  }
0xb: {  	[smem:$0x3FB1] =	sst s3  }
0xc: {  	[smem:$0x3FB2] =	sst s4  }
0xd: {  	[smem:$0x3FB3] =	sst s5  }
0xe: {  	[smem:$0x3FB4] =	sst s6  }
0xf: {  	[smem:$0x3FB5] =	sst s7  }
0x10: {  	[smem:$0x3FB6] =	sst s8  }
0x11: {  	[smem:$0x3FB7] =	sst s9;
	s0 =	simm.s32 @!p0 $0x0  }
0x12: {  	s1 =	sld [smem:$0x3F9D];
	s0 =	simm.s32 @p0 $0x1  }
0x13: {  	[smem:$0x3FB8] =	sst s0;
	s0 =	simm.s32 @!p1 $0x0  }
0x14: {  	s2 =	sld [smem:$0x3F9C];
	s0 =	simm.s32 @p1 $0x1  }
0x15: {  	[smem:$0x3FB9] =	sst s0;
	s0 =	simm.s32 @!p2 $0x0  }
0x16: {  	s3 =	sld [smem:$0x3FDB];
	s0 =	simm.s32 @p2 $0x1  }
0x17: {  	s4 =	simm.s32 $0x1BF5;
	[smem:$0x3FBB] =	sst s0  }
0x18: {  	s0 =	sld [smem:$0x3F9E];
	_ =	swait.ge [sflag:s4], $0x0  }
0x19: {  	s7 =	sld [smem:$0x3F9F]  }
0x1a: {  	s8 =	sadd.s32 $0xFFFFE003, lr  }
0x1b: {  	s9 =	sadd.s32 $0xFFFFFEF7, lr;
	s5 =	simm.s32 $0xFFFFFFFF;
	p2 =	slt.u32 s8, $0xFFFFF086  }
0x1c: {  	p1 =	slt.u32 s9, $0xF7A;
	s5 =	simm.s32 @!p2 $0x0  }
0x1d: {  	s5 =	simm.s32 @p1 $0x1;
	p0 =	seq.s32 s7, s2  }
0x1e: {  	s7 =	smul.u32 @!p0 $0xF7A, s2;
	p2 =	seq.s32 @!p0 s5, $0x0  }
0x1f: {  	s9 =	smul.u32 $0xF7A, s1;
	s8 =	simm.s32 @!p0 $0x1BF5;
	p2 =	por !p2, p0  }
0x20: {  	[sflag:s8] =	ssyncset.s32 @!p0 $0xFFFFF086;
	s6 =	sadd.s32 @!p0 s3, s7;
	s7 =	simm.s32 @!p0 $0x108  }
0x21: {  	s3 =	sadd.s32 s3, s9;
	s6 =	sadd.s32 @!p0 $0x88, s6;
	s7 =	simm.s32 @p2 $0x1082  }
0x22: {  	[simem:s7], [sflag:s8] =	dma.local @!p0 [hbm:s6], $0xF7A  }
0x23: {  	s9 =	sor.u32 $0xD0000000, s2;
	s6 =	simm.s32 $0x108;
	_ =	swait.ge @!p0 [sflag:s8], $0x0  }
0x24: {  	s3 =	sadd.s32 $0x88, s3;
	s6 =	simm.s32 @!p1 $0x1082;
	[sflag:s4] =	ssyncset.s32 $0xFFFFF086  }
0x25: {  	[simem:s6], [sflag:s4] =	dma.local [hbm:s3], $0xF7A  }
0x26: {  	[smem:$0x3F9F] =	sst s1;
	(tag) =	ssettag s2;
	_ =	strace s9  }
0x27: {  	s1 =	sld [smem:$0x3FAF]  }
0x28: {  	s2 =	sld [smem:$0x3FB0]  }
0x29: {  	s4 =	sld [smem:$0x3FB2]  }
0x2a: {  	p0 =	seq.s32 s5, $0x0;
	s5 =	sld [smem:$0x3FB3]  }
0x2b: {  	s6 =	sld [smem:$0x3FB4]  }
0x2c: {  	s7 =	sld [smem:$0x3FB5]  }
0x2d: {  	s3 =	simm.s32 $0x108;
	s8 =	sld [smem:$0x3FB6]  }
0x2e: {  	s3 =	simm.s32 @!p0 $0x1082;
	s9 =	sld [smem:$0x3FB7]  }
0x2f: {  	lr =	sadd.s32 s0, s3;
	s0 =	sld [smem:$0x3FAE]  }
0x30: {  	s3 =	sld [smem:$0x3FB1]  }
0x31: {  	[smem:$0x3FBA] =	sst s10  }
0x32: {  	s10 =	sld [smem:$0x3FB8];
	_ =	sdelay $0x3  }
0x33: {  	p0 =	seq.s32 s10, $0x1;
	s10 =	sld [smem:$0x3FBA];
	_ =	sdelay $0x3  }
0x34: {  	[smem:$0x3FBA] =	sst s10  }
0x35: {  	s10 =	sld [smem:$0x3FB9];
	_ =	sdelay $0x3  }
0x36: {  	p1 =	seq.s32 s10, $0x1;
	s10 =	sld [smem:$0x3FBA];
	_ =	sdelay $0x3  }
0x37: {  	[smem:$0x3FBA] =	sst s10  }
0x38: {  	s10 =	sld [smem:$0x3FBB]  }
0x39: {  	_ = 	snop;
	(pc) =	sbr.ind lr, $3  }
0x3a: {  	_ = 	snop  }
0x3b: {  	_ = 	snop  }
0x3c: {  	p2 =	seq.s32 s10, $0x1;
	s10 =	sld [smem:$0x3FBA]  }
0x3d: {  	_ =	shalt  }
0x3e: {  	_ =	shalt  }
0x3f: {  	_ =	shalt  }
0x40: {  	_ =	shalt  }
0x41: {  	_ =	shalt  }
0x42: {  	_ =	shalt  }
0x43: {  	_ =	shalt  }
0x44: {  	_ =	shalt  }
0x45: {  	_ =	shalt  }
0x46: {  	_ =	shalt  }
0x47: {  	_ =	shalt  }
0x48: {  	_ =	shalt  }
0x49: {  	_ =	shalt  }
0x4a: {  	_ =	shalt  }
0x4b: {  	_ =	shalt  }
0x4c: {  	_ =	shalt  }
0x4d: {  	_ =	shalt  }
0x4e: {  	_ =	shalt  }
0x4f: {  	_ =	shalt  }
0x50: {  	_ =	shalt  }
0x51: {  	_ =	shalt  }
0x52: {  	_ =	shalt  }
0x53: {  	_ =	shalt  }
0x54: {  	_ =	shalt  }
0x55: {  	_ =	shalt  }
0x56: {  	_ =	shalt  }
0x57: {  	_ =	shalt  }
0x58: {  	_ =	shalt  }
0x59: {  	_ =	shalt  }
0x5a: {  	_ =	shalt  }
0x5b: {  	_ =	shalt  }
0x5c: {  	_ =	shalt  }
0x5d: {  	_ =	shalt  }
0x5e: {  	_ =	shalt  }
0x5f: {  	_ =	shalt  }
0x60: {  	_ =	shalt  }
0x61: {  	_ =	shalt  }
0x62: {  	_ =	shalt  }
0x63: {  	_ =	shalt  }
0x64: {  	_ =	shalt  }
0x65: {  	_ =	shalt  }
0x66: {  	_ =	shalt  }
0x67: {  	_ =	shalt  }
0x68: {  	_ =	shalt  }
0x69: {  	_ =	shalt  }
0x6a: {  	_ =	shalt  }
0x6b: {  	_ =	shalt  }
0x6c: {  	_ =	shalt  }
0x6d: {  	_ =	shalt  }
0x6e: {  	_ =	shalt  }
0x6f: {  	_ =	shalt  }
0x70: {  	_ =	shalt  }
0x71: {  	_ =	shalt  }
0x72: {  	_ =	shalt  }
0x73: {  	_ =	shalt  }
0x74: {  	_ =	shalt  }
0x75: {  	_ =	shalt  }
0x76: {  	_ =	shalt  }
0x77: {  	_ =	shalt  }
0x78: {  	_ =	shalt  }
0x79: {  	_ =	shalt  }
0x7a: {  	_ =	shalt  }
0x7b: {  	_ =	shalt  }
0x7c: {  	_ =	shalt  }
0x7d: {  	_ =	shalt  }
0x7e: {  	_ =	shalt  }
0x7f: {  	_ =	shalt  }
0x80: {  	_ =	shalt  }
0x81: {  	_ =	shalt  }
0x82: {  	_ =	shalt  }
0x83: {  	_ =	shalt  }
0x84: {  	_ =	shalt  }
0x85: {  	_ =	shalt  }
0x86: {  	_ =	shalt  }
0x87: {  	_ =	shalt  }
.Lfunc_end0:
.L_simem_size_0:
called_computation_lowered:
.L_overlay_start_0:
0x88: {  	s2 =	sld [smem:$0x3FD9]  }
0x89: {  	s3 =	sld [smem:$0x3FFE];
	_ =	sdelay $0x1  }
0x8a: {  	s1 =	srdreg.scid  }
0x8b: {  	s0 =	sand.u32 $0x1, s1  }
0x8c: {  	s17 =	sshll.u32 s0, $0xA;
	s2 =	sadd.s32 s3, s2  }
0x8d: {  	s2 =	sadd.s32 s2, s17  }
0x8e: {  	[smem:$0x3FC6] =	sst s2  }
0x8f: {  	_ = 	snop  }
0x90: {  	s2 =	sld [smem:$0x3FC9]  }
0x91: {  	s18 =	sld [smem:$0x3FC8]  }
0x92: {  	s4 =	sld [smem:$0x3FD0];
	(tm) =	ssettm $0x1  }
0x93: {  	s5 =	sld [smem:$0x3FFB];
	_ =	sdelay $0x3  }
0x94: {  	_ =	strace s5  }
0x95: {  	s5 =	sld [smem:$0x3FFC];
	_ =	sdelay $0x3  }
0x96: {  	_ =	strace s5  }
0x97: {  	s5 =	sld [smem:$0x3FFD];
	_ =	sdelay $0x3  }
0x98: {  	_ =	strace s5  }
0x99: {  	_ =	strace $0x8FFFFFFF  }
0x9a: {  	s19 =	sld [smem:$0x3FDB];
	_ =	sdelay $0x1  }
0x9b: {  	s6 =	simm.s32 $_scs_section_size  }
0x9c: {  	s7 =	simm.s32 $_size__tile_overlayer_lowered;
	s8 =	simm.s32 $_tile_overlayer_lowered  }
0x9d: {  	s22 =	simm.s32 $0x1BFF;
	s21 =	sshll.u32 s8, $0x1;
	s5 =	sadd.s32 s6, s19  }
0x9e: {  	s9 =	simm.s32 $0x0;
	s20 =	sshll.u32 s7, $0x1;
	s7 =	sadd.s32 s21, s5  }
0x9f: {  	[timem:s9], [sflag:s22] =	dma.local [hbm:s7], s20  }
0xa0: {  	_ =	swait.ge [sflag:s22], s20  }
0xa1: {  	s6 =	ssub.s32 $0x0, s20;
	[sflag:s22] =	ssyncset.done $0x0  }
0xa2: {  	[sflag:s22] =	ssyncadd.s32 s6;
	_ =	sdelay $0x1  }
0xa3: {  	s23 =	simm.s32 $0x1B8B  }
0xa4: {  	_ =	swait.ge [sflag:s23], $0x1  }
0xa5: {  	[sflag:s23] =	ssyncset.done $0x0  }
0xa6: {  	s25 =	simm.s32 $0x1B8E;
	s24 =	sld [smem:$0x3FFE];
	[sflag:s23] =	ssyncadd.s32 $0xFFFFFFFF  }
0xa7: {  	s26 =	simm.s32 $execute0_lowered;
	[smem:$0x3FD2] =	sst s25  }
0xa8: {  	s7 =	sshll.u32 s26, $0x1;
	_ =	strace $0x80000046;
	[dreg:$0x1] =	wrdreg $0xFFFFFFFF  }
0xa9: {  	s28 =	simm.s32 $_size_execute0_lowered;
	s5 =	sadd.s32 s5, s7;
	[dreg:$0x0] =	wrdreg $0x0  }
0xaa: {  	s7 =	sshll.u32 s28, $0x1;
	[dreg:$0x2] =	wrdreg s5  }
0xab: {  	[dreg:$0x3] =	wrdreg s7  }
0xac: {  	[dreg:$0x4] =	wrdreg $0xC0  }
0xad: {  	_ =	task [dreg:s9], $0x5FFFF  }
0xae: {  	[dreg:$0x1] =	wrdreg $0xFFFFFFFF  }
0xaf: {  	[dreg:$0x0] =	wrdreg $0x60  }
0xb0: {  	[dreg:$0x2] =	wrdreg s2  }
0xb1: {  	[dreg:$0x3] =	wrdreg s18  }
0xb2: {  	[dreg:$0x4] =	wrdreg s24  }
0xb3: {  	[dreg:$0x5] =	wrdreg s4  }
0xb4: {  	[dreg:$0x6] =	wrdreg $0x9  }
0xb5: {  	_ =	task.clear_ibuf [dreg:s9], $0x7FFFF;
	_ =	strace $0x90000046  }
0xb6: {  	s29 =	simm.s32 $0x9;
	_ =	strace $0x80000048  }
0xb7: {  	_ =	swait.ge [sflag:s29], $0x1  }
0xb8: {  	[sflag:s29] =	ssyncadd.s32 $0xFFFFFFFF  }
0xb9: {  	_ =	strace $0x90000048  }
0xba: {  	_ =	sfence  }
0xbb: {  	s30 =	sld [smem:$0x0];
	_ =	sdelay $0x2  }
0xbc: {  	s31 =	sshll.u32 s1, $0xD;
	s1 =	sshrl.u32 s1, $0x2  }
0xbd: {  	s3 =	sand.u32 $0x4000, s31;
	s1 =	sadd.s32 s1, s30  }
0xbe: {  	s0 =	sor.u32 s3, s0;
	s1 =	sshll.u32 s1, $0x11  }
0xbf: {  	s0 =	sor.u32 s1, s0  }
0xc0: {  	s0 =	sadd.s32 $0x8F2B, s0  }
0xc1: {  	[sflag:s0] =	ssyncadd.remote.s32 $0x1  }
0xc2: {  	_ =	sfence.sel $0xFFFF  }
0xc3: {  	[dreg:$0x0] =	wrdreg $0xFFFFFFFF;
	(pc) =	sbr.abs _section_cstart, $3  }
0xc4: {  	[dreg:$0x1] =	wrdreg $0xFFFFFFFF  }
0xc5: {  	_ =	task.clear_ibuf [dreg:s9], $0x2FFFF;
	_ =	strace $0x9FFFFFFF  }
0xc6: {  	(tm) =	ssettm $0x7FFFFFFF  }
0xc7: {  	_ =	shalt  }
tec
execute0_lowered:
.L_overlay_start_1:
0x0: {  	(tag) =	ssettag $0x1  }
0x1: {  	s0 =	rddreg [dreg:$0x0]  }
0x2: {  	s1 =	rddreg [dreg:$0x1]  }
0x3: {  	s2 =	srdreg.scid;
	s5 =	rddreg [dreg:$0x2]  }
0x4: {  	[dreg:$0x5] =	wrdreg s0;
	s0 =	stileid.u32  }
0x5: {  	s23 =	rddreg [dreg:$0x3];
	s6 =	sand.u32 $0x1, s2;
	s4 =	smul.u32 $0x340, s0  }
0x6: {  	s3 =	simm.s32 $0x0;
	s29 =	simm.s32 $0xD380;
	s7 =	smul.u32 $0x1A0, s6  }
0x7: {  	s30 =	simm.s32 $0x19620;
	[dreg:$0x9] =	wrdreg s23;
	s8 =	smul.u32 $0x1A00, s0  }
0x8: {  	s31 =	simm.s32 $0x19700;
	s2 =	rddreg [dreg:$0x4];
	s9 =	smul.u32 $0xD00, s6  }
0x9: {  	s15 =	simm.s32 $0x0;
	[smem:$0x7FF] =	sst s3;
	s11 =	smul.u32 $0x34, s0  }
0xa: {  	_ =	strace $0x80000047;
	s13 =	smul.u32 $0x1A, s6;
	[dreg:$0x6] =	wrdreg s29  }
0xb: {  	s10 =	ssub.s32 $0x2, s6;
	s25 =	smul.u32 $0x6800, s0;
	[dreg:$0x8] =	wrdreg s30  }
0xc: {  	s14 =	smul.u32 $0x3400, s6;
	[dreg:$0xa] =	wrdreg s31;
	s12 =	sshrl.u32 s10, $0x1  }
0xd: {  	s4 =	sadd.s32 s7, s4;
	s24 =	ssub.s32 s10, s12;
	s6 =	sadd.s32 s9, s8  }
0xe: {  	s7 =	sadd.s32 s13, s11;
	s8 =	sadd.s32 s14, s25;
	s9 =	simm.s32 $0x80  }
0xf: {  	s10 =	simm.s32 $0x400;
	s11 =	simm.s32 $0x1000;
	s26 =	sadd.s32 s4, s5  }
0x10: {  	s12 =	simm.s32 $0x2;
	s13 =	simm.s32 $0x1;
	s28 =	sadd.s32 $0x400, s26  }
0x11: {  	s14 =	simm.s32 $0x3;
	s5 =	smax.u32 s24, $0x1;
	[dreg:$0x7] =	wrdreg s28  }
.LBB2_1:
0x12: {  	s16 =	smov.u32 s8  }
0x13: {  	s17 =	smov.u32 s7;
	s18 =	smov.u32 s6;
	s19 =	simm.s32 $0x0  }
.LBB2_2:
0x14: {  	s20 =	rddreg [dreg:$0x5]  }
0x15: {  	s21 =	sshrl.u32 s17, $0x1;
	s22 =	sshrl.u32 s17, $0x5;
	s23 =	sshll.u32 s17, $0x4  }
0x16: {  	s31 =	sshrl.u32 s17, $0x3;
	s21 =	sand.u32 $0x70, s21;
	s23 =	sand.u32 $0xFFFF000, s23  }
0x17: {  	s22 =	smul.u32 $0x30E000, s22;
	s20 =	sadd.s32 s20, s21;
	s21 =	sand.u32 $0x3, s31  }
0x18: {  	s20 =	sadd.s32 s23, s20;
	s21 =	smul.u32 $0xC3800, s21  }
0x19: {  	[tilespmem:s3], [sflag:$0x2] =	stream.strided.gather [hbm4b:s20+s9], $0x1000, s10, s9, $0x38;
	[tilespmem:$0x1A700] =	vst v63  }
0x1a: {  	s21 =	sadd.s32 s22, s21;
	s22 =	sand.u32 $0x380, s18  }
0x1b: {  	s20 =	sor.u32 s22, s21  }
0x1c: {  	s21 =	sshrl.u32 s20, $0x3;
	s20 =	sadd.s32 $0x61C00, s20  }
0x1d: {  	s24 =	rddreg [dreg:$0x7];
	s21 =	sadd.s32 s1, s21;
	s20 =	sshrl.u32 s20, $0x3  }
0x1e: {  	[tilespmem:s11], [sflag:$0x1] =	stream.strided.gather [hbm4b:s21+s9], $0xC380, s10, s9, $0x38;
	[tilespmem:$0x1A700] =	vst v63  }
0x1f: {  	p0 =	seq.s32 s19, $0x0;
	s23 =	rddreg [dreg:$0x6];
	s20 =	sadd.s32 s1, s20  }
0x20: {  	[tilespmem:s23], [sflag:$0x1] =	stream.strided.gather [hbm4b:s20+s9], $0xC300, s10, s9, $0x38;
	[tilespmem:$0x1A700] =	vst v63  }
0x21: {  	s25 =	rddreg [dreg:$0x8];
	s26 =	sadd.s32 s19, s24;
	s20 =	simm.s32 @!p0 $0x3  }
0x22: {  	[tilespmem:s25], [sflag:$0x1] =	stream.linear.gather [hbm4b:s26+s3], $0x80, $0x38;
	[tilespmem:$0x1A700] =	vst v63  }
0x23: {  	_ =	swait.ge @!p0 [sflag:s20], $0x1000  }
0x24: {  	[sflag:s20] =	ssyncset.done @!p0 $0x0  }
0x25: {  	[sflag:s20] =	ssyncadd.s32 @!p0 $0xFFFFF000  }
0x26: {  	_ =	swait.ge [sflag:s12], $0x1000  }
0x27: {  	[sflag:s12] =	ssyncset.done $0x0  }
0x28: {  	[sflag:s12] =	ssyncadd.s32 $0xFFFFF000  }
0x29: {  	_ =	swait.ge [sflag:s13], $0xC380  }
0x2a: {  	[sflag:s13] =	ssyncset.done $0x0  }
0x2b: {  	[sflag:s13] =	ssyncadd.s32 $0xFFFF3C80  }
0x2c: {  	_ =	swait.ge [sflag:s13], $0xC300  }
0x2d: {  	[sflag:s13] =	ssyncset.done $0x0  }
0x2e: {  	[sflag:s13] =	ssyncadd.s32 $0xFFFF3D00  }
0x2f: {  	_ =	swait.ge [sflag:s13], $0x80  }
0x30: {  	[sflag:s13] =	ssyncset.done $0x0  }
0x31: {  	[sflag:s13] =	ssyncadd.s32 $0xFFFFFF80  }
0x32: {  	v0 =	vld [tilespmem:$0x0];
	_ =	sdelay $0x5  }
0x33: {  	v1 =	vld [tilespmem:$0x10];
	_ =	sdelay $0x1  }
0x34: {  	v0 =	vld.idx.msk [tilespmem:v0+s11+$0x0], $0xffff;
	_ =	sdelay $0x3  }
0x35: {  	v2 =	vld [tilespmem:$0x20]  }
0x36: {  	[tilespmem:$0x19700] =	vst v0  }
0x37: {  	v0 =	vld.idx.msk [tilespmem:v1+s11+$0x0], $0xffff;
	_ =	sdelay $0x3  }
0x38: {  	v52 =	vld [tilespmem:$0x30]  }
0x39: {  	[tilespmem:$0x19710] =	vst v0  }
0x3a: {  	v0 =	vld.idx.msk [tilespmem:v2+s11+$0x0], $0xffff;
	_ =	sdelay $0x3  }
0x3b: {  	v53 =	vld [tilespmem:$0x40]  }
0x3c: {  	[tilespmem:$0x19720] =	vst v0  }
0x3d: {  	v0 =	vld.idx.msk [tilespmem:v52+s11+$0x0], $0xffff;
	_ =	sdelay $0x3  }
0x3e: {  	v54 =	vld [tilespmem:$0x50]  }
0x3f: {  	[tilespmem:$0x19730] =	vst v0  }
0x40: {  	v0 =	vld.idx.msk [tilespmem:v53+s11+$0x0], $0xffff;
	_ =	sdelay $0x3  }
0x41: {  	v55 =	vld [tilespmem:$0x60]  }
0x42: {  	[tilespmem:$0x19740] =	vst v0  }
0x43: {  	v0 =	vld.idx.msk [tilespmem:v54+s11+$0x0], $0xffff;
	_ =	sdelay $0x3  }
0x44: {  	v56 =	vld [tilespmem:$0x70]  }
0x45: {  	[tilespmem:$0x19750] =	vst v0  }
0x46: {  	v0 =	vld.idx.msk [tilespmem:v55+s11+$0x0], $0xffff;
	_ =	sdelay $0x3  }
0x47: {  	v57 =	vld [tilespmem:$0x80]  }
0x48: {  	[tilespmem:$0x19760] =	vst v0  }
0x49: {  	v0 =	vld.idx.msk [tilespmem:v56+s11+$0x0], $0xffff;
	_ =	sdelay $0x3  }
0x4a: {  	v58 =	vld [tilespmem:$0x90]  }
0x4b: {  	[tilespmem:$0x19770] =	vst v0  }
0x4c: {  	v0 =	vld.idx.msk [tilespmem:v57+s11+$0x0], $0xffff;
	_ =	sdelay $0x3  }
0x4d: {  	v59 =	vld [tilespmem:$0xA0]  }
0x4e: {  	[tilespmem:$0x19780] =	vst v0  }
0x4f: {  	v0 =	vld.idx.msk [tilespmem:v58+s11+$0x0], $0xffff;
	_ =	sdelay $0x3  }
0x50: {  	v60 =	vld [tilespmem:$0xB0]  }
0x51: {  	[tilespmem:$0x19790] =	vst v0  }
0x52: {  	v0 =	vld.idx.msk [tilespmem:v59+s11+$0x0], $0xffff;
	_ =	sdelay $0x3  }
0x53: {  	v61 =	vld [tilespmem:$0xC0]  }
0x54: {  	[tilespmem:$0x197A0] =	vst v0  }
0x55: {  	v0 =	vld.idx.msk [tilespmem:v60+s11+$0x0], $0xffff;
	_ =	sdelay $0x3  }
0x56: {  	v62 =	vld [tilespmem:$0xD0]  }
0x57: {  	[tilespmem:$0x197B0] =	vst v0  }
0x58: {  	v0 =	vld.idx.msk [tilespmem:v61+s11+$0x0], $0xffff;
	_ =	sdelay $0x3  }
0x59: {  	v63 =	vld [tilespmem:$0xE0]  }
0x5a: {  	[tilespmem:$0x197C0] =	vst v0  }
0x5b: {  	v0 =	vld.idx.msk [tilespmem:v62+s11+$0x0], $0xffff;
	_ =	sdelay $0x3  }
0x5c: {  	v4 =	vld [tilespmem:$0xF0]  }
0x5d: {  	[tilespmem:$0x197D0] =	vst v0  }
0x5e: {  	v0 =	vld.idx.msk [tilespmem:v63+s11+$0x0], $0xffff;
	_ =	sdelay $0x3  }
0x5f: {  	v5 =	vld [tilespmem:$0x100]  }
0x60: {  	[tilespmem:$0x197E0] =	vst v0  }
0x61: {  	v0 =	vld.idx.msk [tilespmem:v4+s11+$0x0], $0xffff;
	_ =	sdelay $0x3  }
0x62: {  	v6 =	vld [tilespmem:$0x110]  }
0x63: {  	[tilespmem:$0x197F0] =	vst v0  }
0x64: {  	v0 =	vld.idx.msk [tilespmem:v5+s11+$0x0], $0xffff;
	_ =	sdelay $0x3  }
0x65: {  	v7 =	vld [tilespmem:$0x120]  }
0x66: {  	[tilespmem:$0x19800] =	vst v0  }
0x67: {  	v0 =	vld.idx.msk [tilespmem:v6+s11+$0x0], $0xffff;
	_ =	sdelay $0x3  }
0x68: {  	v8 =	vld [tilespmem:$0x130]  }
0x69: {  	[tilespmem:$0x19810] =	vst v0  }
0x6a: {  	v0 =	vld.idx.msk [tilespmem:v7+s11+$0x0], $0xffff;
	_ =	sdelay $0x3  }
0x6b: {  	v9 =	vld [tilespmem:$0x140]  }
0x6c: {  	[tilespmem:$0x19820] =	vst v0  }
0x6d: {  	v0 =	vld.idx.msk [tilespmem:v8+s11+$0x0], $0xffff;
	_ =	sdelay $0x3  }
0x6e: {  	v10 =	vld [tilespmem:$0x150]  }
0x6f: {  	[tilespmem:$0x19830] =	vst v0  }
0x70: {  	v0 =	vld.idx.msk [tilespmem:v9+s11+$0x0], $0xffff;
	_ =	sdelay $0x3  }
0x71: {  	v11 =	vld [tilespmem:$0x160]  }
0x72: {  	[tilespmem:$0x19840] =	vst v0  }
0x73: {  	v0 =	vld.idx.msk [tilespmem:v10+s11+$0x0], $0xffff;
	_ =	sdelay $0x3  }
0x74: {  	v12 =	vld [tilespmem:$0x170]  }
0x75: {  	[tilespmem:$0x19850] =	vst v0  }
0x76: {  	v0 =	vld.idx.msk [tilespmem:v11+s11+$0x0], $0xffff;
	_ =	sdelay $0x3  }
0x77: {  	v13 =	vld [tilespmem:$0x180]  }
0x78: {  	[tilespmem:$0x19860] =	vst v0  }
0x79: {  	v0 =	vld.idx.msk [tilespmem:v12+s11+$0x0], $0xffff;
	_ =	sdelay $0x3  }
0x7a: {  	v14 =	vld [tilespmem:$0x190]  }
0x7b: {  	[tilespmem:$0x19870] =	vst v0  }
0x7c: {  	v0 =	vld.idx.msk [tilespmem:v13+s11+$0x0], $0xffff;
	_ =	sdelay $0x3  }
0x7d: {  	v15 =	vld [tilespmem:$0x1A0]  }
0x7e: {  	[tilespmem:$0x19880] =	vst v0  }
0x7f: {  	v0 =	vld.idx.msk [tilespmem:v14+s11+$0x0], $0xffff;
	_ =	sdelay $0x3  }
0x80: {  	v16 =	vld [tilespmem:$0x1B0]  }
0x81: {  	[tilespmem:$0x19890] =	vst v0  }
0x82: {  	v0 =	vld.idx.msk [tilespmem:v15+s11+$0x0], $0xffff;
	_ =	sdelay $0x3  }
0x83: {  	v17 =	vld [tilespmem:$0x1C0]  }
0x84: {  	[tilespmem:$0x198A0] =	vst v0  }
0x85: {  	v0 =	vld.idx.msk [tilespmem:v16+s11+$0x0], $0xffff;
	_ =	sdelay $0x3  }
0x86: {  	v18 =	vld [tilespmem:$0x1D0]  }
0x87: {  	[tilespmem:$0x198B0] =	vst v0  }
0x88: {  	v0 =	vld.idx.msk [tilespmem:v17+s11+$0x0], $0xffff;
	_ =	sdelay $0x3  }
0x89: {  	v19 =	vld [tilespmem:$0x1E0]  }
0x8a: {  	[tilespmem:$0x198C0] =	vst v0  }
0x8b: {  	v0 =	vld.idx.msk [tilespmem:v18+s11+$0x0], $0xffff;
	_ =	sdelay $0x3  }
0x8c: {  	v20 =	vld [tilespmem:$0x1F0]  }
0x8d: {  	[tilespmem:$0x198D0] =	vst v0  }
0x8e: {  	v0 =	vld.idx.msk [tilespmem:v19+s11+$0x0], $0xffff;
	_ =	sdelay $0x3  }
0x8f: {  	v21 =	vld [tilespmem:$0x200]  }
0x90: {  	[tilespmem:$0x198E0] =	vst v0  }
0x91: {  	v0 =	vld.idx.msk [tilespmem:v20+s11+$0x0], $0xffff;
	_ =	sdelay $0x3  }
0x92: {  	v22 =	vld [tilespmem:$0x210]  }
0x93: {  	[tilespmem:$0x198F0] =	vst v0  }
0x94: {  	v0 =	vld.idx.msk [tilespmem:v21+s11+$0x0], $0xffff;
	_ =	sdelay $0x3  }
0x95: {  	v23 =	vld [tilespmem:$0x220]  }
0x96: {  	[tilespmem:$0x19900] =	vst v0  }
0x97: {  	v0 =	vld.idx.msk [tilespmem:v22+s11+$0x0], $0xffff;
	_ =	sdelay $0x3  }
0x98: {  	v24 =	vld [tilespmem:$0x230]  }
0x99: {  	[tilespmem:$0x19910] =	vst v0  }
0x9a: {  	v0 =	vld.idx.msk [tilespmem:v23+s11+$0x0], $0xffff;
	_ =	sdelay $0x3  }
0x9b: {  	v25 =	vld [tilespmem:$0x240]  }
0x9c: {  	[tilespmem:$0x19920] =	vst v0  }
0x9d: {  	v0 =	vld.idx.msk [tilespmem:v24+s11+$0x0], $0xffff;
	_ =	sdelay $0x3  }
0x9e: {  	v26 =	vld [tilespmem:$0x250]  }
0x9f: {  	[tilespmem:$0x19930] =	vst v0  }
0xa0: {  	v0 =	vld.idx.msk [tilespmem:v25+s11+$0x0], $0xffff;
	_ =	sdelay $0x3  }
0xa1: {  	v27 =	vld [tilespmem:$0x260]  }
0xa2: {  	[tilespmem:$0x19940] =	vst v0  }
0xa3: {  	v0 =	vld.idx.msk [tilespmem:v26+s11+$0x0], $0xffff;
	_ =	sdelay $0x3  }
0xa4: {  	v28 =	vld [tilespmem:$0x270]  }
0xa5: {  	[tilespmem:$0x19950] =	vst v0  }
0xa6: {  	v0 =	vld.idx.msk [tilespmem:v27+s11+$0x0], $0xffff;
	_ =	sdelay $0x3  }
0xa7: {  	v29 =	vld [tilespmem:$0x280]  }
0xa8: {  	[tilespmem:$0x19960] =	vst v0  }
0xa9: {  	v0 =	vld.idx.msk [tilespmem:v28+s11+$0x0], $0xffff;
	_ =	sdelay $0x3  }
0xaa: {  	v30 =	vld [tilespmem:$0x290]  }
0xab: {  	[tilespmem:$0x19970] =	vst v0  }
0xac: {  	v0 =	vld.idx.msk [tilespmem:v29+s11+$0x0], $0xffff;
	_ =	sdelay $0x3  }
0xad: {  	v31 =	vld [tilespmem:$0x2A0]  }
0xae: {  	[tilespmem:$0x19980] =	vst v0  }
0xaf: {  	v0 =	vld.idx.msk [tilespmem:v30+s11+$0x0], $0xffff;
	_ =	sdelay $0x3  }
0xb0: {  	v32 =	vld [tilespmem:$0x2B0]  }
0xb1: {  	[tilespmem:$0x19990] =	vst v0  }
0xb2: {  	v0 =	vld.idx.msk [tilespmem:v31+s11+$0x0], $0xffff;
	_ =	sdelay $0x3  }
0xb3: {  	v33 =	vld [tilespmem:$0x2C0]  }
0xb4: {  	[tilespmem:$0x199A0] =	vst v0  }
0xb5: {  	v0 =	vld.idx.msk [tilespmem:v32+s11+$0x0], $0xffff;
	_ =	sdelay $0x3  }
0xb6: {  	v34 =	vld [tilespmem:$0x2D0]  }
0xb7: {  	[tilespmem:$0x199B0] =	vst v0  }
0xb8: {  	v0 =	vld.idx.msk [tilespmem:v33+s11+$0x0], $0xffff;
	_ =	sdelay $0x3  }
0xb9: {  	v35 =	vld [tilespmem:$0x2E0]  }
0xba: {  	[tilespmem:$0x199C0] =	vst v0  }
0xbb: {  	v0 =	vld.idx.msk [tilespmem:v34+s11+$0x0], $0xffff;
	_ =	sdelay $0x3  }
0xbc: {  	v36 =	vld [tilespmem:$0x2F0]  }
0xbd: {  	[tilespmem:$0x199D0] =	vst v0  }
0xbe: {  	v0 =	vld.idx.msk [tilespmem:v35+s11+$0x0], $0xffff;
	_ =	sdelay $0x3  }
0xbf: {  	v37 =	vld [tilespmem:$0x300]  }
0xc0: {  	[tilespmem:$0x199E0] =	vst v0  }
0xc1: {  	v0 =	vld.idx.msk [tilespmem:v36+s11+$0x0], $0xffff;
	_ =	sdelay $0x3  }
0xc2: {  	v38 =	vld [tilespmem:$0x310]  }
0xc3: {  	[tilespmem:$0x199F0] =	vst v0  }
0xc4: {  	v0 =	vld.idx.msk [tilespmem:v37+s11+$0x0], $0xffff;
	_ =	sdelay $0x3  }
0xc5: {  	v39 =	vld [tilespmem:$0x320]  }
0xc6: {  	[tilespmem:$0x19A00] =	vst v0  }
0xc7: {  	v0 =	vld.idx.msk [tilespmem:v38+s11+$0x0], $0xffff;
	_ =	sdelay $0x3  }
0xc8: {  	v40 =	vld [tilespmem:$0x330]  }
0xc9: {  	[tilespmem:$0x19A10] =	vst v0  }
0xca: {  	v0 =	vld.idx.msk [tilespmem:v39+s11+$0x0], $0xffff;
	_ =	sdelay $0x3  }
0xcb: {  	v41 =	vld [tilespmem:$0x340]  }
0xcc: {  	[tilespmem:$0x19A20] =	vst v0  }
0xcd: {  	v0 =	vld.idx.msk [tilespmem:v40+s11+$0x0], $0xffff;
	_ =	sdelay $0x3  }
0xce: {  	v42 =	vld [tilespmem:$0x350]  }
0xcf: {  	[tilespmem:$0x19A30] =	vst v0  }
0xd0: {  	v0 =	vld.idx.msk [tilespmem:v41+s11+$0x0], $0xffff;
	_ =	sdelay $0x3  }
0xd1: {  	v43 =	vld [tilespmem:$0x360]  }
0xd2: {  	[tilespmem:$0x19A40] =	vst v0  }
0xd3: {  	v0 =	vld.idx.msk [tilespmem:v42+s11+$0x0], $0xffff;
	_ =	sdelay $0x3  }
0xd4: {  	v44 =	vld [tilespmem:$0x370]  }
0xd5: {  	[tilespmem:$0x19A50] =	vst v0  }
0xd6: {  	v0 =	vld.idx.msk [tilespmem:v43+s11+$0x0], $0xffff;
	_ =	sdelay $0x3  }
0xd7: {  	v45 =	vld [tilespmem:$0x380]  }
0xd8: {  	[tilespmem:$0x19A60] =	vst v0  }
0xd9: {  	v0 =	vld.idx.msk [tilespmem:v44+s11+$0x0], $0xffff;
	_ =	sdelay $0x3  }
0xda: {  	v46 =	vld [tilespmem:$0x390]  }
0xdb: {  	[tilespmem:$0x19A70] =	vst v0  }
0xdc: {  	v0 =	vld.idx.msk [tilespmem:v45+s11+$0x0], $0xffff;
	_ =	sdelay $0x3  }
0xdd: {  	v47 =	vld [tilespmem:$0x3A0]  }
0xde: {  	[tilespmem:$0x19A80] =	vst v0  }
0xdf: {  	v0 =	vld.idx.msk [tilespmem:v46+s11+$0x0], $0xffff;
	_ =	sdelay $0x3  }
0xe0: {  	v48 =	vld [tilespmem:$0x3B0]  }
0xe1: {  	[tilespmem:$0x19A90] =	vst v0  }
0xe2: {  	v0 =	vld.idx.msk [tilespmem:v47+s11+$0x0], $0xffff;
	_ =	sdelay $0x3  }
0xe3: {  	v49 =	vld [tilespmem:$0x3C0]  }
0xe4: {  	[tilespmem:$0x19AA0] =	vst v0  }
0xe5: {  	v0 =	vld.idx.msk [tilespmem:v48+s11+$0x0], $0xffff;
	_ =	sdelay $0x3  }
0xe6: {  	v50 =	vld [tilespmem:$0x3D0]  }
0xe7: {  	[tilespmem:$0x19AB0] =	vst v0  }
0xe8: {  	v0 =	vld.idx.msk [tilespmem:v49+s11+$0x0], $0xffff;
	_ =	sdelay $0x3  }
0xe9: {  	v51 =	vld [tilespmem:$0x3E0]  }
0xea: {  	[tilespmem:$0x19AC0] =	vst v0  }
0xeb: {  	v0 =	vld.idx.msk [tilespmem:v50+s11+$0x0], $0xffff;
	_ =	sdelay $0x3  }
0xec: {  	v52 =	vld [tilespmem:$0x3F0]  }
0xed: {  	[tilespmem:$0x19AD0] =	vst v0  }
0xee: {  	v0 =	vld.idx.msk [tilespmem:v51+s11+$0x0], $0xffff;
	_ =	sdelay $0x3  }
0xef: {  	v53 =	vld [tilespmem:$0x400]  }
0xf0: {  	[tilespmem:$0x19AE0] =	vst v0  }
0xf1: {  	v0 =	vld.idx.msk [tilespmem:v52+s11+$0x0], $0xffff;
	_ =	sdelay $0x3  }
0xf2: {  	v54 =	vld [tilespmem:$0x410]  }
0xf3: {  	[tilespmem:$0x19AF0] =	vst v0  }
0xf4: {  	v0 =	vld.idx.msk [tilespmem:v53+s11+$0x0], $0xffff;
	_ =	sdelay $0x3  }
0xf5: {  	v55 =	vld [tilespmem:$0x420]  }
0xf6: {  	[tilespmem:$0x19B00] =	vst v0  }
0xf7: {  	v0 =	vld.idx.msk [tilespmem:v54+s11+$0x0], $0xffff;
	_ =	sdelay $0x3  }
0xf8: {  	v56 =	vld [tilespmem:$0x430]  }
0xf9: {  	[tilespmem:$0x19B10] =	vst v0  }
0xfa: {  	v0 =	vld.idx.msk [tilespmem:v55+s11+$0x0], $0xffff;
	_ =	sdelay $0x3  }
0xfb: {  	v57 =	vld [tilespmem:$0x440]  }
0xfc: {  	[tilespmem:$0x19B20] =	vst v0  }
0xfd: {  	v0 =	vld.idx.msk [tilespmem:v56+s11+$0x0], $0xffff;
	_ =	sdelay $0x3  }
0xfe: {  	v58 =	vld [tilespmem:$0x450]  }
0xff: {  	[tilespmem:$0x19B30] =	vst v0  }
0x100: {  	v0 =	vld.idx.msk [tilespmem:v57+s11+$0x0], $0xffff;
	_ =	sdelay $0x3  }
0x101: {  	v59 =	vld [tilespmem:$0x460]  }
0x102: {  	[tilespmem:$0x19B40] =	vst v0  }
0x103: {  	v0 =	vld.idx.msk [tilespmem:v58+s11+$0x0], $0xffff;
	_ =	sdelay $0x3  }
0x104: {  	v60 =	vld [tilespmem:$0x470]  }
0x105: {  	[tilespmem:$0x19B50] =	vst v0  }
0x106: {  	v0 =	vld.idx.msk [tilespmem:v59+s11+$0x0], $0xffff;
	_ =	sdelay $0x3  }
0x107: {  	v61 =	vld [tilespmem:$0x480]  }
0x108: {  	[tilespmem:$0x19B60] =	vst v0  }
0x109: {  	v0 =	vld.idx.msk [tilespmem:v60+s11+$0x0], $0xffff;
	_ =	sdelay $0x3  }
0x10a: {  	v62 =	vld [tilespmem:$0x490]  }
0x10b: {  	[tilespmem:$0x19B70] =	vst v0  }
0x10c: {  	v0 =	vld.idx.msk [tilespmem:v61+s11+$0x0], $0xffff;
	_ =	sdelay $0x3  }
0x10d: {  	v63 =	vld [tilespmem:$0x4A0]  }
0x10e: {  	[tilespmem:$0x19B80] =	vst v0  }
0x10f: {  	v0 =	vld.idx.msk [tilespmem:v62+s11+$0x0], $0xffff;
	_ =	sdelay $0x3  }
0x110: {  	v4 =	vld [tilespmem:$0x4B0]  }
0x111: {  	[tilespmem:$0x19B90] =	vst v0  }
0x112: {  	v0 =	vld.idx.msk [tilespmem:v63+s11+$0x0], $0xffff;
	_ =	sdelay $0x3  }
0x113: {  	v5 =	vld [tilespmem:$0x4C0]  }
0x114: {  	[tilespmem:$0x19BA0] =	vst v0  }
0x115: {  	v0 =	vld.idx.msk [tilespmem:v4+s11+$0x0], $0xffff;
	_ =	sdelay $0x3  }
0x116: {  	v6 =	vld [tilespmem:$0x4D0]  }
0x117: {  	[tilespmem:$0x19BB0] =	vst v0  }
0x118: {  	v0 =	vld.idx.msk [tilespmem:v5+s11+$0x0], $0xffff;
	_ =	sdelay $0x3  }
0x119: {  	v7 =	vld [tilespmem:$0x4E0]  }
0x11a: {  	[tilespmem:$0x19BC0] =	vst v0  }
0x11b: {  	v0 =	vld.idx.msk [tilespmem:v6+s11+$0x0], $0xffff;
	_ =	sdelay $0x3  }
0x11c: {  	v8 =	vld [tilespmem:$0x4F0]  }
0x11d: {  	[tilespmem:$0x19BD0] =	vst v0  }
0x11e: {  	v0 =	vld.idx.msk [tilespmem:v7+s11+$0x0], $0xffff;
	_ =	sdelay $0x3  }
0x11f: {  	v9 =	vld [tilespmem:$0x500]  }
0x120: {  	[tilespmem:$0x19BE0] =	vst v0  }
0x121: {  	v0 =	vld.idx.msk [tilespmem:v8+s11+$0x0], $0xffff;
	_ =	sdelay $0x3  }
0x122: {  	v10 =	vld [tilespmem:$0x510]  }
0x123: {  	[tilespmem:$0x19BF0] =	vst v0  }
0x124: {  	v0 =	vld.idx.msk [tilespmem:v9+s11+$0x0], $0xffff;
	_ =	sdelay $0x3  }
0x125: {  	v11 =	vld [tilespmem:$0x520]  }
0x126: {  	[tilespmem:$0x19C00] =	vst v0  }
0x127: {  	v0 =	vld.idx.msk [tilespmem:v10+s11+$0x0], $0xffff;
	_ =	sdelay $0x3  }
0x128: {  	v12 =	vld [tilespmem:$0x530]  }
0x129: {  	[tilespmem:$0x19C10] =	vst v0  }
0x12a: {  	v0 =	vld.idx.msk [tilespmem:v11+s11+$0x0], $0xffff;
	_ =	sdelay $0x3  }
0x12b: {  	v13 =	vld [tilespmem:$0x540]  }
0x12c: {  	[tilespmem:$0x19C20] =	vst v0  }
0x12d: {  	v0 =	vld.idx.msk [tilespmem:v12+s11+$0x0], $0xffff;
	_ =	sdelay $0x3  }
0x12e: {  	v14 =	vld [tilespmem:$0x550]  }
0x12f: {  	[tilespmem:$0x19C30] =	vst v0  }
0x130: {  	v0 =	vld.idx.msk [tilespmem:v13+s11+$0x0], $0xffff;
	_ =	sdelay $0x3  }
0x131: {  	v15 =	vld [tilespmem:$0x560]  }
0x132: {  	[tilespmem:$0x19C40] =	vst v0  }
0x133: {  	v0 =	vld.idx.msk [tilespmem:v14+s11+$0x0], $0xffff;
	_ =	sdelay $0x3  }
0x134: {  	v16 =	vld [tilespmem:$0x570]  }
0x135: {  	[tilespmem:$0x19C50] =	vst v0  }
0x136: {  	v0 =	vld.idx.msk [tilespmem:v15+s11+$0x0], $0xffff;
	_ =	sdelay $0x3  }
0x137: {  	v17 =	vld [tilespmem:$0x580]  }
0x138: {  	[tilespmem:$0x19C60] =	vst v0  }
0x139: {  	v0 =	vld.idx.msk [tilespmem:v16+s11+$0x0], $0xffff;
	_ =	sdelay $0x3  }
0x13a: {  	v18 =	vld [tilespmem:$0x590]  }
0x13b: {  	[tilespmem:$0x19C70] =	vst v0  }
0x13c: {  	v0 =	vld.idx.msk [tilespmem:v17+s11+$0x0], $0xffff;
	_ =	sdelay $0x3  }
0x13d: {  	v19 =	vld [tilespmem:$0x5A0]  }
0x13e: {  	[tilespmem:$0x19C80] =	vst v0  }
0x13f: {  	v0 =	vld.idx.msk [tilespmem:v18+s11+$0x0], $0xffff;
	_ =	sdelay $0x4  }
0x140: {  	[tilespmem:$0x19C90] =	vst v0  }
0x141: {  	v0 =	vld.idx.msk [tilespmem:v19+s11+$0x0], $0xffff  }
0x142: {  	v20 =	vld [tilespmem:$0x5B0];
	_ =	sdelay $0x5  }
0x143: {  	v2 =	vld [tilespmem:$0x5C0]  }
0x144: {  	[tilespmem:$0x19CA0] =	vst v0  }
0x145: {  	v0 =	vld.idx.msk [tilespmem:v20+s11+$0x0], $0xffff;
	_ =	sdelay $0x3  }
0x146: {  	v21 =	vld [tilespmem:$0x5D0]  }
0x147: {  	[tilespmem:$0x19CB0] =	vst v0  }
0x148: {  	v0 =	vld.idx.msk [tilespmem:v2+s11+$0x0], $0xffff;
	_ =	sdelay $0x3  }
0x149: {  	v22 =	vld [tilespmem:$0x5E0]  }
0x14a: {  	[tilespmem:$0x19CC0] =	vst v0  }
0x14b: {  	v0 =	vld.idx.msk [tilespmem:v21+s11+$0x0], $0xffff;
	_ =	sdelay $0x3  }
0x14c: {  	v23 =	vld [tilespmem:$0x5F0]  }
0x14d: {  	[tilespmem:$0x19CD0] =	vst v0  }
0x14e: {  	v0 =	vld.idx.msk [tilespmem:v22+s11+$0x0], $0xffff;
	_ =	sdelay $0x3  }
0x14f: {  	v24 =	vld [tilespmem:$0x600]  }
0x150: {  	[tilespmem:$0x19CE0] =	vst v0  }
0x151: {  	v0 =	vld.idx.msk [tilespmem:v23+s11+$0x0], $0xffff;
	_ =	sdelay $0x3  }
0x152: {  	v25 =	vld [tilespmem:$0x610]  }
0x153: {  	[tilespmem:$0x19CF0] =	vst v0  }
0x154: {  	v0 =	vld.idx.msk [tilespmem:v24+s11+$0x0], $0xffff;
	_ =	sdelay $0x3  }
0x155: {  	v26 =	vld [tilespmem:$0x620]  }
0x156: {  	[tilespmem:$0x19D00] =	vst v0  }
0x157: {  	v0 =	vld.idx.msk [tilespmem:v25+s11+$0x0], $0xffff;
	_ =	sdelay $0x3  }
0x158: {  	v27 =	vld [tilespmem:$0x630]  }
0x159: {  	[tilespmem:$0x19D10] =	vst v0  }
0x15a: {  	v0 =	vld.idx.msk [tilespmem:v26+s11+$0x0], $0xffff;
	_ =	sdelay $0x3  }
0x15b: {  	v28 =	vld [tilespmem:$0x640]  }
0x15c: {  	[tilespmem:$0x19D20] =	vst v0  }
0x15d: {  	v0 =	vld.idx.msk [tilespmem:v27+s11+$0x0], $0xffff;
	_ =	sdelay $0x3  }
0x15e: {  	v29 =	vld [tilespmem:$0x650]  }
0x15f: {  	[tilespmem:$0x19D30] =	vst v0  }
0x160: {  	v0 =	vld.idx.msk [tilespmem:v28+s11+$0x0], $0xffff;
	_ =	sdelay $0x3  }
0x161: {  	v30 =	vld [tilespmem:$0x660]  }
0x162: {  	[tilespmem:$0x19D40] =	vst v0  }
0x163: {  	v0 =	vld.idx.msk [tilespmem:v29+s11+$0x0], $0xffff;
	_ =	sdelay $0x3  }
0x164: {  	v31 =	vld [tilespmem:$0x670]  }
0x165: {  	[tilespmem:$0x19D50] =	vst v0  }
0x166: {  	v0 =	vld.idx.msk [tilespmem:v30+s11+$0x0], $0xffff;
	_ =	sdelay $0x3  }
0x167: {  	v32 =	vld [tilespmem:$0x680]  }
0x168: {  	[tilespmem:$0x19D60] =	vst v0  }
0x169: {  	v0 =	vld.idx.msk [tilespmem:v31+s11+$0x0], $0xffff;
	_ =	sdelay $0x3  }
0x16a: {  	v33 =	vld [tilespmem:$0x690]  }
0x16b: {  	[tilespmem:$0x19D70] =	vst v0  }
0x16c: {  	v0 =	vld.idx.msk [tilespmem:v32+s11+$0x0], $0xffff;
	_ =	sdelay $0x3  }
0x16d: {  	v34 =	vld [tilespmem:$0x6A0]  }
0x16e: {  	[tilespmem:$0x19D80] =	vst v0  }
0x16f: {  	v0 =	vld.idx.msk [tilespmem:v33+s11+$0x0], $0xffff;
	_ =	sdelay $0x3  }
0x170: {  	v35 =	vld [tilespmem:$0x6B0]  }
0x171: {  	[tilespmem:$0x19D90] =	vst v0  }
0x172: {  	v0 =	vld.idx.msk [tilespmem:v34+s11+$0x0], $0xffff;
	_ =	sdelay $0x3  }
0x173: {  	v36 =	vld [tilespmem:$0x6C0]  }
0x174: {  	[tilespmem:$0x19DA0] =	vst v0  }
0x175: {  	v0 =	vld.idx.msk [tilespmem:v35+s11+$0x0], $0xffff;
	_ =	sdelay $0x3  }
0x176: {  	v37 =	vld [tilespmem:$0x6D0]  }
0x177: {  	[tilespmem:$0x19DB0] =	vst v0  }
0x178: {  	v0 =	vld.idx.msk [tilespmem:v36+s11+$0x0], $0xffff;
	_ =	sdelay $0x3  }
0x179: {  	v38 =	vld [tilespmem:$0x6E0]  }
0x17a: {  	[tilespmem:$0x19DC0] =	vst v0  }
0x17b: {  	v0 =	vld.idx.msk [tilespmem:v37+s11+$0x0], $0xffff;
	_ =	sdelay $0x3  }
0x17c: {  	v39 =	vld [tilespmem:$0x6F0]  }
0x17d: {  	[tilespmem:$0x19DD0] =	vst v0  }
0x17e: {  	v0 =	vld.idx.msk [tilespmem:v38+s11+$0x0], $0xffff;
	_ =	sdelay $0x3  }
0x17f: {  	v40 =	vld [tilespmem:$0x700]  }
0x180: {  	[tilespmem:$0x19DE0] =	vst v0  }
0x181: {  	v0 =	vld.idx.msk [tilespmem:v39+s11+$0x0], $0xffff;
	_ =	sdelay $0x3  }
0x182: {  	v41 =	vld [tilespmem:$0x710]  }
0x183: {  	[tilespmem:$0x19DF0] =	vst v0  }
0x184: {  	v0 =	vld.idx.msk [tilespmem:v40+s11+$0x0], $0xffff;
	_ =	sdelay $0x3  }
0x185: {  	v42 =	vld [tilespmem:$0x720]  }
0x186: {  	[tilespmem:$0x19E00] =	vst v0  }
0x187: {  	v0 =	vld.idx.msk [tilespmem:v41+s11+$0x0], $0xffff;
	_ =	sdelay $0x3  }
0x188: {  	v43 =	vld [tilespmem:$0x730]  }
0x189: {  	[tilespmem:$0x19E10] =	vst v0  }
0x18a: {  	v0 =	vld.idx.msk [tilespmem:v42+s11+$0x0], $0xffff;
	_ =	sdelay $0x3  }
0x18b: {  	v44 =	vld [tilespmem:$0x740]  }
0x18c: {  	[tilespmem:$0x19E20] =	vst v0  }
0x18d: {  	v0 =	vld.idx.msk [tilespmem:v43+s11+$0x0], $0xffff;
	_ =	sdelay $0x3  }
0x18e: {  	v45 =	vld [tilespmem:$0x750]  }
0x18f: {  	[tilespmem:$0x19E30] =	vst v0  }
0x190: {  	v0 =	vld.idx.msk [tilespmem:v44+s11+$0x0], $0xffff;
	_ =	sdelay $0x3  }
0x191: {  	v46 =	vld [tilespmem:$0x760]  }
0x192: {  	[tilespmem:$0x19E40] =	vst v0  }
0x193: {  	v0 =	vld.idx.msk [tilespmem:v45+s11+$0x0], $0xffff;
	_ =	sdelay $0x3  }
0x194: {  	v47 =	vld [tilespmem:$0x770]  }
0x195: {  	[tilespmem:$0x19E50] =	vst v0  }
0x196: {  	v0 =	vld.idx.msk [tilespmem:v46+s11+$0x0], $0xffff;
	_ =	sdelay $0x3  }
0x197: {  	v48 =	vld [tilespmem:$0x780]  }
0x198: {  	[tilespmem:$0x19E60] =	vst v0  }
0x199: {  	v0 =	vld.idx.msk [tilespmem:v47+s11+$0x0], $0xffff;
	_ =	sdelay $0x3  }
0x19a: {  	v49 =	vld [tilespmem:$0x790]  }
0x19b: {  	[tilespmem:$0x19E70] =	vst v0  }
0x19c: {  	v0 =	vld.idx.msk [tilespmem:v48+s11+$0x0], $0xffff;
	_ =	sdelay $0x3  }
0x19d: {  	v50 =	vld [tilespmem:$0x7A0]  }
0x19e: {  	[tilespmem:$0x19E80] =	vst v0  }
0x19f: {  	v0 =	vld.idx.msk [tilespmem:v49+s11+$0x0], $0xffff;
	_ =	sdelay $0x3  }
0x1a0: {  	v51 =	vld [tilespmem:$0x7B0]  }
0x1a1: {  	[tilespmem:$0x19E90] =	vst v0  }
0x1a2: {  	v0 =	vld.idx.msk [tilespmem:v50+s11+$0x0], $0xffff;
	_ =	sdelay $0x3  }
0x1a3: {  	v52 =	vld [tilespmem:$0x7C0]  }
0x1a4: {  	[tilespmem:$0x19EA0] =	vst v0  }
0x1a5: {  	v0 =	vld.idx.msk [tilespmem:v51+s11+$0x0], $0xffff;
	_ =	sdelay $0x3  }
0x1a6: {  	v53 =	vld [tilespmem:$0x7D0]  }
0x1a7: {  	[tilespmem:$0x19EB0] =	vst v0  }
0x1a8: {  	v0 =	vld.idx.msk [tilespmem:v52+s11+$0x0], $0xffff;
	_ =	sdelay $0x3  }
0x1a9: {  	v54 =	vld [tilespmem:$0x7E0]  }
0x1aa: {  	[tilespmem:$0x19EC0] =	vst v0  }
0x1ab: {  	v0 =	vld.idx.msk [tilespmem:v53+s11+$0x0], $0xffff;
	_ =	sdelay $0x3  }
0x1ac: {  	v55 =	vld [tilespmem:$0x7F0]  }
0x1ad: {  	[tilespmem:$0x19ED0] =	vst v0  }
0x1ae: {  	v0 =	vld.idx.msk [tilespmem:v54+s11+$0x0], $0xffff;
	_ =	sdelay $0x3  }
0x1af: {  	v56 =	vld [tilespmem:$0x800]  }
0x1b0: {  	[tilespmem:$0x19EE0] =	vst v0  }
0x1b1: {  	v0 =	vld.idx.msk [tilespmem:v55+s11+$0x0], $0xffff;
	_ =	sdelay $0x3  }
0x1b2: {  	v57 =	vld [tilespmem:$0x810]  }
0x1b3: {  	[tilespmem:$0x19EF0] =	vst v0  }
0x1b4: {  	v0 =	vld.idx.msk [tilespmem:v56+s11+$0x0], $0xffff;
	_ =	sdelay $0x3  }
0x1b5: {  	v58 =	vld [tilespmem:$0x820]  }
0x1b6: {  	[tilespmem:$0x19F00] =	vst v0  }
0x1b7: {  	v0 =	vld.idx.msk [tilespmem:v57+s11+$0x0], $0xffff;
	_ =	sdelay $0x3  }
0x1b8: {  	v59 =	vld [tilespmem:$0x830]  }
0x1b9: {  	[tilespmem:$0x19F10] =	vst v0  }
0x1ba: {  	v0 =	vld.idx.msk [tilespmem:v58+s11+$0x0], $0xffff;
	_ =	sdelay $0x3  }
0x1bb: {  	v60 =	vld [tilespmem:$0x840]  }
0x1bc: {  	[tilespmem:$0x19F20] =	vst v0  }
0x1bd: {  	v0 =	vld.idx.msk [tilespmem:v59+s11+$0x0], $0xffff;
	_ =	sdelay $0x3  }
0x1be: {  	v61 =	vld [tilespmem:$0x850]  }
0x1bf: {  	[tilespmem:$0x19F30] =	vst v0  }
0x1c0: {  	v0 =	vld.idx.msk [tilespmem:v60+s11+$0x0], $0xffff;
	_ =	sdelay $0x3  }
0x1c1: {  	v62 =	vld [tilespmem:$0x860]  }
0x1c2: {  	[tilespmem:$0x19F40] =	vst v0  }
0x1c3: {  	v0 =	vld.idx.msk [tilespmem:v61+s11+$0x0], $0xffff;
	_ =	sdelay $0x3  }
0x1c4: {  	v63 =	vld [tilespmem:$0x870]  }
0x1c5: {  	[tilespmem:$0x19F50] =	vst v0  }
0x1c6: {  	v0 =	vld.idx.msk [tilespmem:v62+s11+$0x0], $0xffff;
	_ =	sdelay $0x3  }
0x1c7: {  	v4 =	vld [tilespmem:$0x880]  }
0x1c8: {  	[tilespmem:$0x19F60] =	vst v0  }
0x1c9: {  	v0 =	vld.idx.msk [tilespmem:v63+s11+$0x0], $0xffff;
	_ =	sdelay $0x3  }
0x1ca: {  	v5 =	vld [tilespmem:$0x890]  }
0x1cb: {  	[tilespmem:$0x19F70] =	vst v0  }
0x1cc: {  	v0 =	vld.idx.msk [tilespmem:v4+s11+$0x0], $0xffff;
	_ =	sdelay $0x3  }
0x1cd: {  	v6 =	vld [tilespmem:$0x8A0]  }
0x1ce: {  	[tilespmem:$0x19F80] =	vst v0  }
0x1cf: {  	v0 =	vld.idx.msk [tilespmem:v5+s11+$0x0], $0xffff;
	_ =	sdelay $0x3  }
0x1d0: {  	v7 =	vld [tilespmem:$0x8B0]  }
0x1d1: {  	[tilespmem:$0x19F90] =	vst v0  }
0x1d2: {  	v0 =	vld.idx.msk [tilespmem:v6+s11+$0x0], $0xffff;
	_ =	sdelay $0x3  }
0x1d3: {  	v8 =	vld [tilespmem:$0x8C0]  }
0x1d4: {  	[tilespmem:$0x19FA0] =	vst v0  }
0x1d5: {  	v0 =	vld.idx.msk [tilespmem:v7+s11+$0x0], $0xffff;
	_ =	sdelay $0x3  }
0x1d6: {  	v9 =	vld [tilespmem:$0x8D0]  }
0x1d7: {  	[tilespmem:$0x19FB0] =	vst v0  }
0x1d8: {  	v0 =	vld.idx.msk [tilespmem:v8+s11+$0x0], $0xffff;
	_ =	sdelay $0x3  }
0x1d9: {  	v10 =	vld [tilespmem:$0x8E0]  }
0x1da: {  	[tilespmem:$0x19FC0] =	vst v0  }
0x1db: {  	v0 =	vld.idx.msk [tilespmem:v9+s11+$0x0], $0xffff;
	_ =	sdelay $0x3  }
0x1dc: {  	v11 =	vld [tilespmem:$0x8F0]  }
0x1dd: {  	[tilespmem:$0x19FD0] =	vst v0  }
0x1de: {  	v0 =	vld.idx.msk [tilespmem:v10+s11+$0x0], $0xffff;
	_ =	sdelay $0x3  }
0x1df: {  	v12 =	vld [tilespmem:$0x900]  }
0x1e0: {  	[tilespmem:$0x19FE0] =	vst v0  }
0x1e1: {  	v0 =	vld.idx.msk [tilespmem:v11+s11+$0x0], $0xffff;
	_ =	sdelay $0x3  }
0x1e2: {  	v13 =	vld [tilespmem:$0x910]  }
0x1e3: {  	[tilespmem:$0x19FF0] =	vst v0  }
0x1e4: {  	v0 =	vld.idx.msk [tilespmem:v12+s11+$0x0], $0xffff;
	_ =	sdelay $0x3  }
0x1e5: {  	v14 =	vld [tilespmem:$0x920]  }
0x1e6: {  	[tilespmem:$0x1A000] =	vst v0  }
0x1e7: {  	v0 =	vld.idx.msk [tilespmem:v13+s11+$0x0], $0xffff;
	_ =	sdelay $0x3  }
0x1e8: {  	v15 =	vld [tilespmem:$0x930]  }
0x1e9: {  	[tilespmem:$0x1A010] =	vst v0  }
0x1ea: {  	v0 =	vld.idx.msk [tilespmem:v14+s11+$0x0], $0xffff;
	_ =	sdelay $0x3  }
0x1eb: {  	v16 =	vld [tilespmem:$0x940]  }
0x1ec: {  	[tilespmem:$0x1A020] =	vst v0  }
0x1ed: {  	v0 =	vld.idx.msk [tilespmem:v15+s11+$0x0], $0xffff;
	_ =	sdelay $0x3  }
0x1ee: {  	v17 =	vld [tilespmem:$0x950]  }
0x1ef: {  	[tilespmem:$0x1A030] =	vst v0  }
0x1f0: {  	v0 =	vld.idx.msk [tilespmem:v16+s11+$0x0], $0xffff;
	_ =	sdelay $0x3  }
0x1f1: {  	v18 =	vld [tilespmem:$0x960]  }
0x1f2: {  	[tilespmem:$0x1A040] =	vst v0  }
0x1f3: {  	v0 =	vld.idx.msk [tilespmem:v17+s11+$0x0], $0xffff;
	_ =	sdelay $0x3  }
0x1f4: {  	v19 =	vld [tilespmem:$0x970]  }
0x1f5: {  	[tilespmem:$0x1A050] =	vst v0  }
0x1f6: {  	v0 =	vld.idx.msk [tilespmem:v18+s11+$0x0], $0xffff;
	_ =	sdelay $0x3  }
0x1f7: {  	v20 =	vld [tilespmem:$0x980]  }
0x1f8: {  	[tilespmem:$0x1A060] =	vst v0  }
0x1f9: {  	v0 =	vld.idx.msk [tilespmem:v19+s11+$0x0], $0xffff;
	_ =	sdelay $0x3  }
0x1fa: {  	v21 =	vld [tilespmem:$0x990]  }
0x1fb: {  	[tilespmem:$0x1A070] =	vst v0  }
0x1fc: {  	v0 =	vld.idx.msk [tilespmem:v20+s11+$0x0], $0xffff;
	_ =	sdelay $0x3  }
0x1fd: {  	v22 =	vld [tilespmem:$0x9A0]  }
0x1fe: {  	[tilespmem:$0x1A080] =	vst v0  }
0x1ff: {  	v0 =	vld.idx.msk [tilespmem:v21+s11+$0x0], $0xffff;
	_ =	sdelay $0x3  }
0x200: {  	v23 =	vld [tilespmem:$0x9B0]  }
0x201: {  	[tilespmem:$0x1A090] =	vst v0  }
0x202: {  	v0 =	vld.idx.msk [tilespmem:v22+s11+$0x0], $0xffff;
	_ =	sdelay $0x3  }
0x203: {  	v24 =	vld [tilespmem:$0x9C0]  }
0x204: {  	[tilespmem:$0x1A0A0] =	vst v0  }
0x205: {  	v0 =	vld.idx.msk [tilespmem:v23+s11+$0x0], $0xffff;
	_ =	sdelay $0x3  }
0x206: {  	v25 =	vld [tilespmem:$0x9D0]  }
0x207: {  	[tilespmem:$0x1A0B0] =	vst v0  }
0x208: {  	v0 =	vld.idx.msk [tilespmem:v24+s11+$0x0], $0xffff;
	_ =	sdelay $0x3  }
0x209: {  	v26 =	vld [tilespmem:$0x9E0]  }
0x20a: {  	[tilespmem:$0x1A0C0] =	vst v0  }
0x20b: {  	v0 =	vld.idx.msk [tilespmem:v25+s11+$0x0], $0xffff;
	_ =	sdelay $0x3  }
0x20c: {  	v27 =	vld [tilespmem:$0x9F0]  }
0x20d: {  	[tilespmem:$0x1A0D0] =	vst v0  }
0x20e: {  	v0 =	vld.idx.msk [tilespmem:v26+s11+$0x0], $0xffff;
	_ =	sdelay $0x3  }
0x20f: {  	v28 =	vld [tilespmem:$0xA00]  }
0x210: {  	[tilespmem:$0x1A0E0] =	vst v0  }
0x211: {  	v0 =	vld.idx.msk [tilespmem:v27+s11+$0x0], $0xffff;
	_ =	sdelay $0x3  }
0x212: {  	v29 =	vld [tilespmem:$0xA10]  }
0x213: {  	[tilespmem:$0x1A0F0] =	vst v0  }
0x214: {  	v0 =	vld.idx.msk [tilespmem:v28+s11+$0x0], $0xffff;
	_ =	sdelay $0x3  }
0x215: {  	v30 =	vld [tilespmem:$0xA20]  }
0x216: {  	[tilespmem:$0x1A100] =	vst v0  }
0x217: {  	v0 =	vld.idx.msk [tilespmem:v29+s11+$0x0], $0xffff;
	_ =	sdelay $0x3  }
0x218: {  	v31 =	vld [tilespmem:$0xA30]  }
0x219: {  	[tilespmem:$0x1A110] =	vst v0  }
0x21a: {  	v0 =	vld.idx.msk [tilespmem:v30+s11+$0x0], $0xffff;
	_ =	sdelay $0x3  }
0x21b: {  	v32 =	vld [tilespmem:$0xA40]  }
0x21c: {  	[tilespmem:$0x1A120] =	vst v0  }
0x21d: {  	v0 =	vld.idx.msk [tilespmem:v31+s11+$0x0], $0xffff;
	_ =	sdelay $0x3  }
0x21e: {  	v33 =	vld [tilespmem:$0xA50]  }
0x21f: {  	[tilespmem:$0x1A130] =	vst v0  }
0x220: {  	v0 =	vld.idx.msk [tilespmem:v32+s11+$0x0], $0xffff;
	_ =	sdelay $0x3  }
0x221: {  	v34 =	vld [tilespmem:$0xA60]  }
0x222: {  	[tilespmem:$0x1A140] =	vst v0  }
0x223: {  	v0 =	vld.idx.msk [tilespmem:v33+s11+$0x0], $0xffff;
	_ =	sdelay $0x3  }
0x224: {  	v35 =	vld [tilespmem:$0xA70]  }
0x225: {  	[tilespmem:$0x1A150] =	vst v0  }
0x226: {  	v0 =	vld.idx.msk [tilespmem:v34+s11+$0x0], $0xffff;
	_ =	sdelay $0x3  }
0x227: {  	v36 =	vld [tilespmem:$0xA80]  }
0x228: {  	[tilespmem:$0x1A160] =	vst v0  }
0x229: {  	v0 =	vld.idx.msk [tilespmem:v35+s11+$0x0], $0xffff;
	_ =	sdelay $0x3  }
0x22a: {  	v37 =	vld [tilespmem:$0xA90]  }
0x22b: {  	[tilespmem:$0x1A170] =	vst v0  }
0x22c: {  	v0 =	vld.idx.msk [tilespmem:v36+s11+$0x0], $0xffff;
	_ =	sdelay $0x3  }
0x22d: {  	v38 =	vld [tilespmem:$0xAA0]  }
0x22e: {  	[tilespmem:$0x1A180] =	vst v0  }
0x22f: {  	v0 =	vld.idx.msk [tilespmem:v37+s11+$0x0], $0xffff;
	_ =	sdelay $0x3  }
0x230: {  	v39 =	vld [tilespmem:$0xAB0]  }
0x231: {  	[tilespmem:$0x1A190] =	vst v0  }
0x232: {  	v0 =	vld.idx.msk [tilespmem:v38+s11+$0x0], $0xffff;
	_ =	sdelay $0x3  }
0x233: {  	v40 =	vld [tilespmem:$0xAC0]  }
0x234: {  	[tilespmem:$0x1A1A0] =	vst v0  }
0x235: {  	v0 =	vld.idx.msk [tilespmem:v39+s11+$0x0], $0xffff;
	_ =	sdelay $0x3  }
0x236: {  	v41 =	vld [tilespmem:$0xAD0]  }
0x237: {  	[tilespmem:$0x1A1B0] =	vst v0  }
0x238: {  	v0 =	vld.idx.msk [tilespmem:v40+s11+$0x0], $0xffff;
	_ =	sdelay $0x3  }
0x239: {  	v42 =	vld [tilespmem:$0xAE0]  }
0x23a: {  	[tilespmem:$0x1A1C0] =	vst v0  }
0x23b: {  	v0 =	vld.idx.msk [tilespmem:v41+s11+$0x0], $0xffff;
	_ =	sdelay $0x3  }
0x23c: {  	v43 =	vld [tilespmem:$0xAF0]  }
0x23d: {  	[tilespmem:$0x1A1D0] =	vst v0  }
0x23e: {  	v0 =	vld.idx.msk [tilespmem:v42+s11+$0x0], $0xffff;
	_ =	sdelay $0x3  }
0x23f: {  	v44 =	vld [tilespmem:$0xB00]  }
0x240: {  	[tilespmem:$0x1A1E0] =	vst v0  }
0x241: {  	v0 =	vld.idx.msk [tilespmem:v43+s11+$0x0], $0xffff;
	_ =	sdelay $0x3  }
0x242: {  	v45 =	vld [tilespmem:$0xB10]  }
0x243: {  	[tilespmem:$0x1A1F0] =	vst v0  }
0x244: {  	v0 =	vld.idx.msk [tilespmem:v44+s11+$0x0], $0xffff;
	_ =	sdelay $0x3  }
0x245: {  	v46 =	vld [tilespmem:$0xB20]  }
0x246: {  	[tilespmem:$0x1A200] =	vst v0  }
0x247: {  	v0 =	vld.idx.msk [tilespmem:v45+s11+$0x0], $0xffff;
	_ =	sdelay $0x3  }
0x248: {  	v47 =	vld [tilespmem:$0xB30]  }
0x249: {  	[tilespmem:$0x1A210] =	vst v0  }
0x24a: {  	v0 =	vld.idx.msk [tilespmem:v46+s11+$0x0], $0xffff;
	_ =	sdelay $0x3  }
0x24b: {  	v48 =	vld [tilespmem:$0xB40]  }
0x24c: {  	[tilespmem:$0x1A220] =	vst v0  }
0x24d: {  	v0 =	vld.idx.msk [tilespmem:v47+s11+$0x0], $0xffff;
	_ =	sdelay $0x3  }
0x24e: {  	v49 =	vld [tilespmem:$0xB50]  }
0x24f: {  	[tilespmem:$0x1A230] =	vst v0  }
0x250: {  	v0 =	vld.idx.msk [tilespmem:v48+s11+$0x0], $0xffff;
	_ =	sdelay $0x3  }
0x251: {  	v50 =	vld [tilespmem:$0xB60]  }
0x252: {  	[tilespmem:$0x1A240] =	vst v0  }
0x253: {  	v0 =	vld.idx.msk [tilespmem:v49+s11+$0x0], $0xffff;
	_ =	sdelay $0x3  }
0x254: {  	v51 =	vld [tilespmem:$0xB70]  }
0x255: {  	[tilespmem:$0x1A250] =	vst v0  }
0x256: {  	v0 =	vld.idx.msk [tilespmem:v50+s11+$0x0], $0xffff;
	_ =	sdelay $0x3  }
0x257: {  	v52 =	vld [tilespmem:$0xB80]  }
0x258: {  	[tilespmem:$0x1A260] =	vst v0  }
0x259: {  	v0 =	vld.idx.msk [tilespmem:v51+s11+$0x0], $0xffff;
	_ =	sdelay $0x3  }
0x25a: {  	v53 =	vld [tilespmem:$0xB90]  }
0x25b: {  	[tilespmem:$0x1A270] =	vst v0  }
0x25c: {  	v0 =	vld.idx.msk [tilespmem:v52+s11+$0x0], $0xffff;
	_ =	sdelay $0x3  }
0x25d: {  	v54 =	vld [tilespmem:$0xBA0]  }
0x25e: {  	[tilespmem:$0x1A280] =	vst v0  }
0x25f: {  	v0 =	vld.idx.msk [tilespmem:v53+s11+$0x0], $0xffff;
	_ =	sdelay $0x3  }
0x260: {  	v55 =	vld [tilespmem:$0xBB0]  }
0x261: {  	[tilespmem:$0x1A290] =	vst v0  }
0x262: {  	v0 =	vld.idx.msk [tilespmem:v54+s11+$0x0], $0xffff;
	_ =	sdelay $0x3  }
0x263: {  	v56 =	vld [tilespmem:$0xBC0]  }
0x264: {  	[tilespmem:$0x1A2A0] =	vst v0  }
0x265: {  	v0 =	vld.idx.msk [tilespmem:v55+s11+$0x0], $0xffff;
	_ =	sdelay $0x3  }
0x266: {  	v57 =	vld [tilespmem:$0xBD0]  }
0x267: {  	[tilespmem:$0x1A2B0] =	vst v0  }
0x268: {  	v0 =	vld.idx.msk [tilespmem:v56+s11+$0x0], $0xffff;
	_ =	sdelay $0x3  }
0x269: {  	v58 =	vld [tilespmem:$0xBE0]  }
0x26a: {  	[tilespmem:$0x1A2C0] =	vst v0  }
0x26b: {  	v0 =	vld.idx.msk [tilespmem:v57+s11+$0x0], $0xffff;
	_ =	sdelay $0x3  }
0x26c: {  	v59 =	vld [tilespmem:$0xBF0]  }
0x26d: {  	[tilespmem:$0x1A2D0] =	vst v0  }
0x26e: {  	v0 =	vld.idx.msk [tilespmem:v58+s11+$0x0], $0xffff;
	_ =	sdelay $0x3  }
0x26f: {  	v60 =	vld [tilespmem:$0xC00]  }
0x270: {  	[tilespmem:$0x1A2E0] =	vst v0  }
0x271: {  	v0 =	vld.idx.msk [tilespmem:v59+s11+$0x0], $0xffff;
	_ =	sdelay $0x3  }
0x272: {  	v61 =	vld [tilespmem:$0xC10]  }
0x273: {  	[tilespmem:$0x1A2F0] =	vst v0  }
0x274: {  	v0 =	vld.idx.msk [tilespmem:v60+s11+$0x0], $0xffff;
	_ =	sdelay $0x3  }
0x275: {  	v62 =	vld [tilespmem:$0xC20]  }
0x276: {  	[tilespmem:$0x1A300] =	vst v0  }
0x277: {  	v0 =	vld.idx.msk [tilespmem:v61+s11+$0x0], $0xffff;
	_ =	sdelay $0x3  }
0x278: {  	v63 =	vld [tilespmem:$0xC30]  }
0x279: {  	[tilespmem:$0x1A310] =	vst v0  }
0x27a: {  	v0 =	vld.idx.msk [tilespmem:v62+s11+$0x0], $0xffff;
	_ =	sdelay $0x3  }
0x27b: {  	v4 =	vld [tilespmem:$0xC40]  }
0x27c: {  	[tilespmem:$0x1A320] =	vst v0  }
0x27d: {  	v0 =	vld.idx.msk [tilespmem:v63+s11+$0x0], $0xffff;
	_ =	sdelay $0x3  }
0x27e: {  	v5 =	vld [tilespmem:$0xC50]  }
0x27f: {  	[tilespmem:$0x1A330] =	vst v0  }
0x280: {  	v0 =	vld.idx.msk [tilespmem:v4+s11+$0x0], $0xffff;
	_ =	sdelay $0x3  }
0x281: {  	v6 =	vld [tilespmem:$0xC60]  }
0x282: {  	[tilespmem:$0x1A340] =	vst v0  }
0x283: {  	v0 =	vld.idx.msk [tilespmem:v5+s11+$0x0], $0xffff;
	_ =	sdelay $0x3  }
0x284: {  	v7 =	vld [tilespmem:$0xC70]  }
0x285: {  	[tilespmem:$0x1A350] =	vst v0  }
0x286: {  	v0 =	vld.idx.msk [tilespmem:v6+s11+$0x0], $0xffff;
	_ =	sdelay $0x3  }
0x287: {  	v8 =	vld [tilespmem:$0xC80]  }
0x288: {  	[tilespmem:$0x1A360] =	vst v0  }
0x289: {  	v0 =	vld.idx.msk [tilespmem:v7+s11+$0x0], $0xffff;
	_ =	sdelay $0x3  }
0x28a: {  	v9 =	vld [tilespmem:$0xC90]  }
0x28b: {  	[tilespmem:$0x1A370] =	vst v0  }
0x28c: {  	v0 =	vld.idx.msk [tilespmem:v8+s11+$0x0], $0xffff;
	_ =	sdelay $0x3  }
0x28d: {  	v10 =	vld [tilespmem:$0xCA0]  }
0x28e: {  	[tilespmem:$0x1A380] =	vst v0  }
0x28f: {  	v0 =	vld.idx.msk [tilespmem:v9+s11+$0x0], $0xffff;
	_ =	sdelay $0x3  }
0x290: {  	v11 =	vld [tilespmem:$0xCB0]  }
0x291: {  	[tilespmem:$0x1A390] =	vst v0  }
0x292: {  	v0 =	vld.idx.msk [tilespmem:v10+s11+$0x0], $0xffff;
	_ =	sdelay $0x3  }
0x293: {  	v12 =	vld [tilespmem:$0xCC0]  }
0x294: {  	[tilespmem:$0x1A3A0] =	vst v0  }
0x295: {  	v0 =	vld.idx.msk [tilespmem:v11+s11+$0x0], $0xffff;
	_ =	sdelay $0x3  }
0x296: {  	v13 =	vld [tilespmem:$0xCD0]  }
0x297: {  	[tilespmem:$0x1A3B0] =	vst v0  }
0x298: {  	v0 =	vld.idx.msk [tilespmem:v12+s11+$0x0], $0xffff;
	_ =	sdelay $0x3  }
0x299: {  	v14 =	vld [tilespmem:$0xCE0]  }
0x29a: {  	[tilespmem:$0x1A3C0] =	vst v0  }
0x29b: {  	v0 =	vld.idx.msk [tilespmem:v13+s11+$0x0], $0xffff;
	_ =	sdelay $0x3  }
0x29c: {  	v15 =	vld [tilespmem:$0xCF0]  }
0x29d: {  	[tilespmem:$0x1A3D0] =	vst v0  }
0x29e: {  	v0 =	vld.idx.msk [tilespmem:v14+s11+$0x0], $0xffff;
	_ =	sdelay $0x3  }
0x29f: {  	v16 =	vld [tilespmem:$0xD00]  }
0x2a0: {  	[tilespmem:$0x1A3E0] =	vst v0  }
0x2a1: {  	v0 =	vld.idx.msk [tilespmem:v15+s11+$0x0], $0xffff;
	_ =	sdelay $0x3  }
0x2a2: {  	v17 =	vld [tilespmem:$0xD10]  }
0x2a3: {  	[tilespmem:$0x1A3F0] =	vst v0  }
0x2a4: {  	v0 =	vld.idx.msk [tilespmem:v16+s11+$0x0], $0xffff;
	_ =	sdelay $0x3  }
0x2a5: {  	v18 =	vld [tilespmem:$0xD20]  }
0x2a6: {  	[tilespmem:$0x1A400] =	vst v0  }
0x2a7: {  	v0 =	vld.idx.msk [tilespmem:v17+s11+$0x0], $0xffff;
	_ =	sdelay $0x3  }
0x2a8: {  	v19 =	vld [tilespmem:$0xD30]  }
0x2a9: {  	[tilespmem:$0x1A410] =	vst v0  }
0x2aa: {  	v0 =	vld.idx.msk [tilespmem:v18+s11+$0x0], $0xffff;
	_ =	sdelay $0x3  }
0x2ab: {  	v20 =	vld [tilespmem:$0xD40]  }
0x2ac: {  	[tilespmem:$0x1A420] =	vst v0  }
0x2ad: {  	v0 =	vld.idx.msk [tilespmem:v19+s11+$0x0], $0xffff;
	_ =	sdelay $0x3  }
0x2ae: {  	v21 =	vld [tilespmem:$0xD50]  }
0x2af: {  	[tilespmem:$0x1A430] =	vst v0  }
0x2b0: {  	v0 =	vld.idx.msk [tilespmem:v20+s11+$0x0], $0xffff;
	_ =	sdelay $0x3  }
0x2b1: {  	v22 =	vld [tilespmem:$0xD60]  }
0x2b2: {  	[tilespmem:$0x1A440] =	vst v0  }
0x2b3: {  	v0 =	vld.idx.msk [tilespmem:v21+s11+$0x0], $0xffff;
	_ =	sdelay $0x3  }
0x2b4: {  	v23 =	vld [tilespmem:$0xD70]  }
0x2b5: {  	[tilespmem:$0x1A450] =	vst v0  }
0x2b6: {  	v0 =	vld.idx.msk [tilespmem:v22+s11+$0x0], $0xffff;
	_ =	sdelay $0x3  }
0x2b7: {  	v24 =	vld [tilespmem:$0xD80]  }
0x2b8: {  	[tilespmem:$0x1A460] =	vst v0  }
0x2b9: {  	v0 =	vld.idx.msk [tilespmem:v23+s11+$0x0], $0xffff;
	_ =	sdelay $0x3  }
0x2ba: {  	v25 =	vld [tilespmem:$0xD90]  }
0x2bb: {  	[tilespmem:$0x1A470] =	vst v0  }
0x2bc: {  	v0 =	vld.idx.msk [tilespmem:v24+s11+$0x0], $0xffff;
	_ =	sdelay $0x3  }
0x2bd: {  	v26 =	vld [tilespmem:$0xDA0]  }
0x2be: {  	[tilespmem:$0x1A480] =	vst v0  }
0x2bf: {  	v0 =	vld.idx.msk [tilespmem:v25+s11+$0x0], $0xffff;
	_ =	sdelay $0x3  }
0x2c0: {  	v27 =	vld [tilespmem:$0xDB0]  }
0x2c1: {  	[tilespmem:$0x1A490] =	vst v0  }
0x2c2: {  	v0 =	vld.idx.msk [tilespmem:v26+s11+$0x0], $0xffff;
	_ =	sdelay $0x3  }
0x2c3: {  	v28 =	vld [tilespmem:$0xDC0]  }
0x2c4: {  	[tilespmem:$0x1A4A0] =	vst v0  }
0x2c5: {  	v0 =	vld.idx.msk [tilespmem:v27+s11+$0x0], $0xffff;
	_ =	sdelay $0x3  }
0x2c6: {  	v29 =	vld [tilespmem:$0xDD0]  }
0x2c7: {  	[tilespmem:$0x1A4B0] =	vst v0  }
0x2c8: {  	v0 =	vld.idx.msk [tilespmem:v28+s11+$0x0], $0xffff;
	_ =	sdelay $0x3  }
0x2c9: {  	v30 =	vld [tilespmem:$0xDE0]  }
0x2ca: {  	[tilespmem:$0x1A4C0] =	vst v0  }
0x2cb: {  	v0 =	vld.idx.msk [tilespmem:v29+s11+$0x0], $0xffff;
	_ =	sdelay $0x3  }
0x2cc: {  	v31 =	vld [tilespmem:$0xDF0]  }
0x2cd: {  	[tilespmem:$0x1A4D0] =	vst v0  }
0x2ce: {  	v0 =	vld.idx.msk [tilespmem:v30+s11+$0x0], $0xffff;
	_ =	sdelay $0x3  }
0x2cf: {  	v32 =	vld [tilespmem:$0xE00]  }
0x2d0: {  	[tilespmem:$0x1A4E0] =	vst v0  }
0x2d1: {  	v0 =	vld.idx.msk [tilespmem:v31+s11+$0x0], $0xffff;
	_ =	sdelay $0x3  }
0x2d2: {  	v33 =	vld [tilespmem:$0xE10]  }
0x2d3: {  	[tilespmem:$0x1A4F0] =	vst v0  }
0x2d4: {  	v0 =	vld.idx.msk [tilespmem:v32+s11+$0x0], $0xffff;
	_ =	sdelay $0x3  }
0x2d5: {  	v34 =	vld [tilespmem:$0xE20]  }
0x2d6: {  	[tilespmem:$0x1A500] =	vst v0  }
0x2d7: {  	v0 =	vld.idx.msk [tilespmem:v33+s11+$0x0], $0xffff;
	_ =	sdelay $0x3  }
0x2d8: {  	v35 =	vld [tilespmem:$0xE30]  }
0x2d9: {  	[tilespmem:$0x1A510] =	vst v0  }
0x2da: {  	v0 =	vld.idx.msk [tilespmem:v34+s11+$0x0], $0xffff;
	_ =	sdelay $0x3  }
0x2db: {  	v36 =	vld [tilespmem:$0xE40]  }
0x2dc: {  	[tilespmem:$0x1A520] =	vst v0  }
0x2dd: {  	v0 =	vld.idx.msk [tilespmem:v35+s11+$0x0], $0xffff;
	_ =	sdelay $0x3  }
0x2de: {  	v37 =	vld [tilespmem:$0xE50]  }
0x2df: {  	[tilespmem:$0x1A530] =	vst v0  }
0x2e0: {  	v0 =	vld.idx.msk [tilespmem:v36+s11+$0x0], $0xffff;
	_ =	sdelay $0x3  }
0x2e1: {  	v38 =	vld [tilespmem:$0xE60]  }
0x2e2: {  	[tilespmem:$0x1A540] =	vst v0  }
0x2e3: {  	v0 =	vld.idx.msk [tilespmem:v37+s11+$0x0], $0xffff;
	_ =	sdelay $0x3  }
0x2e4: {  	v39 =	vld [tilespmem:$0xE70]  }
0x2e5: {  	[tilespmem:$0x1A550] =	vst v0  }
0x2e6: {  	v0 =	vld.idx.msk [tilespmem:v38+s11+$0x0], $0xffff;
	_ =	sdelay $0x3  }
0x2e7: {  	v40 =	vld [tilespmem:$0xE80]  }
0x2e8: {  	[tilespmem:$0x1A560] =	vst v0  }
0x2e9: {  	v0 =	vld.idx.msk [tilespmem:v39+s11+$0x0], $0xffff;
	_ =	sdelay $0x3  }
0x2ea: {  	v41 =	vld [tilespmem:$0xE90]  }
0x2eb: {  	[tilespmem:$0x1A570] =	vst v0  }
0x2ec: {  	v0 =	vld.idx.msk [tilespmem:v40+s11+$0x0], $0xffff;
	_ =	sdelay $0x3  }
0x2ed: {  	v42 =	vld [tilespmem:$0xEA0]  }
0x2ee: {  	[tilespmem:$0x1A580] =	vst v0  }
0x2ef: {  	v0 =	vld.idx.msk [tilespmem:v41+s11+$0x0], $0xffff;
	_ =	sdelay $0x3  }
0x2f0: {  	v43 =	vld [tilespmem:$0xEB0]  }
0x2f1: {  	[tilespmem:$0x1A590] =	vst v0  }
0x2f2: {  	v0 =	vld.idx.msk [tilespmem:v42+s11+$0x0], $0xffff;
	_ =	sdelay $0x3  }
0x2f3: {  	v44 =	vld [tilespmem:$0xEC0]  }
0x2f4: {  	[tilespmem:$0x1A5A0] =	vst v0  }
0x2f5: {  	v0 =	vld.idx.msk [tilespmem:v43+s11+$0x0], $0xffff;
	_ =	sdelay $0x3  }
0x2f6: {  	v45 =	vld [tilespmem:$0xED0]  }
0x2f7: {  	[tilespmem:$0x1A5B0] =	vst v0  }
0x2f8: {  	v0 =	vld.idx.msk [tilespmem:v44+s11+$0x0], $0xffff;
	_ =	sdelay $0x3  }
0x2f9: {  	v46 =	vld [tilespmem:$0xEE0]  }
0x2fa: {  	[tilespmem:$0x1A5C0] =	vst v0  }
0x2fb: {  	v0 =	vld.idx.msk [tilespmem:v45+s11+$0x0], $0xffff;
	_ =	sdelay $0x3  }
0x2fc: {  	v47 =	vld [tilespmem:$0xEF0]  }
0x2fd: {  	[tilespmem:$0x1A5D0] =	vst v0  }
0x2fe: {  	v0 =	vld.idx.msk [tilespmem:v46+s11+$0x0], $0xffff;
	_ =	sdelay $0x3  }
0x2ff: {  	v48 =	vld [tilespmem:$0xF00]  }
0x300: {  	[tilespmem:$0x1A5E0] =	vst v0  }
0x301: {  	v0 =	vld.idx.msk [tilespmem:v47+s11+$0x0], $0xffff;
	_ =	sdelay $0x3  }
0x302: {  	v49 =	vld [tilespmem:$0xF10]  }
0x303: {  	[tilespmem:$0x1A5F0] =	vst v0  }
0x304: {  	v0 =	vld.idx.msk [tilespmem:v48+s11+$0x0], $0xffff;
	_ =	sdelay $0x3  }
0x305: {  	v50 =	vld [tilespmem:$0xF20]  }
0x306: {  	[tilespmem:$0x1A600] =	vst v0  }
0x307: {  	v0 =	vld.idx.msk [tilespmem:v49+s11+$0x0], $0xffff;
	_ =	sdelay $0x3  }
0x308: {  	v51 =	vld [tilespmem:$0xF30]  }
0x309: {  	[tilespmem:$0x1A610] =	vst v0  }
0x30a: {  	v0 =	vld.idx.msk [tilespmem:v50+s11+$0x0], $0xffff;
	_ =	sdelay $0x3  }
0x30b: {  	v52 =	vld [tilespmem:$0xF40]  }
0x30c: {  	[tilespmem:$0x1A620] =	vst v0  }
0x30d: {  	v0 =	vld.idx.msk [tilespmem:v51+s11+$0x0], $0xffff;
	_ =	sdelay $0x3  }
0x30e: {  	v53 =	vld [tilespmem:$0xF50]  }
0x30f: {  	[tilespmem:$0x1A630] =	vst v0  }
0x310: {  	v0 =	vld.idx.msk [tilespmem:v52+s11+$0x0], $0xffff;
	_ =	sdelay $0x3  }
0x311: {  	v54 =	vld [tilespmem:$0xF60]  }
0x312: {  	[tilespmem:$0x1A640] =	vst v0  }
0x313: {  	v0 =	vld.idx.msk [tilespmem:v53+s11+$0x0], $0xffff;
	_ =	sdelay $0x3  }
0x314: {  	v55 =	vld [tilespmem:$0xF70]  }
0x315: {  	[tilespmem:$0x1A650] =	vst v0  }
0x316: {  	v0 =	vld.idx.msk [tilespmem:v54+s11+$0x0], $0xffff;
	_ =	sdelay $0x3  }
0x317: {  	v56 =	vld [tilespmem:$0xF80]  }
0x318: {  	[tilespmem:$0x1A660] =	vst v0  }
0x319: {  	v0 =	vld.idx.msk [tilespmem:v55+s11+$0x0], $0xffff;
	_ =	sdelay $0x3  }
0x31a: {  	v57 =	vld [tilespmem:$0xF90]  }
0x31b: {  	[tilespmem:$0x1A670] =	vst v0  }
0x31c: {  	v0 =	vld.idx.msk [tilespmem:v56+s11+$0x0], $0xffff;
	_ =	sdelay $0x3  }
0x31d: {  	v58 =	vld [tilespmem:$0xFA0]  }
0x31e: {  	[tilespmem:$0x1A680] =	vst v0  }
0x31f: {  	v0 =	vld.idx.msk [tilespmem:v57+s11+$0x0], $0xffff;
	_ =	sdelay $0x3  }
0x320: {  	v59 =	vld [tilespmem:$0xFB0]  }
0x321: {  	[tilespmem:$0x1A690] =	vst v0  }
0x322: {  	v0 =	vld.idx.msk [tilespmem:v58+s11+$0x0], $0xffff;
	_ =	sdelay $0x3  }
0x323: {  	v60 =	vld [tilespmem:$0xFC0]  }
0x324: {  	[tilespmem:$0x1A6A0] =	vst v0  }
0x325: {  	v0 =	vld.idx.msk [tilespmem:v59+s11+$0x0], $0xffff;
	_ =	sdelay $0x3  }
0x326: {  	v61 =	vld [tilespmem:$0xFD0]  }
0x327: {  	[tilespmem:$0x1A6B0] =	vst v0  }
0x328: {  	v0 =	vld.idx.msk [tilespmem:v60+s11+$0x0], $0xffff;
	_ =	sdelay $0x3  }
0x329: {  	v62 =	vld [tilespmem:$0xFE0]  }
0x32a: {  	[tilespmem:$0x1A6C0] =	vst v0  }
0x32b: {  	v0 =	vld.idx.msk [tilespmem:v61+s11+$0x0], $0xffff;
	_ =	sdelay $0x3  }
0x32c: {  	v63 =	vld [tilespmem:$0xFF0]  }
0x32d: {  	[tilespmem:$0x1A6D0] =	vst v0  }
0x32e: {  	v0 =	vld.idx.msk [tilespmem:v62+s11+$0x0], $0xffff;
	_ =	sdelay $0x4  }
0x32f: {  	[tilespmem:$0x1A6E0] =	vst v0  }
0x330: {  	s29 =	sadd.s32 s19, s4;
	s19 =	sadd.s32 $0x10, s19;
	v0 =	vld.idx.msk [tilespmem:v63+s11+$0x0], $0xffff  }
0x331: {  	p0 =	sne.s32 s19, $0x1A0  }
.Ltmp0:
0x332: {  	_ = 	snop;
	(pc) =	sbr.rel @p0 .LBB2_2-.Ltmp0, $4  }
0x333: {  	s17 =	sadd.s32 $0x1, s17;
	s21 =	sand.u32 $0x70, s29;
	s28 =	rddreg [dreg:$0x9]  }
0x334: {  	s31 =	sand.u32 $0xFFFF000, s16;
	s16 =	sadd.s32 $0x200, s16;
	s20 =	sadd.s32 s28, s21  }
0x335: {  	s18 =	sadd.s32 $0x80, s18;
	s30 =	rddreg [dreg:$0xa];
	s20 =	sadd.s32 s31, s20;
	[tilespmem:$0x1A6F0] =	vst v0  }
0x336: {  	[hbm4b:s20+s9] =	stream.strided.scatter [tilespmem:s30], [sflag:$0x3], $0x1000, s10, s9, $0x38;
	[tilespmem:$0x1A700] =	vst v63  }
0x337: {  	s15 =	sadd.s32 $0x1, s15  }
0x338: {  	p0 =	sne.s32 s15, s5  }
.Ltmp1:
0x339: {  	_ = 	snop;
	(pc) =	sbr.rel @p0 .LBB2_1-.Ltmp1, $4  }
0x33a: {  	_ = 	snop  }
0x33b: {  	_ =	swait.ge [sflag:s14], $0x1000  }
0x33c: {  	[sflag:s14] =	ssyncset.done $0x0  }
0x33d: {  	[sflag:s14] =	ssyncadd.s32 $0xFFFFF000  }
0x33e: {  	_ =	sfence.sel $0x180000  }
0x33f: {  	[bflag:$0x0] =	sbarrier.arrive $0xFFFF  }
0x340: {  	p0 =	sne.s32 s0, $0x0;
	_ =	strace $0x90000047  }
0x341: {  	s0 =	sadd.s32 @!p0 $0x100000, s2;
	[bflag:$0x2] =	sbarrier.arrive $0xFFFF  }
0x342: {  	[sflag:s0] =	ssyncadd.tile.s32 @!p0 $0x1;
	_ =	shalt  }
.Lfunc_end2:
_tile_overlayer_lowered:
.L_overlay_start_2:
0x343: {  	(tag) =	ssettag $0x2  }
0x344: {  	s0 =	rddreg [dreg:$0x0];
	s2 =	stileid.u32  }
0x345: {  	s1 =	rddreg [dreg:$0x1];
	p0 =	sne.s32 s2, $0x0  }
0x346: {  	s3 =	rddreg [dreg:$0x2];
	[bflag:$0x3] =	sbarrier.arrive $0xFFFF;
	s2 =	simm.s32 @!p0 $0x1C04  }
0x347: {  	[timem:s3], [sflag:s2] =	dma.local @!p0 [hbm:s0], s1  }
0x348: {  	s0 =	simm.s32 @!p0 $0x4  }
0x349: {  	_ =	swait.ge @!p0 [sflag:s0], s1  }
0x34a: {  	s1 =	ssub.s32 @!p0 $0x0, s1;
	[sflag:s0] =	ssyncset.done @!p0 $0x0  }
0x34b: {  	[sflag:s0] =	ssyncadd.s32 @!p0 s1  }
0x34c: {  	[bflag:$0x3] =	sbarrier.arrive $0xFFFF  }
0x34d: {  	_ =	shalt  }

</sc_bundles>
